<compile_context>
chip_gen: v7x
topology: tpu7x:2x2x1
jax: 0.10.2.dev20260603
libtpu: 0.0.44.dev20260713+nightly
codegen_flags: <defaults>
</compile_context>

<pallas_src>
import functools

import jax
import jax.numpy as jnp
from jax import lax
from jax.experimental import pallas as pl
from jax.experimental.pallas import tpu as pltpu
from jax.experimental.pallas import tpu_sc as plsc

N = 100000
E = 3200000
H = 20
G = 512
NCLS = 2

FH = 16
NC = 2
NS = 16
LB = 128
K = 5
TOTAL_BLOCKS = 25120
BPT = TOTAL_BLOCKS // NS
OUTER = BPT // K
E_PAD = TOTAL_BLOCKS * LB
N_PAD = 100352
RPT = N_PAD // NS

PH = N * FH // LB
PB = 1792
NB = -(-PH // PB)
PAGG = NC * N_PAD * FH // LB
AOFF = N_PAD * FH // LB
BN = 4096
NBP = -(-N // BN)


def _make_sc_agg():
  mesh = plsc.VectorSubcoreMesh(core_axis_name="c", subcore_axis_name="s")

  @functools.partial(
      pl.kernel,
      mesh=mesh,
      compiler_params=pltpu.CompilerParams(use_tc_tiling_on_sc=False),
      out_type=jax.ShapeDtypeStruct((NC * N_PAD, FH), jnp.float32),
      scratch_types=[
          pltpu.VMEM((3, K, LB), jnp.int32),
          pltpu.VMEM((3, K, LB), jnp.int32),
          pltpu.VMEM((2, K, LB, FH), jnp.float32),
          pltpu.VMEM_SHARED((N_PAD, FH), jnp.float32),
          pltpu.SemaphoreType.DMA,
          pltpu.SemaphoreType.DMA,
      ],
  )
  def agg(ha_hbm, hb_hbm, src_hbm, dst_hbm, zr_hbm, out_hbm,
          src_v, dst_v, rows_v, acc_sh, gsem, isem):
    c = lax.axis_index("c")
    s = lax.axis_index("s")
    row0 = s * RPT

    blk0 = s * BPT

    def run_edges(h_hbm):
      def idx_copy(g, q, sem):
        base = blk0 + g * K
        return (
            pltpu.make_async_copy(src_hbm.at[pl.ds(base, K)],
                                  src_v.at[q], sem),
            pltpu.make_async_copy(dst_hbm.at[pl.ds(base, K)],
                                  dst_v.at[q], sem),
        )

      def gather(q, p):
        return [pltpu.make_async_copy(h_hbm.at[src_v.at[q, j]],
                                      rows_v.at[p, j], gsem)
                for j in range(K)]

      for cp in idx_copy(0, 0, isem):
        cp.start()
        cp.wait()
      cps0 = gather(0, 0)
      for cp in cps0:
        cp.start()
      for cp in idx_copy(1, 1, isem):
        cp.start()
      pltpu.sync_copy(zr_hbm, acc_sh.at[pl.ds(row0, RPT)])
      plsc.subcore_barrier()
      for cp in cps0:
        cp.wait()

      def ebody(g, carry):
        p = lax.rem(g, 2)
        pn = 1 - p
        q0 = lax.rem(g, 3)
        q1 = lax.rem(g + 1, 3)
        q2 = lax.rem(g + 2, 3)

        @pl.when(g + 1 < OUTER)
        def _():
          for cp in idx_copy(g + 1, q1, isem):
            cp.wait()
          for cp in gather(q1, pn):
            cp.start()

        @pl.when(g + 2 < OUTER)
        def _():
          for cp in idx_copy(g + 2, q2, isem):
            cp.start()

        for j in range(K):
          pltpu.sync_copy(rows_v.at[p, j], acc_sh.at[dst_v.at[q0, j]],
                          add=True)

        @pl.when(g + 1 < OUTER)
        def _():
          for cp in gather(q1, pn):
            cp.wait()
        return carry
      lax.fori_loop(0, OUTER, ebody, 0)

    @pl.when(c == 0)
    def _():
      run_edges(ha_hbm)

    @pl.when(c == 1)
    def _():
      run_edges(hb_hbm)

    plsc.subcore_barrier()

    pltpu.sync_copy(acc_sh.at[pl.ds(row0, RPT)],
                    out_hbm.at[pl.ds(c * N_PAD + row0, RPT)])

  return agg


def _dense1(ha_p, hb_p, agg_p, kw1, b1r, kw2, b2r):
  def body(ha_ref, hb_ref, a0_ref, a1_ref, kw1_ref, b1_ref, kw2_ref, b2_ref,
           za_ref, zb_ref, st_ref):
    i = pl.program_id(0)
    pa = ha_ref[...] + a0_ref[...]
    pb = hb_ref[...] + a1_ref[...]

    def mm(xa, xb, kw_ref, b_ref):
      ya = (jnp.dot(xa, kw_ref[0], preferred_element_type=jnp.float32)
            + jnp.dot(xb, kw_ref[1], preferred_element_type=jnp.float32)
            + b_ref[0:1])
      yb = (jnp.dot(xa, kw_ref[2], preferred_element_type=jnp.float32)
            + jnp.dot(xb, kw_ref[3], preferred_element_type=jnp.float32)
            + b_ref[1:2])
      return ya, yb

    z1a, z1b = mm(pa, pb, kw1_ref, b1_ref)
    z1a = jnp.maximum(z1a, 0.0)
    z1b = jnp.maximum(z1b, 0.0)
    za, zb = mm(z1a, z1b, kw2_ref, b2_ref)
    za_ref[...] = za
    zb_ref[...] = zb
    valid = (lax.broadcasted_iota(jnp.int32, (PB, 1), 0) + i * PB) < PH
    zam = jnp.where(valid, za, 0.0)
    zbm = jnp.where(valid, zb, 0.0)
    st = jnp.concatenate(
        [jnp.sum(zam, axis=0, keepdims=True),
         jnp.sum(zam * zam, axis=0, keepdims=True),
         jnp.sum(zbm, axis=0, keepdims=True),
         jnp.sum(zbm * zbm, axis=0, keepdims=True),
         jnp.zeros((4, LB), jnp.float32)], axis=0)

    @pl.when(i == 0)
    def _():
      st_ref[...] = st

    @pl.when(i > 0)
    def _():
      st_ref[...] = st_ref[...] + st

  return pl.pallas_call(
      body,
      grid=(NB,),
      in_specs=[
          pl.BlockSpec((PB, LB), lambda i: (i, 0)),
          pl.BlockSpec((PB, LB), lambda i: (i, 0)),
          pl.BlockSpec((PB, LB), lambda i: (i, 0)),
          pl.BlockSpec((PB, LB), lambda i: (AOFF // PB + i, 0)),
          pl.BlockSpec((4, LB, LB), lambda i: (0, 0, 0)),
          pl.BlockSpec((2, LB), lambda i: (0, 0)),
          pl.BlockSpec((4, LB, LB), lambda i: (0, 0, 0)),
          pl.BlockSpec((2, LB), lambda i: (0, 0)),
      ],
      out_specs=[
          pl.BlockSpec((PB, LB), lambda i: (i, 0)),
          pl.BlockSpec((PB, LB), lambda i: (i, 0)),
          pl.BlockSpec((8, LB), lambda i: (0, 0)),
      ],
      out_shape=[
          jax.ShapeDtypeStruct((PH, LB), jnp.float32),
          jax.ShapeDtypeStruct((PH, LB), jnp.float32),
          jax.ShapeDtypeStruct((8, LB), jnp.float32),
      ],
  )(ha_p, hb_p, agg_p, agg_p, kw1, b1r, kw2, b2r)


def _fold(row):
  t = row[:, 0:16]
  for k in range(1, 8):
    t = t + row[:, 16 * k:16 * k + 16]
  return jnp.concatenate([t] * 8, axis=1)


def _bn_relu(za_p, zb_p, st, gr, br):
  def body(za_ref, zb_ref, st_ref, g_ref, b_ref, ha_ref, hb_ref):
    n_inv = 1.0 / N
    mua = _fold(st_ref[0:1]) * n_inv
    ex2a = _fold(st_ref[1:2]) * n_inv
    mub = _fold(st_ref[2:3]) * n_inv
    ex2b = _fold(st_ref[3:4]) * n_inv
    inva = lax.rsqrt(ex2a - mua * mua + 1e-5)
    invb = lax.rsqrt(ex2b - mub * mub + 1e-5)
    ha_ref[...] = jnp.maximum(
        g_ref[0:1] * (za_ref[...] - mua) * inva + b_ref[0:1], 0.0)
    hb_ref[...] = jnp.maximum(
        g_ref[1:2] * (zb_ref[...] - mub) * invb + b_ref[1:2], 0.0)

  return pl.pallas_call(
      body,
      grid=(NB,),
      in_specs=[
          pl.BlockSpec((PB, LB), lambda i: (i, 0)),
          pl.BlockSpec((PB, LB), lambda i: (i, 0)),
          pl.BlockSpec((8, LB), lambda i: (0, 0)),
          pl.BlockSpec((2, LB), lambda i: (0, 0)),
          pl.BlockSpec((2, LB), lambda i: (0, 0)),
      ],
      out_specs=[
          pl.BlockSpec((PB, LB), lambda i: (i, 0)),
          pl.BlockSpec((PB, LB), lambda i: (i, 0)),
      ],
      out_shape=[
          jax.ShapeDtypeStruct((PH, LB), jnp.float32),
          jax.ShapeDtypeStruct((PH, LB), jnp.float32),
      ],
  )(za_p, zb_p, st, gr, br)


def _pool(h2, batch3d):
  def body(h_ref, bat_ref, gs_ref):
    i = pl.program_id(0)
    valid = (lax.broadcasted_iota(jnp.int32, (BN, 1), 0) + i * BN) < N
    hnm = jnp.where(valid, h_ref[...], 0.0)
    bid = bat_ref[0, 0, :]
    oh = (lax.broadcasted_iota(jnp.int32, (G, BN), 0)
          == bid[None, :]).astype(jnp.bfloat16)
    p = jnp.dot(oh, hnm.astype(jnp.bfloat16),
                preferred_element_type=jnp.float32)

    @pl.when(i == 0)
    def _():
      gs_ref[...] = p

    @pl.when(i > 0)
    def _():
      gs_ref[...] = gs_ref[...] + p

  return pl.pallas_call(
      body,
      grid=(NBP,),
      in_specs=[
          pl.BlockSpec((BN, H), lambda i: (i, 0)),
          pl.BlockSpec((1, 1, BN), lambda i: (i, 0, 0)),
      ],
      out_specs=pl.BlockSpec((G, H), lambda i: (0, 0)),
      out_shape=jax.ShapeDtypeStruct((G, H), jnp.float32),
  )(h2, batch3d)


def _fc(gsum, fcw, fcb):
  def body(g_ref, w_ref, b_ref, o_ref):
    o_ref[...] = (jnp.dot(g_ref[...], w_ref[...],
                          preferred_element_type=jnp.float32) + b_ref[...])

  return pl.pallas_call(
      body,
      out_shape=jax.ShapeDtypeStruct((G, NCLS), jnp.float32),
  )(gsum, fcw, fcb)


def kernel(x, edge_index, batch, params):
  src = edge_index[0]
  dst = edge_index[1]
  npad = E_PAD - E
  pad_src = jnp.arange(npad, dtype=jnp.int32) % LB
  pad_dst = N + jnp.arange(npad, dtype=jnp.int32) % (N_PAD - N)
  src2d = jnp.concatenate([src, pad_src]).reshape(TOTAL_BLOCKS, LB)
  dst2d = jnp.concatenate([dst, pad_dst]).reshape(TOTAL_BLOCKS, LB)

  xa_p = jnp.concatenate(
      [x, jnp.zeros((N, FH - 7), jnp.float32)], axis=1).reshape(PH, LB)
  xb_p = jnp.zeros((PH, LB), jnp.float32)
  zfill = jnp.zeros((RPT, FH), jnp.float32)
  batch3d = jnp.concatenate(
      [batch, jnp.zeros((NBP * BN - N,), batch.dtype)]).reshape(
          NBP, 1, BN).astype(jnp.int32)

  eye8 = jnp.eye(8, dtype=jnp.float32)

  def halves(w):
    waa = w[:FH, :FH]
    wba = jnp.zeros((FH, FH), jnp.float32).at[:H - FH, :].set(w[FH:, :FH])
    wab = jnp.zeros((FH, FH), jnp.float32).at[:, :H - FH].set(w[:FH, FH:])
    wbb = jnp.zeros((FH, FH), jnp.float32).at[:H - FH, :H - FH].set(
        w[FH:, FH:])
    return jnp.stack([jnp.kron(eye8, m) for m in (waa, wba, wab, wbb)])

  def btile(b):
    ba = jnp.tile(b[:FH], 8)
    bb = jnp.tile(jnp.concatenate([b[FH:], jnp.zeros((2 * FH - H,),
                                                     jnp.float32)]), 8)
    return jnp.stack([ba, bb])

  w1p0 = jnp.concatenate(
      [params['W1_0'], jnp.zeros((H - 7, H), jnp.float32)], axis=0)
  kw1s = jnp.stack([halves(w1p0), halves(params['W1_1']),
                    halves(params['W1_2'])])
  kw2s = jnp.stack([halves(params[f'W2_{i}']) for i in range(3)])
  b1s = jnp.stack([btile(params[f'b1_{i}']) for i in range(3)])
  b2s = jnp.stack([btile(params[f'b2_{i}']) for i in range(3)])
  gms = jnp.stack([btile(params[f'bn_gamma_{i}']) for i in range(3)])
  bts = jnp.stack([btile(params[f'bn_beta_{i}']) for i in range(3)])

  agg = _make_sc_agg()

  def layer(h, ws):
    ha_p, hb_p = h
    kw1, b1r, kw2, b2r, gr, br = ws
    a = agg(ha_p.reshape(N, FH), hb_p.reshape(N, FH), src2d, dst2d, zfill)
    za_p, zb_p, st = _dense1(ha_p, hb_p, a.reshape(PAGG, LB),
                             kw1, b1r, kw2, b2r)
    return _bn_relu(za_p, zb_p, st, gr, br), None

  (ha2, hb2), _ = lax.scan(layer, (xa_p, xb_p), (kw1s, b1s, kw2s, b2s,
                                                 gms, bts))

  h2 = jnp.concatenate([ha2.reshape(N, FH),
                        hb2.reshape(N, FH)[:, :H - FH]], axis=1)
  gsum = _pool(h2, batch3d)
  out = _fc(gsum, params['fc_W'], params['fc_b'].reshape(1, NCLS))
  return (out, h2, gsum)

# --- scband reference (transcript-rebuilt; emitter-appended) ---
"""Pipeline reference for scband-gin-mutag-66116726554993 (READ-ONLY COPY).

The authoritative reference and input builder live on the scoring server;
editing this copy changes nothing except your own understanding.
"""

import jax, jax.numpy as jnp
import numpy as np

N = 100000
E = 3200000
F_IN = 7
H = 20
G = 512
NUM_CLASSES = 2


def setup_inputs(seed: int = 0) -> dict:
    key = jax.random.key(seed)
    ks = jax.random.split(key, 20)
    x = jax.random.normal(ks[0], (N, F_IN), dtype=jnp.float32)
    edge_index = jax.random.randint(ks[1], (2, E), 0, N, dtype=jnp.int32)
    batch = jnp.sort(jax.random.randint(ks[2], (N,), 0, G, dtype=jnp.int32))
    params = {}
    dims = [(F_IN, H), (H, H), (H, H)]
    ki = 3
    for i, (din, dout) in enumerate(dims):
        params[f'W1_{i}'] = jax.random.normal(ks[ki], (din, dout), dtype=jnp.float32) * 0.1; ki += 1
        params[f'b1_{i}'] = jnp.zeros((dout,), dtype=jnp.float32)
        params[f'W2_{i}'] = jax.random.normal(ks[ki], (dout, dout), dtype=jnp.float32) * 0.1; ki += 1
        params[f'b2_{i}'] = jnp.zeros((dout,), dtype=jnp.float32)
        params[f'bn_gamma_{i}'] = jnp.ones((dout,), dtype=jnp.float32)
        params[f'bn_beta_{i}'] = jnp.zeros((dout,), dtype=jnp.float32)
    params['fc_W'] = jax.random.normal(ks[ki], (H, NUM_CLASSES), dtype=jnp.float32) * 0.1
    params['fc_b'] = jnp.zeros((NUM_CLASSES,), dtype=jnp.float32)
    return {'x': x, 'edge_index': edge_index, 'batch': batch, 'params': params}


def _gin_conv(h, src, dst, W1, b1, W2, b2):
    # GIN aggregation: (1 + eps) * x + sum_{j in N(i)} x_j, eps = 0
    msgs = jnp.take(h, src, axis=0)
    agg = jax.ops.segment_sum(msgs, dst, num_segments=h.shape[0])
    z = h + agg
    z = z @ W1 + b1
    z = jax.nn.relu(z)
    z = z @ W2 + b2
    return z


def _batchnorm(h, gamma, beta):
    mu = jnp.mean(h, axis=0)
    var = jnp.var(h, axis=0)
    return gamma * (h - mu) / jnp.sqrt(var + 1e-5) + beta


def reference(x, edge_index, batch, params):
    src = edge_index[0]
    dst = edge_index[1]
    h = x
    for i in range(3):
        h = _gin_conv(h, src, dst, params[f'W1_{i}'], params[f'b1_{i}'],
                      params[f'W2_{i}'], params[f'b2_{i}'])
        h = _batchnorm(h, params[f'bn_gamma_{i}'], params[f'bn_beta_{i}'])
        h = jax.nn.relu(h)
        # dropout p=0: identity
    node_embs = h
    graph_emb = jax.ops.segment_sum(node_embs, batch, num_segments=G)  # global_add_pool
    out = graph_emb @ params['fc_W'] + params['fc_b']
    return (out, node_embs, graph_emb)

if __name__ == "__main__":
    import jax
    _d = setup_inputs()
    print(jax.jit(kernel)(*tuple(_d.values())))

</pallas_src>

<mosaic_0001>
#map = affine_map<(d0, d1) -> (0, 0)>
module attributes {stable_mosaic.version = 14 : i64} {
  func.func @agg(%arg0: i32, %arg1: i32, %arg2: memref<100000x16xf32, #tpu.memory_space<hbm>>, %arg3: memref<100000x16xf32, #tpu.memory_space<hbm>>, %arg4: memref<25120x128xi32, #tpu.memory_space<hbm>>, %arg5: memref<25120x128xi32, #tpu.memory_space<hbm>>, %arg6: memref<6272x16xf32, #tpu.memory_space<hbm>>, %arg7: memref<200704x16xf32, #tpu.memory_space<hbm>>, %arg8: memref<3x5x128xi32, #tpu.memory_space<vmem>>, %arg9: memref<3x5x128xi32, #tpu.memory_space<vmem>>, %arg10: memref<2x5x128x16xf32, #tpu.memory_space<vmem>>, %arg11: memref<100352x16xf32, #tpu.memory_space<vmem_shared>>, %arg12: memref<!tpu.dma_semaphore, #tpu.memory_space<semaphore_mem>>, %arg13: memref<!tpu.dma_semaphore, #tpu.memory_space<semaphore_mem>>) attributes {dimension_semantics = [#tpu.dimension_semantics<core_parallel>, #tpu.dimension_semantics<subcore_parallel>], iteration_bounds = array<i64: 2, 16>, scalar_prefetch = 0 : i64, scratch_operands = 6 : i64, tpu.core_type = #tpu.core_type<sc_vector_subcore>, window_params = [{transform_indices = #map}, {transform_indices = #map}, {transform_indices = #map}, {transform_indices = #map}, {transform_indices = #map}, {transform_indices = #map}]} {
    %mul3A = arith.constant 6272 : i32
    %mul3A_0 = arith.muli %arg1, %mul3A : i32
    %mul3A_1 = arith.constant 1570 : i32
    %mul3A_2 = arith.muli %arg1, %mul3A_1 : i32
    %eq3A = arith.constant 0 : i32
    %eq3A_3 = arith.cmpi eq, %arg0, %eq3A : i32
    %convert_element_type3A = arith.extui %eq3A_3 : i1 to i32
    %cond3A = arith.constant 0 : i32
    %cond3A_4 = arith.cmpi ne, %convert_element_type3A, %cond3A : i32
    scf.if %cond3A_4 {
      %add3A_12 = arith.constant 0 : i32
      %add3A_13 = arith.addi %mul3A_2, %add3A_12 : i32
      %dma_start3A = arith.constant 0 : i32
      %dma_start3A_14 = arith.constant 0 : i32
      %dma_start3A_15 = arith.constant 0 : i32
      %dma_start3A_16 = tpu.memref_slice %arg8[%dma_start3A, %dma_start3A_14, %dma_start3A_15] : memref<3x5x128xi32, #tpu.memory_space<vmem>> -> memref<1x5x128xi32, #tpu.memory_space<vmem>>
      %dma_start3A_17 = tpu.memref_squeeze %dma_start3A_16 : memref<1x5x128xi32, #tpu.memory_space<vmem>> -> memref<5x128xi32, #tpu.memory_space<vmem>>
      %dma_start3A_18 = arith.constant 0 : i32
      %dma_start3A_19 = tpu.memref_slice %arg4[%add3A_13, %dma_start3A_18] : memref<25120x128xi32, #tpu.memory_space<hbm>> -> memref<5x128xi32, #tpu.memory_space<hbm>>
      %dma_start3A_20 = arith.constant 0 : i32
      %dma_start3A_21 = arith.constant 0 : i32
      %dma_start3A_22 = tpu.memref_slice %arg8[%dma_start3A, %dma_start3A_20, %dma_start3A_21] : memref<3x5x128xi32, #tpu.memory_space<vmem>> -> memref<1x5x128xi32, #tpu.memory_space<vmem>>
      %dma_start3A_23 = tpu.memref_squeeze %dma_start3A_22 : memref<1x5x128xi32, #tpu.memory_space<vmem>> -> memref<5x128xi32, #tpu.memory_space<vmem>>
      %dma_start3A_24 = arith.constant 0 : i32
      %dma_start3A_25 = tpu.memref_slice %arg4[%add3A_13, %dma_start3A_24] : memref<25120x128xi32, #tpu.memory_space<hbm>> -> memref<5x128xi32, #tpu.memory_space<hbm>>
      tpu.enqueue_dma source(%dma_start3A_25 : memref<5x128xi32, #tpu.memory_space<hbm>>) target(%dma_start3A_23 : memref<5x128xi32, #tpu.memory_space<vmem>>) target_semaphore(%arg13 : memref<!tpu.dma_semaphore, #tpu.memory_space<semaphore_mem>>)
      %dma_wait3A = arith.constant 0 : i32
      %dma_wait3A_26 = arith.constant 0 : i32
      %dma_wait3A_27 = arith.constant 0 : i32
      %dma_wait3A_28 = tpu.memref_slice %arg8[%dma_wait3A, %dma_wait3A_26, %dma_wait3A_27] : memref<3x5x128xi32, #tpu.memory_space<vmem>> -> memref<1x5x128xi32, #tpu.memory_space<vmem>>
      %dma_wait3A_29 = tpu.memref_squeeze %dma_wait3A_28 : memref<1x5x128xi32, #tpu.memory_space<vmem>> -> memref<5x128xi32, #tpu.memory_space<vmem>>
      %dma_wait3A_30 = arith.constant 0 : i32
      %dma_wait3A_31 = tpu.memref_slice %arg4[%add3A_13, %dma_wait3A_30] : memref<25120x128xi32, #tpu.memory_space<hbm>> -> memref<5x128xi32, #tpu.memory_space<hbm>>
      %dma_wait3A_32 = arith.constant 0 : i32
      %dma_wait3A_33 = arith.constant 0 : i32
      %dma_wait3A_34 = tpu.memref_slice %arg8[%dma_wait3A, %dma_wait3A_32, %dma_wait3A_33] : memref<3x5x128xi32, #tpu.memory_space<vmem>> -> memref<1x5x128xi32, #tpu.memory_space<vmem>>
      %dma_wait3A_35 = tpu.memref_squeeze %dma_wait3A_34 : memref<1x5x128xi32, #tpu.memory_space<vmem>> -> memref<5x128xi32, #tpu.memory_space<vmem>>
      %dma_wait3A_36 = arith.constant 0 : i32
      %dma_wait3A_37 = tpu.memref_slice %arg4[%add3A_13, %dma_wait3A_36] : memref<25120x128xi32, #tpu.memory_space<hbm>> -> memref<5x128xi32, #tpu.memory_space<hbm>>
      tpu.wait_dma2 semaphore(%arg13 : memref<!tpu.dma_semaphore, #tpu.memory_space<semaphore_mem>>) src(%dma_wait3A_37 : memref<5x128xi32, #tpu.memory_space<hbm>>) dst(%dma_wait3A_35 : memref<5x128xi32, #tpu.memory_space<vmem>>)
      %dma_start3A_38 = arith.constant 0 : i32
      %dma_start3A_39 = arith.constant 0 : i32
      %dma_start3A_40 = arith.constant 0 : i32
      %dma_start3A_41 = tpu.memref_slice %arg9[%dma_start3A_38, %dma_start3A_39, %dma_start3A_40] : memref<3x5x128xi32, #tpu.memory_space<vmem>> -> memref<1x5x128xi32, #tpu.memory_space<vmem>>
      %dma_start3A_42 = tpu.memref_squeeze %dma_start3A_41 : memref<1x5x128xi32, #tpu.memory_space<vmem>> -> memref<5x128xi32, #tpu.memory_space<vmem>>
      %dma_start3A_43 = arith.constant 0 : i32
      %dma_start3A_44 = tpu.memref_slice %arg5[%add3A_13, %dma_start3A_43] : memref<25120x128xi32, #tpu.memory_space<hbm>> -> memref<5x128xi32, #tpu.memory_space<hbm>>
      %dma_start3A_45 = arith.constant 0 : i32
      %dma_start3A_46 = arith.constant 0 : i32
      %dma_start3A_47 = tpu.memref_slice %arg9[%dma_start3A_38, %dma_start3A_45, %dma_start3A_46] : memref<3x5x128xi32, #tpu.memory_space<vmem>> -> memref<1x5x128xi32, #tpu.memory_space<vmem>>
      %dma_start3A_48 = tpu.memref_squeeze %dma_start3A_47 : memref<1x5x128xi32, #tpu.memory_space<vmem>> -> memref<5x128xi32, #tpu.memory_space<vmem>>
      %dma_start3A_49 = arith.constant 0 : i32
      %dma_start3A_50 = tpu.memref_slice %arg5[%add3A_13, %dma_start3A_49] : memref<25120x128xi32, #tpu.memory_space<hbm>> -> memref<5x128xi32, #tpu.memory_space<hbm>>
      tpu.enqueue_dma source(%dma_start3A_50 : memref<5x128xi32, #tpu.memory_space<hbm>>) target(%dma_start3A_48 : memref<5x128xi32, #tpu.memory_space<vmem>>) target_semaphore(%arg13 : memref<!tpu.dma_semaphore, #tpu.memory_space<semaphore_mem>>)
      %dma_wait3A_51 = arith.constant 0 : i32
      %dma_wait3A_52 = arith.constant 0 : i32
      %dma_wait3A_53 = arith.constant 0 : i32
      %dma_wait3A_54 = tpu.memref_slice %arg9[%dma_wait3A_51, %dma_wait3A_52, %dma_wait3A_53] : memref<3x5x128xi32, #tpu.memory_space<vmem>> -> memref<1x5x128xi32, #tpu.memory_space<vmem>>
      %dma_wait3A_55 = tpu.memref_squeeze %dma_wait3A_54 : memref<1x5x128xi32, #tpu.memory_space<vmem>> -> memref<5x128xi32, #tpu.memory_space<vmem>>
      %dma_wait3A_56 = arith.constant 0 : i32
      %dma_wait3A_57 = tpu.memref_slice %arg5[%add3A_13, %dma_wait3A_56] : memref<25120x128xi32, #tpu.memory_space<hbm>> -> memref<5x128xi32, #tpu.memory_space<hbm>>
      %dma_wait3A_58 = arith.constant 0 : i32
      %dma_wait3A_59 = arith.constant 0 : i32
      %dma_wait3A_60 = tpu.memref_slice %arg9[%dma_wait3A_51, %dma_wait3A_58, %dma_wait3A_59] : memref<3x5x128xi32, #tpu.memory_space<vmem>> -> memref<1x5x128xi32, #tpu.memory_space<vmem>>
      %dma_wait3A_61 = tpu.memref_squeeze %dma_wait3A_60 : memref<1x5x128xi32, #tpu.memory_space<vmem>> -> memref<5x128xi32, #tpu.memory_space<vmem>>
      %dma_wait3A_62 = arith.constant 0 : i32
      %dma_wait3A_63 = tpu.memref_slice %arg5[%add3A_13, %dma_wait3A_62] : memref<25120x128xi32, #tpu.memory_space<hbm>> -> memref<5x128xi32, #tpu.memory_space<hbm>>
      tpu.wait_dma2 semaphore(%arg13 : memref<!tpu.dma_semaphore, #tpu.memory_space<semaphore_mem>>) src(%dma_wait3A_63 : memref<5x128xi32, #tpu.memory_space<hbm>>) dst(%dma_wait3A_61 : memref<5x128xi32, #tpu.memory_space<vmem>>)
      %dma_start3A_64 = arith.constant 0 : i32
      %dma_start3A_65 = arith.constant 0 : i32
      %dma_start3A_66 = arith.constant 0 : i32
      %dma_start3A_67 = arith.constant 0 : i32
      %dma_start3A_68 = arith.constant 0 : i32
      %dma_start3A_69 = arith.constant 0 : i32
      %dma_start3A_70 = tpu.memref_slice %arg10[%dma_start3A_66, %dma_start3A_67, %dma_start3A_68, %dma_start3A_69] : memref<2x5x128x16xf32, #tpu.memory_space<vmem>> -> memref<1x1x128x16xf32, #tpu.memory_space<vmem>>
      %dma_start3A_71 = tpu.memref_squeeze %dma_start3A_70 : memref<1x1x128x16xf32, #tpu.memory_space<vmem>> -> memref<128x16xf32, #tpu.memory_space<vmem>>
      %dma_start3A_72 = arith.constant 0 : i32
      %dma_start3A_73 = tpu.memref_slice %arg8[%dma_start3A_64, %dma_start3A_65, %dma_start3A_72] : memref<3x5x128xi32, #tpu.memory_space<vmem>> -> memref<1x1x128xi32, #tpu.memory_space<vmem>>
      %dma_start3A_74 = tpu.memref_squeeze %dma_start3A_73 : memref<1x1x128xi32, #tpu.memory_space<vmem>> -> memref<128xi32, #tpu.memory_space<vmem>>
      %dma_start3A_75 = arith.constant 0 : i32
      %dma_start3A_76 = arith.constant 0 : i32
      %dma_start3A_77 = tpu.memref_slice %arg2[%dma_start3A_75, %dma_start3A_76] : memref<100000x16xf32, #tpu.memory_space<hbm>> -> memref<100000x16xf32, #tpu.memory_space<hbm>>
      tpu.enqueue_indirect_dma source(%dma_start3A_77 : memref<100000x16xf32, #tpu.memory_space<hbm>>) target(%dma_start3A_71 : memref<128x16xf32, #tpu.memory_space<vmem>>) offsets(%dma_start3A_74 : memref<128xi32, #tpu.memory_space<vmem>>) semaphore(%arg12 : memref<!tpu.dma_semaphore, #tpu.memory_space<semaphore_mem>>)
      %dma_start3A_78 = arith.constant 0 : i32
      %dma_start3A_79 = arith.constant 1 : i32
      %dma_start3A_80 = arith.constant 0 : i32
      %dma_start3A_81 = arith.constant 1 : i32
      %dma_start3A_82 = arith.constant 0 : i32
      %dma_start3A_83 = arith.constant 0 : i32
      %dma_start3A_84 = tpu.memref_slice %arg10[%dma_start3A_80, %dma_start3A_81, %dma_start3A_82, %dma_start3A_83] : memref<2x5x128x16xf32, #tpu.memory_space<vmem>> -> memref<1x1x128x16xf32, #tpu.memory_space<vmem>>
      %dma_start3A_85 = tpu.memref_squeeze %dma_start3A_84 : memref<1x1x128x16xf32, #tpu.memory_space<vmem>> -> memref<128x16xf32, #tpu.memory_space<vmem>>
      %dma_start3A_86 = arith.constant 0 : i32
      %dma_start3A_87 = tpu.memref_slice %arg8[%dma_start3A_78, %dma_start3A_79, %dma_start3A_86] : memref<3x5x128xi32, #tpu.memory_space<vmem>> -> memref<1x1x128xi32, #tpu.memory_space<vmem>>
      %dma_start3A_88 = tpu.memref_squeeze %dma_start3A_87 : memref<1x1x128xi32, #tpu.memory_space<vmem>> -> memref<128xi32, #tpu.memory_space<vmem>>
      %dma_start3A_89 = arith.constant 0 : i32
      %dma_start3A_90 = arith.constant 0 : i32
      %dma_start3A_91 = tpu.memref_slice %arg2[%dma_start3A_89, %dma_start3A_90] : memref<100000x16xf32, #tpu.memory_space<hbm>> -> memref<100000x16xf32, #tpu.memory_space<hbm>>
      tpu.enqueue_indirect_dma source(%dma_start3A_91 : memref<100000x16xf32, #tpu.memory_space<hbm>>) target(%dma_start3A_85 : memref<128x16xf32, #tpu.memory_space<vmem>>) offsets(%dma_start3A_88 : memref<128xi32, #tpu.memory_space<vmem>>) semaphore(%arg12 : memref<!tpu.dma_semaphore, #tpu.memory_space<semaphore_mem>>)
      %dma_start3A_92 = arith.constant 0 : i32
      %dma_start3A_93 = arith.constant 2 : i32
      %dma_start3A_94 = arith.constant 0 : i32
      %dma_start3A_95 = arith.constant 2 : i32
      %dma_start3A_96 = arith.constant 0 : i32
      %dma_start3A_97 = arith.constant 0 : i32
      %dma_start3A_98 = tpu.memref_slice %arg10[%dma_start3A_94, %dma_start3A_95, %dma_start3A_96, %dma_start3A_97] : memref<2x5x128x16xf32, #tpu.memory_space<vmem>> -> memref<1x1x128x16xf32, #tpu.memory_space<vmem>>
      %dma_start3A_99 = tpu.memref_squeeze %dma_start3A_98 : memref<1x1x128x16xf32, #tpu.memory_space<vmem>> -> memref<128x16xf32, #tpu.memory_space<vmem>>
      %dma_start3A_100 = arith.constant 0 : i32
      %dma_start3A_101 = tpu.memref_slice %arg8[%dma_start3A_92, %dma_start3A_93, %dma_start3A_100] : memref<3x5x128xi32, #tpu.memory_space<vmem>> -> memref<1x1x128xi32, #tpu.memory_space<vmem>>
      %dma_start3A_102 = tpu.memref_squeeze %dma_start3A_101 : memref<1x1x128xi32, #tpu.memory_space<vmem>> -> memref<128xi32, #tpu.memory_space<vmem>>
      %dma_start3A_103 = arith.constant 0 : i32
      %dma_start3A_104 = arith.constant 0 : i32
      %dma_start3A_105 = tpu.memref_slice %arg2[%dma_start3A_103, %dma_start3A_104] : memref<100000x16xf32, #tpu.memory_space<hbm>> -> memref<100000x16xf32, #tpu.memory_space<hbm>>
      tpu.enqueue_indirect_dma source(%dma_start3A_105 : memref<100000x16xf32, #tpu.memory_space<hbm>>) target(%dma_start3A_99 : memref<128x16xf32, #tpu.memory_space<vmem>>) offsets(%dma_start3A_102 : memref<128xi32, #tpu.memory_space<vmem>>) semaphore(%arg12 : memref<!tpu.dma_semaphore, #tpu.memory_space<semaphore_mem>>)
      %dma_start3A_106 = arith.constant 0 : i32
      %dma_start3A_107 = arith.constant 3 : i32
      %dma_start3A_108 = arith.constant 0 : i32
      %dma_start3A_109 = arith.constant 3 : i32
      %dma_start3A_110 = arith.constant 0 : i32
      %dma_start3A_111 = arith.constant 0 : i32
      %dma_start3A_112 = tpu.memref_slice %arg10[%dma_start3A_108, %dma_start3A_109, %dma_start3A_110, %dma_start3A_111] : memref<2x5x128x16xf32, #tpu.memory_space<vmem>> -> memref<1x1x128x16xf32, #tpu.memory_space<vmem>>
      %dma_start3A_113 = tpu.memref_squeeze %dma_start3A_112 : memref<1x1x128x16xf32, #tpu.memory_space<vmem>> -> memref<128x16xf32, #tpu.memory_space<vmem>>
      %dma_start3A_114 = arith.constant 0 : i32
      %dma_start3A_115 = tpu.memref_slice %arg8[%dma_start3A_106, %dma_start3A_107, %dma_start3A_114] : memref<3x5x128xi32, #tpu.memory_space<vmem>> -> memref<1x1x128xi32, #tpu.memory_space<vmem>>
      %dma_start3A_116 = tpu.memref_squeeze %dma_start3A_115 : memref<1x1x128xi32, #tpu.memory_space<vmem>> -> memref<128xi32, #tpu.memory_space<vmem>>
      %dma_start3A_117 = arith.constant 0 : i32
      %dma_start3A_118 = arith.constant 0 : i32
      %dma_start3A_119 = tpu.memref_slice %arg2[%dma_start3A_117, %dma_start3A_118] : memref<100000x16xf32, #tpu.memory_space<hbm>> -> memref<100000x16xf32, #tpu.memory_space<hbm>>
      tpu.enqueue_indirect_dma source(%dma_start3A_119 : memref<100000x16xf32, #tpu.memory_space<hbm>>) target(%dma_start3A_113 : memref<128x16xf32, #tpu.memory_space<vmem>>) offsets(%dma_start3A_116 : memref<128xi32, #tpu.memory_space<vmem>>) semaphore(%arg12 : memref<!tpu.dma_semaphore, #tpu.memory_space<semaphore_mem>>)
      %dma_start3A_120 = arith.constant 0 : i32
      %dma_start3A_121 = arith.constant 4 : i32
      %dma_start3A_122 = arith.constant 0 : i32
      %dma_start3A_123 = arith.constant 4 : i32
      %dma_start3A_124 = arith.constant 0 : i32
      %dma_start3A_125 = arith.constant 0 : i32
      %dma_start3A_126 = tpu.memref_slice %arg10[%dma_start3A_122, %dma_start3A_123, %dma_start3A_124, %dma_start3A_125] : memref<2x5x128x16xf32, #tpu.memory_space<vmem>> -> memref<1x1x128x16xf32, #tpu.memory_space<vmem>>
      %dma_start3A_127 = tpu.memref_squeeze %dma_start3A_126 : memref<1x1x128x16xf32, #tpu.memory_space<vmem>> -> memref<128x16xf32, #tpu.memory_space<vmem>>
      %dma_start3A_128 = arith.constant 0 : i32
      %dma_start3A_129 = tpu.memref_slice %arg8[%dma_start3A_120, %dma_start3A_121, %dma_start3A_128] : memref<3x5x128xi32, #tpu.memory_space<vmem>> -> memref<1x1x128xi32, #tpu.memory_space<vmem>>
      %dma_start3A_130 = tpu.memref_squeeze %dma_start3A_129 : memref<1x1x128xi32, #tpu.memory_space<vmem>> -> memref<128xi32, #tpu.memory_space<vmem>>
      %dma_start3A_131 = arith.constant 0 : i32
      %dma_start3A_132 = arith.constant 0 : i32
      %dma_start3A_133 = tpu.memref_slice %arg2[%dma_start3A_131, %dma_start3A_132] : memref<100000x16xf32, #tpu.memory_space<hbm>> -> memref<100000x16xf32, #tpu.memory_space<hbm>>
      tpu.enqueue_indirect_dma source(%dma_start3A_133 : memref<100000x16xf32, #tpu.memory_space<hbm>>) target(%dma_start3A_127 : memref<128x16xf32, #tpu.memory_space<vmem>>) offsets(%dma_start3A_130 : memref<128xi32, #tpu.memory_space<vmem>>) semaphore(%arg12 : memref<!tpu.dma_semaphore, #tpu.memory_space<semaphore_mem>>)
      %add3A_134 = arith.constant 5 : i32
      %add3A_135 = arith.addi %mul3A_2, %add3A_134 : i32
      %dma_start3A_136 = arith.constant 1 : i32
      %dma_start3A_137 = arith.constant 0 : i32
      %dma_start3A_138 = arith.constant 0 : i32
      %dma_start3A_139 = tpu.memref_slice %arg8[%dma_start3A_136, %dma_start3A_137, %dma_start3A_138] : memref<3x5x128xi32, #tpu.memory_space<vmem>> -> memref<1x5x128xi32, #tpu.memory_space<vmem>>
      %dma_start3A_140 = tpu.memref_squeeze %dma_start3A_139 : memref<1x5x128xi32, #tpu.memory_space<vmem>> -> memref<5x128xi32, #tpu.memory_space<vmem>>
      %dma_start3A_141 = arith.constant 0 : i32
      %dma_start3A_142 = tpu.memref_slice %arg4[%add3A_135, %dma_start3A_141] : memref<25120x128xi32, #tpu.memory_space<hbm>> -> memref<5x128xi32, #tpu.memory_space<hbm>>
      %dma_start3A_143 = arith.constant 0 : i32
      %dma_start3A_144 = arith.constant 0 : i32
      %dma_start3A_145 = tpu.memref_slice %arg8[%dma_start3A_136, %dma_start3A_143, %dma_start3A_144] : memref<3x5x128xi32, #tpu.memory_space<vmem>> -> memref<1x5x128xi32, #tpu.memory_space<vmem>>
      %dma_start3A_146 = tpu.memref_squeeze %dma_start3A_145 : memref<1x5x128xi32, #tpu.memory_space<vmem>> -> memref<5x128xi32, #tpu.memory_space<vmem>>
      %dma_start3A_147 = arith.constant 0 : i32
      %dma_start3A_148 = tpu.memref_slice %arg4[%add3A_135, %dma_start3A_147] : memref<25120x128xi32, #tpu.memory_space<hbm>> -> memref<5x128xi32, #tpu.memory_space<hbm>>
      tpu.enqueue_dma source(%dma_start3A_148 : memref<5x128xi32, #tpu.memory_space<hbm>>) target(%dma_start3A_146 : memref<5x128xi32, #tpu.memory_space<vmem>>) target_semaphore(%arg13 : memref<!tpu.dma_semaphore, #tpu.memory_space<semaphore_mem>>)
      %dma_start3A_149 = arith.constant 1 : i32
      %dma_start3A_150 = arith.constant 0 : i32
      %dma_start3A_151 = arith.constant 0 : i32
      %dma_start3A_152 = tpu.memref_slice %arg9[%dma_start3A_149, %dma_start3A_150, %dma_start3A_151] : memref<3x5x128xi32, #tpu.memory_space<vmem>> -> memref<1x5x128xi32, #tpu.memory_space<vmem>>
      %dma_start3A_153 = tpu.memref_squeeze %dma_start3A_152 : memref<1x5x128xi32, #tpu.memory_space<vmem>> -> memref<5x128xi32, #tpu.memory_space<vmem>>
      %dma_start3A_154 = arith.constant 0 : i32
      %dma_start3A_155 = tpu.memref_slice %arg5[%add3A_135, %dma_start3A_154] : memref<25120x128xi32, #tpu.memory_space<hbm>> -> memref<5x128xi32, #tpu.memory_space<hbm>>
      %dma_start3A_156 = arith.constant 0 : i32
      %dma_start3A_157 = arith.constant 0 : i32
      %dma_start3A_158 = tpu.memref_slice %arg9[%dma_start3A_149, %dma_start3A_156, %dma_start3A_157] : memref<3x5x128xi32, #tpu.memory_space<vmem>> -> memref<1x5x128xi32, #tpu.memory_space<vmem>>
      %dma_start3A_159 = tpu.memref_squeeze %dma_start3A_158 : memref<1x5x128xi32, #tpu.memory_space<vmem>> -> memref<5x128xi32, #tpu.memory_space<vmem>>
      %dma_start3A_160 = arith.constant 0 : i32
      %dma_start3A_161 = tpu.memref_slice %arg5[%add3A_135, %dma_start3A_160] : memref<25120x128xi32, #tpu.memory_space<hbm>> -> memref<5x128xi32, #tpu.memory_space<hbm>>
      tpu.enqueue_dma source(%dma_start3A_161 : memref<5x128xi32, #tpu.memory_space<hbm>>) target(%dma_start3A_159 : memref<5x128xi32, #tpu.memory_space<vmem>>) target_semaphore(%arg13 : memref<!tpu.dma_semaphore, #tpu.memory_space<semaphore_mem>>)
      "tpu.region"() ({
        %run_scoped3A = tpu.sem_alloc : memref<!tpu.dma_semaphore, #tpu.memory_space<semaphore_mem>>
        %dma_start3A_238 = arith.constant 0 : i32
        %dma_start3A_239 = tpu.memref_slice %arg11[%mul3A_0, %dma_start3A_238] : memref<100352x16xf32, #tpu.memory_space<vmem_shared>> -> memref<6272x16xf32, #tpu.memory_space<vmem_shared>>
        tpu.enqueue_dma source(%arg6 : memref<6272x16xf32, #tpu.memory_space<hbm>>) target(%dma_start3A_239 : memref<6272x16xf32, #tpu.memory_space<vmem_shared>>) target_semaphore(%run_scoped3A : memref<!tpu.dma_semaphore, #tpu.memory_space<semaphore_mem>>)
        %dma_wait3A_240 = arith.constant 0 : i32
        %dma_wait3A_241 = tpu.memref_slice %arg11[%mul3A_0, %dma_wait3A_240] : memref<100352x16xf32, #tpu.memory_space<vmem_shared>> -> memref<6272x16xf32, #tpu.memory_space<vmem_shared>>
        tpu.wait_dma2 semaphore(%run_scoped3A : memref<!tpu.dma_semaphore, #tpu.memory_space<semaphore_mem>>) src(%arg6 : memref<6272x16xf32, #tpu.memory_space<hbm>>) dst(%dma_wait3A_241 : memref<6272x16xf32, #tpu.memory_space<vmem_shared>>)
        tpu.yield
      }) : () -> ()
      %barrier3A_162 = arith.constant 0 : index
      tpu.barrier barrier_id(%barrier3A_162)
      %dma_wait3A_163 = arith.constant 0 : i32
      %dma_wait3A_164 = arith.constant 0 : i32
      %dma_wait3A_165 = arith.constant 0 : i32
      %dma_wait3A_166 = arith.constant 0 : i32
      %dma_wait3A_167 = arith.constant 0 : i32
      %dma_wait3A_168 = arith.constant 0 : i32
      %dma_wait3A_169 = tpu.memref_slice %arg10[%dma_wait3A_165, %dma_wait3A_166, %dma_wait3A_167, %dma_wait3A_168] : memref<2x5x128x16xf32, #tpu.memory_space<vmem>> -> memref<1x1x128x16xf32, #tpu.memory_space<vmem>>
      %dma_wait3A_170 = tpu.memref_squeeze %dma_wait3A_169 : memref<1x1x128x16xf32, #tpu.memory_space<vmem>> -> memref<128x16xf32, #tpu.memory_space<vmem>>
      %dma_wait3A_171 = arith.constant 0 : i32
      %dma_wait3A_172 = tpu.memref_slice %arg8[%dma_wait3A_163, %dma_wait3A_164, %dma_wait3A_171] : memref<3x5x128xi32, #tpu.memory_space<vmem>> -> memref<1x1x128xi32, #tpu.memory_space<vmem>>
      %dma_wait3A_173 = tpu.memref_squeeze %dma_wait3A_172 : memref<1x1x128xi32, #tpu.memory_space<vmem>> -> memref<128xi32, #tpu.memory_space<vmem>>
      %dma_wait3A_174 = arith.constant 0 : i32
      %dma_wait3A_175 = arith.constant 0 : i32
      %dma_wait3A_176 = tpu.memref_slice %arg2[%dma_wait3A_174, %dma_wait3A_175] : memref<100000x16xf32, #tpu.memory_space<hbm>> -> memref<100000x16xf32, #tpu.memory_space<hbm>>
      tpu.wait_indirect_dma semaphore(%arg12 : memref<!tpu.dma_semaphore, #tpu.memory_space<semaphore_mem>>) src(%dma_wait3A_176 : memref<100000x16xf32, #tpu.memory_space<hbm>>) dst(%dma_wait3A_170 : memref<128x16xf32, #tpu.memory_space<vmem>>)
      %dma_wait3A_177 = arith.constant 0 : i32
      %dma_wait3A_178 = arith.constant 1 : i32
      %dma_wait3A_179 = arith.constant 0 : i32
      %dma_wait3A_180 = arith.constant 1 : i32
      %dma_wait3A_181 = arith.constant 0 : i32
      %dma_wait3A_182 = arith.constant 0 : i32
      %dma_wait3A_183 = tpu.memref_slice %arg10[%dma_wait3A_179, %dma_wait3A_180, %dma_wait3A_181, %dma_wait3A_182] : memref<2x5x128x16xf32, #tpu.memory_space<vmem>> -> memref<1x1x128x16xf32, #tpu.memory_space<vmem>>
      %dma_wait3A_184 = tpu.memref_squeeze %dma_wait3A_183 : memref<1x1x128x16xf32, #tpu.memory_space<vmem>> -> memref<128x16xf32, #tpu.memory_space<vmem>>
      %dma_wait3A_185 = arith.constant 0 : i32
      %dma_wait3A_186 = tpu.memref_slice %arg8[%dma_wait3A_177, %dma_wait3A_178, %dma_wait3A_185] : memref<3x5x128xi32, #tpu.memory_space<vmem>> -> memref<1x1x128xi32, #tpu.memory_space<vmem>>
      %dma_wait3A_187 = tpu.memref_squeeze %dma_wait3A_186 : memref<1x1x128xi32, #tpu.memory_space<vmem>> -> memref<128xi32, #tpu.memory_space<vmem>>
      %dma_wait3A_188 = arith.constant 0 : i32
      %dma_wait3A_189 = arith.constant 0 : i32
      %dma_wait3A_190 = tpu.memref_slice %arg2[%dma_wait3A_188, %dma_wait3A_189] : memref<100000x16xf32, #tpu.memory_space<hbm>> -> memref<100000x16xf32, #tpu.memory_space<hbm>>
      tpu.wait_indirect_dma semaphore(%arg12 : memref<!tpu.dma_semaphore, #tpu.memory_space<semaphore_mem>>) src(%dma_wait3A_190 : memref<100000x16xf32, #tpu.memory_space<hbm>>) dst(%dma_wait3A_184 : memref<128x16xf32, #tpu.memory_space<vmem>>)
      %dma_wait3A_191 = arith.constant 0 : i32
      %dma_wait3A_192 = arith.constant 2 : i32
      %dma_wait3A_193 = arith.constant 0 : i32
      %dma_wait3A_194 = arith.constant 2 : i32
      %dma_wait3A_195 = arith.constant 0 : i32
      %dma_wait3A_196 = arith.constant 0 : i32
      %dma_wait3A_197 = tpu.memref_slice %arg10[%dma_wait3A_193, %dma_wait3A_194, %dma_wait3A_195, %dma_wait3A_196] : memref<2x5x128x16xf32, #tpu.memory_space<vmem>> -> memref<1x1x128x16xf32, #tpu.memory_space<vmem>>
      %dma_wait3A_198 = tpu.memref_squeeze %dma_wait3A_197 : memref<1x1x128x16xf32, #tpu.memory_space<vmem>> -> memref<128x16xf32, #tpu.memory_space<vmem>>
      %dma_wait3A_199 = arith.constant 0 : i32
      %dma_wait3A_200 = tpu.memref_slice %arg8[%dma_wait3A_191, %dma_wait3A_192, %dma_wait3A_199] : memref<3x5x128xi32, #tpu.memory_space<vmem>> -> memref<1x1x128xi32, #tpu.memory_space<vmem>>
      %dma_wait3A_201 = tpu.memref_squeeze %dma_wait3A_200 : memref<1x1x128xi32, #tpu.memory_space<vmem>> -> memref<128xi32, #tpu.memory_space<vmem>>
      %dma_wait3A_202 = arith.constant 0 : i32
      %dma_wait3A_203 = arith.constant 0 : i32
      %dma_wait3A_204 = tpu.memref_slice %arg2[%dma_wait3A_202, %dma_wait3A_203] : memref<100000x16xf32, #tpu.memory_space<hbm>> -> memref<100000x16xf32, #tpu.memory_space<hbm>>
      tpu.wait_indirect_dma semaphore(%arg12 : memref<!tpu.dma_semaphore, #tpu.memory_space<semaphore_mem>>) src(%dma_wait3A_204 : memref<100000x16xf32, #tpu.memory_space<hbm>>) dst(%dma_wait3A_198 : memref<128x16xf32, #tpu.memory_space<vmem>>)
      %dma_wait3A_205 = arith.constant 0 : i32
      %dma_wait3A_206 = arith.constant 3 : i32
      %dma_wait3A_207 = arith.constant 0 : i32
      %dma_wait3A_208 = arith.constant 3 : i32
      %dma_wait3A_209 = arith.constant 0 : i32
      %dma_wait3A_210 = arith.constant 0 : i32
      %dma_wait3A_211 = tpu.memref_slice %arg10[%dma_wait3A_207, %dma_wait3A_208, %dma_wait3A_209, %dma_wait3A_210] : memref<2x5x128x16xf32, #tpu.memory_space<vmem>> -> memref<1x1x128x16xf32, #tpu.memory_space<vmem>>
      %dma_wait3A_212 = tpu.memref_squeeze %dma_wait3A_211 : memref<1x1x128x16xf32, #tpu.memory_space<vmem>> -> memref<128x16xf32, #tpu.memory_space<vmem>>
      %dma_wait3A_213 = arith.constant 0 : i32
      %dma_wait3A_214 = tpu.memref_slice %arg8[%dma_wait3A_205, %dma_wait3A_206, %dma_wait3A_213] : memref<3x5x128xi32, #tpu.memory_space<vmem>> -> memref<1x1x128xi32, #tpu.memory_space<vmem>>
      %dma_wait3A_215 = tpu.memref_squeeze %dma_wait3A_214 : memref<1x1x128xi32, #tpu.memory_space<vmem>> -> memref<128xi32, #tpu.memory_space<vmem>>
      %dma_wait3A_216 = arith.constant 0 : i32
      %dma_wait3A_217 = arith.constant 0 : i32
      %dma_wait3A_218 = tpu.memref_slice %arg2[%dma_wait3A_216, %dma_wait3A_217] : memref<100000x16xf32, #tpu.memory_space<hbm>> -> memref<100000x16xf32, #tpu.memory_space<hbm>>
      tpu.wait_indirect_dma semaphore(%arg12 : memref<!tpu.dma_semaphore, #tpu.memory_space<semaphore_mem>>) src(%dma_wait3A_218 : memref<100000x16xf32, #tpu.memory_space<hbm>>) dst(%dma_wait3A_212 : memref<128x16xf32, #tpu.memory_space<vmem>>)
      %dma_wait3A_219 = arith.constant 0 : i32
      %dma_wait3A_220 = arith.constant 4 : i32
      %dma_wait3A_221 = arith.constant 0 : i32
      %dma_wait3A_222 = arith.constant 4 : i32
      %dma_wait3A_223 = arith.constant 0 : i32
      %dma_wait3A_224 = arith.constant 0 : i32
      %dma_wait3A_225 = tpu.memref_slice %arg10[%dma_wait3A_221, %dma_wait3A_222, %dma_wait3A_223, %dma_wait3A_224] : memref<2x5x128x16xf32, #tpu.memory_space<vmem>> -> memref<1x1x128x16xf32, #tpu.memory_space<vmem>>
      %dma_wait3A_226 = tpu.memref_squeeze %dma_wait3A_225 : memref<1x1x128x16xf32, #tpu.memory_space<vmem>> -> memref<128x16xf32, #tpu.memory_space<vmem>>
      %dma_wait3A_227 = arith.constant 0 : i32
      %dma_wait3A_228 = tpu.memref_slice %arg8[%dma_wait3A_219, %dma_wait3A_220, %dma_wait3A_227] : memref<3x5x128xi32, #tpu.memory_space<vmem>> -> memref<1x1x128xi32, #tpu.memory_space<vmem>>
      %dma_wait3A_229 = tpu.memref_squeeze %dma_wait3A_228 : memref<1x1x128xi32, #tpu.memory_space<vmem>> -> memref<128xi32, #tpu.memory_space<vmem>>
      %dma_wait3A_230 = arith.constant 0 : i32
      %dma_wait3A_231 = arith.constant 0 : i32
      %dma_wait3A_232 = tpu.memref_slice %arg2[%dma_wait3A_230, %dma_wait3A_231] : memref<100000x16xf32, #tpu.memory_space<hbm>> -> memref<100000x16xf32, #tpu.memory_space<hbm>>
      tpu.wait_indirect_dma semaphore(%arg12 : memref<!tpu.dma_semaphore, #tpu.memory_space<semaphore_mem>>) src(%dma_wait3A_232 : memref<100000x16xf32, #tpu.memory_space<hbm>>) dst(%dma_wait3A_226 : memref<128x16xf32, #tpu.memory_space<vmem>>)
      %scan3A = arith.constant 0 : i32
      %scan3A_233 = arith.constant 0 : i32
      %scan3A_234 = arith.constant 314 : i32
      %scan3A_235 = arith.addi %scan3A_233, %scan3A_234 : i32
      %scan3A_236 = arith.constant 1 : i32
      scf.for %scan3A_238 = %scan3A_233 to %scan3A_235 step %scan3A_236  : i32 {
        %rem3A = arith.constant 2 : i32
        %rem3A_239 = arith.remsi %scan3A_238, %rem3A : i32
        %sub3A = arith.constant 1 : i32
        %sub3A_240 = arith.subi %sub3A, %rem3A_239 : i32
        %rem3A_241 = arith.constant 3 : i32
        %rem3A_242 = arith.remsi %scan3A_238, %rem3A_241 : i32
        %add3A_243 = arith.constant 1 : i32
        %add3A_244 = arith.addi %scan3A_238, %add3A_243 : i32
        %rem3A_245 = arith.constant 3 : i32
        %rem3A_246 = arith.remsi %add3A_244, %rem3A_245 : i32
        %add3A_247 = arith.constant 2 : i32
        %add3A_248 = arith.addi %scan3A_238, %add3A_247 : i32
        %rem3A_249 = arith.constant 3 : i32
        %rem3A_250 = arith.remsi %add3A_248, %rem3A_249 : i32
        %add3A_251 = arith.constant 1 : i32
        %add3A_252 = arith.addi %scan3A_238, %add3A_251 : i32
        %lt3A = arith.constant 314 : i32
        %lt3A_253 = arith.cmpi slt, %add3A_252, %lt3A : i32
        %convert_element_type3A_254 = arith.extui %lt3A_253 : i1 to i32
        %cond3A_255 = arith.constant 0 : i32
        %cond3A_256 = arith.cmpi ne, %convert_element_type3A_254, %cond3A_255 : i32
        scf.if %cond3A_256 {
          %add3A_280 = arith.constant 1 : i32
          %add3A_281 = arith.addi %scan3A_238, %add3A_280 : i32
          %mul3A_282 = arith.constant 5 : i32
          %mul3A_283 = arith.muli %add3A_281, %mul3A_282 : i32
          %add3A_284 = arith.addi %mul3A_2, %mul3A_283 : i32
          %dma_wait3A_285 = arith.constant 0 : i32
          %dma_wait3A_286 = arith.constant 0 : i32
          %dma_wait3A_287 = tpu.memref_slice %arg8[%rem3A_246, %dma_wait3A_285, %dma_wait3A_286] : memref<3x5x128xi32, #tpu.memory_space<vmem>> -> memref<1x5x128xi32, #tpu.memory_space<vmem>>
          %dma_wait3A_288 = tpu.memref_squeeze %dma_wait3A_287 : memref<1x5x128xi32, #tpu.memory_space<vmem>> -> memref<5x128xi32, #tpu.memory_space<vmem>>
          %dma_wait3A_289 = arith.constant 0 : i32
          %dma_wait3A_290 = tpu.memref_slice %arg4[%add3A_284, %dma_wait3A_289] : memref<25120x128xi32, #tpu.memory_space<hbm>> -> memref<5x128xi32, #tpu.memory_space<hbm>>
          %dma_wait3A_291 = arith.constant 0 : i32
          %dma_wait3A_292 = arith.constant 0 : i32
          %dma_wait3A_293 = tpu.memref_slice %arg8[%rem3A_246, %dma_wait3A_291, %dma_wait3A_292] : memref<3x5x128xi32, #tpu.memory_space<vmem>> -> memref<1x5x128xi32, #tpu.memory_space<vmem>>
          %dma_wait3A_294 = tpu.memref_squeeze %dma_wait3A_293 : memref<1x5x128xi32, #tpu.memory_space<vmem>> -> memref<5x128xi32, #tpu.memory_space<vmem>>
          %dma_wait3A_295 = arith.constant 0 : i32
          %dma_wait3A_296 = tpu.memref_slice %arg4[%add3A_284, %dma_wait3A_295] : memref<25120x128xi32, #tpu.memory_space<hbm>> -> memref<5x128xi32, #tpu.memory_space<hbm>>
          tpu.wait_dma2 semaphore(%arg13 : memref<!tpu.dma_semaphore, #tpu.memory_space<semaphore_mem>>) src(%dma_wait3A_296 : memref<5x128xi32, #tpu.memory_space<hbm>>) dst(%dma_wait3A_294 : memref<5x128xi32, #tpu.memory_space<vmem>>)
          %dma_wait3A_297 = arith.constant 0 : i32
          %dma_wait3A_298 = arith.constant 0 : i32
          %dma_wait3A_299 = tpu.memref_slice %arg9[%rem3A_246, %dma_wait3A_297, %dma_wait3A_298] : memref<3x5x128xi32, #tpu.memory_space<vmem>> -> memref<1x5x128xi32, #tpu.memory_space<vmem>>
          %dma_wait3A_300 = tpu.memref_squeeze %dma_wait3A_299 : memref<1x5x128xi32, #tpu.memory_space<vmem>> -> memref<5x128xi32, #tpu.memory_space<vmem>>
          %dma_wait3A_301 = arith.constant 0 : i32
          %dma_wait3A_302 = tpu.memref_slice %arg5[%add3A_284, %dma_wait3A_301] : memref<25120x128xi32, #tpu.memory_space<hbm>> -> memref<5x128xi32, #tpu.memory_space<hbm>>
          %dma_wait3A_303 = arith.constant 0 : i32
          %dma_wait3A_304 = arith.constant 0 : i32
          %dma_wait3A_305 = tpu.memref_slice %arg9[%rem3A_246, %dma_wait3A_303, %dma_wait3A_304] : memref<3x5x128xi32, #tpu.memory_space<vmem>> -> memref<1x5x128xi32, #tpu.memory_space<vmem>>
          %dma_wait3A_306 = tpu.memref_squeeze %dma_wait3A_305 : memref<1x5x128xi32, #tpu.memory_space<vmem>> -> memref<5x128xi32, #tpu.memory_space<vmem>>
          %dma_wait3A_307 = arith.constant 0 : i32
          %dma_wait3A_308 = tpu.memref_slice %arg5[%add3A_284, %dma_wait3A_307] : memref<25120x128xi32, #tpu.memory_space<hbm>> -> memref<5x128xi32, #tpu.memory_space<hbm>>
          tpu.wait_dma2 semaphore(%arg13 : memref<!tpu.dma_semaphore, #tpu.memory_space<semaphore_mem>>) src(%dma_wait3A_308 : memref<5x128xi32, #tpu.memory_space<hbm>>) dst(%dma_wait3A_306 : memref<5x128xi32, #tpu.memory_space<vmem>>)
          %dma_start3A_309 = arith.constant 0 : i32
          %dma_start3A_310 = arith.constant 0 : i32
          %dma_start3A_311 = arith.constant 0 : i32
          %dma_start3A_312 = arith.constant 0 : i32
          %dma_start3A_313 = tpu.memref_slice %arg10[%sub3A_240, %dma_start3A_310, %dma_start3A_311, %dma_start3A_312] : memref<2x5x128x16xf32, #tpu.memory_space<vmem>> -> memref<1x1x128x16xf32, #tpu.memory_space<vmem>>
          %dma_start3A_314 = tpu.memref_squeeze %dma_start3A_313 : memref<1x1x128x16xf32, #tpu.memory_space<vmem>> -> memref<128x16xf32, #tpu.memory_space<vmem>>
          %dma_start3A_315 = arith.constant 0 : i32
          %dma_start3A_316 = tpu.memref_slice %arg8[%rem3A_246, %dma_start3A_309, %dma_start3A_315] : memref<3x5x128xi32, #tpu.memory_space<vmem>> -> memref<1x1x128xi32, #tpu.memory_space<vmem>>
          %dma_start3A_317 = tpu.memref_squeeze %dma_start3A_316 : memref<1x1x128xi32, #tpu.memory_space<vmem>> -> memref<128xi32, #tpu.memory_space<vmem>>
          %dma_start3A_318 = arith.constant 0 : i32
          %dma_start3A_319 = arith.constant 0 : i32
          %dma_start3A_320 = tpu.memref_slice %arg2[%dma_start3A_318, %dma_start3A_319] : memref<100000x16xf32, #tpu.memory_space<hbm>> -> memref<100000x16xf32, #tpu.memory_space<hbm>>
          tpu.enqueue_indirect_dma source(%dma_start3A_320 : memref<100000x16xf32, #tpu.memory_space<hbm>>) target(%dma_start3A_314 : memref<128x16xf32, #tpu.memory_space<vmem>>) offsets(%dma_start3A_317 : memref<128xi32, #tpu.memory_space<vmem>>) semaphore(%arg12 : memref<!tpu.dma_semaphore, #tpu.memory_space<semaphore_mem>>)
          %dma_start3A_321 = arith.constant 1 : i32
          %dma_start3A_322 = arith.constant 1 : i32
          %dma_start3A_323 = arith.constant 0 : i32
          %dma_start3A_324 = arith.constant 0 : i32
          %dma_start3A_325 = tpu.memref_slice %arg10[%sub3A_240, %dma_start3A_322, %dma_start3A_323, %dma_start3A_324] : memref<2x5x128x16xf32, #tpu.memory_space<vmem>> -> memref<1x1x128x16xf32, #tpu.memory_space<vmem>>
          %dma_start3A_326 = tpu.memref_squeeze %dma_start3A_325 : memref<1x1x128x16xf32, #tpu.memory_space<vmem>> -> memref<128x16xf32, #tpu.memory_space<vmem>>
          %dma_start3A_327 = arith.constant 0 : i32
          %dma_start3A_328 = tpu.memref_slice %arg8[%rem3A_246, %dma_start3A_321, %dma_start3A_327] : memref<3x5x128xi32, #tpu.memory_space<vmem>> -> memref<1x1x128xi32, #tpu.memory_space<vmem>>
          %dma_start3A_329 = tpu.memref_squeeze %dma_start3A_328 : memref<1x1x128xi32, #tpu.memory_space<vmem>> -> memref<128xi32, #tpu.memory_space<vmem>>
          %dma_start3A_330 = arith.constant 0 : i32
          %dma_start3A_331 = arith.constant 0 : i32
          %dma_start3A_332 = tpu.memref_slice %arg2[%dma_start3A_330, %dma_start3A_331] : memref<100000x16xf32, #tpu.memory_space<hbm>> -> memref<100000x16xf32, #tpu.memory_space<hbm>>
          tpu.enqueue_indirect_dma source(%dma_start3A_332 : memref<100000x16xf32, #tpu.memory_space<hbm>>) target(%dma_start3A_326 : memref<128x16xf32, #tpu.memory_space<vmem>>) offsets(%dma_start3A_329 : memref<128xi32, #tpu.memory_space<vmem>>) semaphore(%arg12 : memref<!tpu.dma_semaphore, #tpu.memory_space<semaphore_mem>>)
          %dma_start3A_333 = arith.constant 2 : i32
          %dma_start3A_334 = arith.constant 2 : i32
          %dma_start3A_335 = arith.constant 0 : i32
          %dma_start3A_336 = arith.constant 0 : i32
          %dma_start3A_337 = tpu.memref_slice %arg10[%sub3A_240, %dma_start3A_334, %dma_start3A_335, %dma_start3A_336] : memref<2x5x128x16xf32, #tpu.memory_space<vmem>> -> memref<1x1x128x16xf32, #tpu.memory_space<vmem>>
          %dma_start3A_338 = tpu.memref_squeeze %dma_start3A_337 : memref<1x1x128x16xf32, #tpu.memory_space<vmem>> -> memref<128x16xf32, #tpu.memory_space<vmem>>
          %dma_start3A_339 = arith.constant 0 : i32
          %dma_start3A_340 = tpu.memref_slice %arg8[%rem3A_246, %dma_start3A_333, %dma_start3A_339] : memref<3x5x128xi32, #tpu.memory_space<vmem>> -> memref<1x1x128xi32, #tpu.memory_space<vmem>>
          %dma_start3A_341 = tpu.memref_squeeze %dma_start3A_340 : memref<1x1x128xi32, #tpu.memory_space<vmem>> -> memref<128xi32, #tpu.memory_space<vmem>>
          %dma_start3A_342 = arith.constant 0 : i32
          %dma_start3A_343 = arith.constant 0 : i32
          %dma_start3A_344 = tpu.memref_slice %arg2[%dma_start3A_342, %dma_start3A_343] : memref<100000x16xf32, #tpu.memory_space<hbm>> -> memref<100000x16xf32, #tpu.memory_space<hbm>>
          tpu.enqueue_indirect_dma source(%dma_start3A_344 : memref<100000x16xf32, #tpu.memory_space<hbm>>) target(%dma_start3A_338 : memref<128x16xf32, #tpu.memory_space<vmem>>) offsets(%dma_start3A_341 : memref<128xi32, #tpu.memory_space<vmem>>) semaphore(%arg12 : memref<!tpu.dma_semaphore, #tpu.memory_space<semaphore_mem>>)
          %dma_start3A_345 = arith.constant 3 : i32
          %dma_start3A_346 = arith.constant 3 : i32
          %dma_start3A_347 = arith.constant 0 : i32
          %dma_start3A_348 = arith.constant 0 : i32
          %dma_start3A_349 = tpu.memref_slice %arg10[%sub3A_240, %dma_start3A_346, %dma_start3A_347, %dma_start3A_348] : memref<2x5x128x16xf32, #tpu.memory_space<vmem>> -> memref<1x1x128x16xf32, #tpu.memory_space<vmem>>
          %dma_start3A_350 = tpu.memref_squeeze %dma_start3A_349 : memref<1x1x128x16xf32, #tpu.memory_space<vmem>> -> memref<128x16xf32, #tpu.memory_space<vmem>>
          %dma_start3A_351 = arith.constant 0 : i32
          %dma_start3A_352 = tpu.memref_slice %arg8[%rem3A_246, %dma_start3A_345, %dma_start3A_351] : memref<3x5x128xi32, #tpu.memory_space<vmem>> -> memref<1x1x128xi32, #tpu.memory_space<vmem>>
          %dma_start3A_353 = tpu.memref_squeeze %dma_start3A_352 : memref<1x1x128xi32, #tpu.memory_space<vmem>> -> memref<128xi32, #tpu.memory_space<vmem>>
          %dma_start3A_354 = arith.constant 0 : i32
          %dma_start3A_355 = arith.constant 0 : i32
          %dma_start3A_356 = tpu.memref_slice %arg2[%dma_start3A_354, %dma_start3A_355] : memref<100000x16xf32, #tpu.memory_space<hbm>> -> memref<100000x16xf32, #tpu.memory_space<hbm>>
          tpu.enqueue_indirect_dma source(%dma_start3A_356 : memref<100000x16xf32, #tpu.memory_space<hbm>>) target(%dma_start3A_350 : memref<128x16xf32, #tpu.memory_space<vmem>>) offsets(%dma_start3A_353 : memref<128xi32, #tpu.memory_space<vmem>>) semaphore(%arg12 : memref<!tpu.dma_semaphore, #tpu.memory_space<semaphore_mem>>)
          %dma_start3A_357 = arith.constant 4 : i32
          %dma_start3A_358 = arith.constant 4 : i32
          %dma_start3A_359 = arith.constant 0 : i32
          %dma_start3A_360 = arith.constant 0 : i32
          %dma_start3A_361 = tpu.memref_slice %arg10[%sub3A_240, %dma_start3A_358, %dma_start3A_359, %dma_start3A_360] : memref<2x5x128x16xf32, #tpu.memory_space<vmem>> -> memref<1x1x128x16xf32, #tpu.memory_space<vmem>>
          %dma_start3A_362 = tpu.memref_squeeze %dma_start3A_361 : memref<1x1x128x16xf32, #tpu.memory_space<vmem>> -> memref<128x16xf32, #tpu.memory_space<vmem>>
          %dma_start3A_363 = arith.constant 0 : i32
          %dma_start3A_364 = tpu.memref_slice %arg8[%rem3A_246, %dma_start3A_357, %dma_start3A_363] : memref<3x5x128xi32, #tpu.memory_space<vmem>> -> memref<1x1x128xi32, #tpu.memory_space<vmem>>
          %dma_start3A_365 = tpu.memref_squeeze %dma_start3A_364 : memref<1x1x128xi32, #tpu.memory_space<vmem>> -> memref<128xi32, #tpu.memory_space<vmem>>
          %dma_start3A_366 = arith.constant 0 : i32
          %dma_start3A_367 = arith.constant 0 : i32
          %dma_start3A_368 = tpu.memref_slice %arg2[%dma_start3A_366, %dma_start3A_367] : memref<100000x16xf32, #tpu.memory_space<hbm>> -> memref<100000x16xf32, #tpu.memory_space<hbm>>
          tpu.enqueue_indirect_dma source(%dma_start3A_368 : memref<100000x16xf32, #tpu.memory_space<hbm>>) target(%dma_start3A_362 : memref<128x16xf32, #tpu.memory_space<vmem>>) offsets(%dma_start3A_365 : memref<128xi32, #tpu.memory_space<vmem>>) semaphore(%arg12 : memref<!tpu.dma_semaphore, #tpu.memory_space<semaphore_mem>>)
        } else {
        }
        %add3A_257 = arith.constant 2 : i32
        %add3A_258 = arith.addi %scan3A_238, %add3A_257 : i32
        %lt3A_259 = arith.constant 314 : i32
        %lt3A_260 = arith.cmpi slt, %add3A_258, %lt3A_259 : i32
        %convert_element_type3A_261 = arith.extui %lt3A_260 : i1 to i32
        %cond3A_262 = arith.constant 0 : i32
        %cond3A_263 = arith.cmpi ne, %convert_element_type3A_261, %cond3A_262 : i32
        scf.if %cond3A_263 {
          %add3A_280 = arith.constant 2 : i32
          %add3A_281 = arith.addi %scan3A_238, %add3A_280 : i32
          %mul3A_282 = arith.constant 5 : i32
          %mul3A_283 = arith.muli %add3A_281, %mul3A_282 : i32
          %add3A_284 = arith.addi %mul3A_2, %mul3A_283 : i32
          %dma_start3A_285 = arith.constant 0 : i32
          %dma_start3A_286 = arith.constant 0 : i32
          %dma_start3A_287 = tpu.memref_slice %arg8[%rem3A_250, %dma_start3A_285, %dma_start3A_286] : memref<3x5x128xi32, #tpu.memory_space<vmem>> -> memref<1x5x128xi32, #tpu.memory_space<vmem>>
          %dma_start3A_288 = tpu.memref_squeeze %dma_start3A_287 : memref<1x5x128xi32, #tpu.memory_space<vmem>> -> memref<5x128xi32, #tpu.memory_space<vmem>>
          %dma_start3A_289 = arith.constant 0 : i32
          %dma_start3A_290 = tpu.memref_slice %arg4[%add3A_284, %dma_start3A_289] : memref<25120x128xi32, #tpu.memory_space<hbm>> -> memref<5x128xi32, #tpu.memory_space<hbm>>
          %dma_start3A_291 = arith.constant 0 : i32
          %dma_start3A_292 = arith.constant 0 : i32
          %dma_start3A_293 = tpu.memref_slice %arg8[%rem3A_250, %dma_start3A_291, %dma_start3A_292] : memref<3x5x128xi32, #tpu.memory_space<vmem>> -> memref<1x5x128xi32, #tpu.memory_space<vmem>>
          %dma_start3A_294 = tpu.memref_squeeze %dma_start3A_293 : memref<1x5x128xi32, #tpu.memory_space<vmem>> -> memref<5x128xi32, #tpu.memory_space<vmem>>
          %dma_start3A_295 = arith.constant 0 : i32
          %dma_start3A_296 = tpu.memref_slice %arg4[%add3A_284, %dma_start3A_295] : memref<25120x128xi32, #tpu.memory_space<hbm>> -> memref<5x128xi32, #tpu.memory_space<hbm>>
          tpu.enqueue_dma source(%dma_start3A_296 : memref<5x128xi32, #tpu.memory_space<hbm>>) target(%dma_start3A_294 : memref<5x128xi32, #tpu.memory_space<vmem>>) target_semaphore(%arg13 : memref<!tpu.dma_semaphore, #tpu.memory_space<semaphore_mem>>)
          %dma_start3A_297 = arith.constant 0 : i32
          %dma_start3A_298 = arith.constant 0 : i32
          %dma_start3A_299 = tpu.memref_slice %arg9[%rem3A_250, %dma_start3A_297, %dma_start3A_298] : memref<3x5x128xi32, #tpu.memory_space<vmem>> -> memref<1x5x128xi32, #tpu.memory_space<vmem>>
          %dma_start3A_300 = tpu.memref_squeeze %dma_start3A_299 : memref<1x5x128xi32, #tpu.memory_space<vmem>> -> memref<5x128xi32, #tpu.memory_space<vmem>>
          %dma_start3A_301 = arith.constant 0 : i32
          %dma_start3A_302 = tpu.memref_slice %arg5[%add3A_284, %dma_start3A_301] : memref<25120x128xi32, #tpu.memory_space<hbm>> -> memref<5x128xi32, #tpu.memory_space<hbm>>
          %dma_start3A_303 = arith.constant 0 : i32
          %dma_start3A_304 = arith.constant 0 : i32
          %dma_start3A_305 = tpu.memref_slice %arg9[%rem3A_250, %dma_start3A_303, %dma_start3A_304] : memref<3x5x128xi32, #tpu.memory_space<vmem>> -> memref<1x5x128xi32, #tpu.memory_space<vmem>>
          %dma_start3A_306 = tpu.memref_squeeze %dma_start3A_305 : memref<1x5x128xi32, #tpu.memory_space<vmem>> -> memref<5x128xi32, #tpu.memory_space<vmem>>
          %dma_start3A_307 = arith.constant 0 : i32
          %dma_start3A_308 = tpu.memref_slice %arg5[%add3A_284, %dma_start3A_307] : memref<25120x128xi32, #tpu.memory_space<hbm>> -> memref<5x128xi32, #tpu.memory_space<hbm>>
          tpu.enqueue_dma source(%dma_start3A_308 : memref<5x128xi32, #tpu.memory_space<hbm>>) target(%dma_start3A_306 : memref<5x128xi32, #tpu.memory_space<vmem>>) target_semaphore(%arg13 : memref<!tpu.dma_semaphore, #tpu.memory_space<semaphore_mem>>)
        } else {
        }
        %run_scoped3A = arith.constant 0 : i32
        %run_scoped3A_264 = arith.constant 0 : i32
        "tpu.region"() ({
          %run_scoped3A_280 = tpu.sem_alloc : memref<!tpu.dma_semaphore, #tpu.memory_space<semaphore_mem>>
          %dma_start3A_281 = arith.constant 0 : i32
          %dma_start3A_282 = arith.constant 0 : i32
          %dma_start3A_283 = tpu.memref_slice %arg10[%rem3A_239, %run_scoped3A, %dma_start3A_281, %dma_start3A_282] : memref<2x5x128x16xf32, #tpu.memory_space<vmem>> -> memref<1x1x128x16xf32, #tpu.memory_space<vmem>>
          %dma_start3A_284 = tpu.memref_squeeze %dma_start3A_283 : memref<1x1x128x16xf32, #tpu.memory_space<vmem>> -> memref<128x16xf32, #tpu.memory_space<vmem>>
          %dma_start3A_285 = arith.constant 0 : i32
          %dma_start3A_286 = tpu.memref_slice %arg9[%rem3A_242, %run_scoped3A_264, %dma_start3A_285] : memref<3x5x128xi32, #tpu.memory_space<vmem>> -> memref<1x1x128xi32, #tpu.memory_space<vmem>>
          %dma_start3A_287 = tpu.memref_squeeze %dma_start3A_286 : memref<1x1x128xi32, #tpu.memory_space<vmem>> -> memref<128xi32, #tpu.memory_space<vmem>>
          %dma_start3A_288 = arith.constant 0 : i32
          %dma_start3A_289 = arith.constant 0 : i32
          %dma_start3A_290 = tpu.memref_slice %arg11[%dma_start3A_288, %dma_start3A_289] : memref<100352x16xf32, #tpu.memory_space<vmem_shared>> -> memref<100352x16xf32, #tpu.memory_space<vmem_shared>>
          tpu.enqueue_indirect_dma source(%dma_start3A_284 : memref<128x16xf32, #tpu.memory_space<vmem>>) target(%dma_start3A_290 : memref<100352x16xf32, #tpu.memory_space<vmem_shared>>) offsets(%dma_start3A_287 : memref<128xi32, #tpu.memory_space<vmem>>) semaphore(%run_scoped3A_280 : memref<!tpu.dma_semaphore, #tpu.memory_space<semaphore_mem>>) {add = true}
          %dma_wait3A_291 = arith.constant 0 : i32
          %dma_wait3A_292 = arith.constant 0 : i32
          %dma_wait3A_293 = tpu.memref_slice %arg10[%rem3A_239, %run_scoped3A, %dma_wait3A_291, %dma_wait3A_292] : memref<2x5x128x16xf32, #tpu.memory_space<vmem>> -> memref<1x1x128x16xf32, #tpu.memory_space<vmem>>
          %dma_wait3A_294 = tpu.memref_squeeze %dma_wait3A_293 : memref<1x1x128x16xf32, #tpu.memory_space<vmem>> -> memref<128x16xf32, #tpu.memory_space<vmem>>
          %dma_wait3A_295 = arith.constant 0 : i32
          %dma_wait3A_296 = tpu.memref_slice %arg9[%rem3A_242, %run_scoped3A_264, %dma_wait3A_295] : memref<3x5x128xi32, #tpu.memory_space<vmem>> -> memref<1x1x128xi32, #tpu.memory_space<vmem>>
          %dma_wait3A_297 = tpu.memref_squeeze %dma_wait3A_296 : memref<1x1x128xi32, #tpu.memory_space<vmem>> -> memref<128xi32, #tpu.memory_space<vmem>>
          %dma_wait3A_298 = arith.constant 0 : i32
          %dma_wait3A_299 = arith.constant 0 : i32
          %dma_wait3A_300 = tpu.memref_slice %arg11[%dma_wait3A_298, %dma_wait3A_299] : memref<100352x16xf32, #tpu.memory_space<vmem_shared>> -> memref<100352x16xf32, #tpu.memory_space<vmem_shared>>
          tpu.wait_indirect_dma semaphore(%run_scoped3A_280 : memref<!tpu.dma_semaphore, #tpu.memory_space<semaphore_mem>>) src(%dma_wait3A_294 : memref<128x16xf32, #tpu.memory_space<vmem>>) dst(%dma_wait3A_300 : memref<100352x16xf32, #tpu.memory_space<vmem_shared>>)
          tpu.yield
        }) : () -> ()
        %run_scoped3A_265 = arith.constant 1 : i32
        %run_scoped3A_266 = arith.constant 1 : i32
        "tpu.region"() ({
          %run_scoped3A_280 = tpu.sem_alloc : memref<!tpu.dma_semaphore, #tpu.memory_space<semaphore_mem>>
          %dma_start3A_281 = arith.constant 0 : i32
          %dma_start3A_282 = arith.constant 0 : i32
          %dma_start3A_283 = tpu.memref_slice %arg10[%rem3A_239, %run_scoped3A_265, %dma_start3A_281, %dma_start3A_282] : memref<2x5x128x16xf32, #tpu.memory_space<vmem>> -> memref<1x1x128x16xf32, #tpu.memory_space<vmem>>
          %dma_start3A_284 = tpu.memref_squeeze %dma_start3A_283 : memref<1x1x128x16xf32, #tpu.memory_space<vmem>> -> memref<128x16xf32, #tpu.memory_space<vmem>>
          %dma_start3A_285 = arith.constant 0 : i32
          %dma_start3A_286 = tpu.memref_slice %arg9[%rem3A_242, %run_scoped3A_266, %dma_start3A_285] : memref<3x5x128xi32, #tpu.memory_space<vmem>> -> memref<1x1x128xi32, #tpu.memory_space<vmem>>
          %dma_start3A_287 = tpu.memref_squeeze %dma_start3A_286 : memref<1x1x128xi32, #tpu.memory_space<vmem>> -> memref<128xi32, #tpu.memory_space<vmem>>
          %dma_start3A_288 = arith.constant 0 : i32
          %dma_start3A_289 = arith.constant 0 : i32
          %dma_start3A_290 = tpu.memref_slice %arg11[%dma_start3A_288, %dma_start3A_289] : memref<100352x16xf32, #tpu.memory_space<vmem_shared>> -> memref<100352x16xf32, #tpu.memory_space<vmem_shared>>
          tpu.enqueue_indirect_dma source(%dma_start3A_284 : memref<128x16xf32, #tpu.memory_space<vmem>>) target(%dma_start3A_290 : memref<100352x16xf32, #tpu.memory_space<vmem_shared>>) offsets(%dma_start3A_287 : memref<128xi32, #tpu.memory_space<vmem>>) semaphore(%run_scoped3A_280 : memref<!tpu.dma_semaphore, #tpu.memory_space<semaphore_mem>>) {add = true}
          %dma_wait3A_291 = arith.constant 0 : i32
          %dma_wait3A_292 = arith.constant 0 : i32
          %dma_wait3A_293 = tpu.memref_slice %arg10[%rem3A_239, %run_scoped3A_265, %dma_wait3A_291, %dma_wait3A_292] : memref<2x5x128x16xf32, #tpu.memory_space<vmem>> -> memref<1x1x128x16xf32, #tpu.memory_space<vmem>>
          %dma_wait3A_294 = tpu.memref_squeeze %dma_wait3A_293 : memref<1x1x128x16xf32, #tpu.memory_space<vmem>> -> memref<128x16xf32, #tpu.memory_space<vmem>>
          %dma_wait3A_295 = arith.constant 0 : i32
          %dma_wait3A_296 = tpu.memref_slice %arg9[%rem3A_242, %run_scoped3A_266, %dma_wait3A_295] : memref<3x5x128xi32, #tpu.memory_space<vmem>> -> memref<1x1x128xi32, #tpu.memory_space<vmem>>
          %dma_wait3A_297 = tpu.memref_squeeze %dma_wait3A_296 : memref<1x1x128xi32, #tpu.memory_space<vmem>> -> memref<128xi32, #tpu.memory_space<vmem>>
          %dma_wait3A_298 = arith.constant 0 : i32
          %dma_wait3A_299 = arith.constant 0 : i32
          %dma_wait3A_300 = tpu.memref_slice %arg11[%dma_wait3A_298, %dma_wait3A_299] : memref<100352x16xf32, #tpu.memory_space<vmem_shared>> -> memref<100352x16xf32, #tpu.memory_space<vmem_shared>>
          tpu.wait_indirect_dma semaphore(%run_scoped3A_280 : memref<!tpu.dma_semaphore, #tpu.memory_space<semaphore_mem>>) src(%dma_wait3A_294 : memref<128x16xf32, #tpu.memory_space<vmem>>) dst(%dma_wait3A_300 : memref<100352x16xf32, #tpu.memory_space<vmem_shared>>)
          tpu.yield
        }) : () -> ()
        %run_scoped3A_267 = arith.constant 2 : i32
        %run_scoped3A_268 = arith.constant 2 : i32
        "tpu.region"() ({
          %run_scoped3A_280 = tpu.sem_alloc : memref<!tpu.dma_semaphore, #tpu.memory_space<semaphore_mem>>
          %dma_start3A_281 = arith.constant 0 : i32
          %dma_start3A_282 = arith.constant 0 : i32
          %dma_start3A_283 = tpu.memref_slice %arg10[%rem3A_239, %run_scoped3A_267, %dma_start3A_281, %dma_start3A_282] : memref<2x5x128x16xf32, #tpu.memory_space<vmem>> -> memref<1x1x128x16xf32, #tpu.memory_space<vmem>>
          %dma_start3A_284 = tpu.memref_squeeze %dma_start3A_283 : memref<1x1x128x16xf32, #tpu.memory_space<vmem>> -> memref<128x16xf32, #tpu.memory_space<vmem>>
          %dma_start3A_285 = arith.constant 0 : i32
          %dma_start3A_286 = tpu.memref_slice %arg9[%rem3A_242, %run_scoped3A_268, %dma_start3A_285] : memref<3x5x128xi32, #tpu.memory_space<vmem>> -> memref<1x1x128xi32, #tpu.memory_space<vmem>>
          %dma_start3A_287 = tpu.memref_squeeze %dma_start3A_286 : memref<1x1x128xi32, #tpu.memory_space<vmem>> -> memref<128xi32, #tpu.memory_space<vmem>>
          %dma_start3A_288 = arith.constant 0 : i32
          %dma_start3A_289 = arith.constant 0 : i32
          %dma_start3A_290 = tpu.memref_slice %arg11[%dma_start3A_288, %dma_start3A_289] : memref<100352x16xf32, #tpu.memory_space<vmem_shared>> -> memref<100352x16xf32, #tpu.memory_space<vmem_shared>>
          tpu.enqueue_indirect_dma source(%dma_start3A_284 : memref<128x16xf32, #tpu.memory_space<vmem>>) target(%dma_start3A_290 : memref<100352x16xf32, #tpu.memory_space<vmem_shared>>) offsets(%dma_start3A_287 : memref<128xi32, #tpu.memory_space<vmem>>) semaphore(%run_scoped3A_280 : memref<!tpu.dma_semaphore, #tpu.memory_space<semaphore_mem>>) {add = true}
          %dma_wait3A_291 = arith.constant 0 : i32
          %dma_wait3A_292 = arith.constant 0 : i32
          %dma_wait3A_293 = tpu.memref_slice %arg10[%rem3A_239, %run_scoped3A_267, %dma_wait3A_291, %dma_wait3A_292] : memref<2x5x128x16xf32, #tpu.memory_space<vmem>> -> memref<1x1x128x16xf32, #tpu.memory_space<vmem>>
          %dma_wait3A_294 = tpu.memref_squeeze %dma_wait3A_293 : memref<1x1x128x16xf32, #tpu.memory_space<vmem>> -> memref<128x16xf32, #tpu.memory_space<vmem>>
          %dma_wait3A_295 = arith.constant 0 : i32
          %dma_wait3A_296 = tpu.memref_slice %arg9[%rem3A_242, %run_scoped3A_268, %dma_wait3A_295] : memref<3x5x128xi32, #tpu.memory_space<vmem>> -> memref<1x1x128xi32, #tpu.memory_space<vmem>>
          %dma_wait3A_297 = tpu.memref_squeeze %dma_wait3A_296 : memref<1x1x128xi32, #tpu.memory_space<vmem>> -> memref<128xi32, #tpu.memory_space<vmem>>
          %dma_wait3A_298 = arith.constant 0 : i32
          %dma_wait3A_299 = arith.constant 0 : i32
          %dma_wait3A_300 = tpu.memref_slice %arg11[%dma_wait3A_298, %dma_wait3A_299] : memref<100352x16xf32, #tpu.memory_space<vmem_shared>> -> memref<100352x16xf32, #tpu.memory_space<vmem_shared>>
          tpu.wait_indirect_dma semaphore(%run_scoped3A_280 : memref<!tpu.dma_semaphore, #tpu.memory_space<semaphore_mem>>) src(%dma_wait3A_294 : memref<128x16xf32, #tpu.memory_space<vmem>>) dst(%dma_wait3A_300 : memref<100352x16xf32, #tpu.memory_space<vmem_shared>>)
          tpu.yield
        }) : () -> ()
        %run_scoped3A_269 = arith.constant 3 : i32
        %run_scoped3A_270 = arith.constant 3 : i32
        "tpu.region"() ({
          %run_scoped3A_280 = tpu.sem_alloc : memref<!tpu.dma_semaphore, #tpu.memory_space<semaphore_mem>>
          %dma_start3A_281 = arith.constant 0 : i32
          %dma_start3A_282 = arith.constant 0 : i32
          %dma_start3A_283 = tpu.memref_slice %arg10[%rem3A_239, %run_scoped3A_269, %dma_start3A_281, %dma_start3A_282] : memref<2x5x128x16xf32, #tpu.memory_space<vmem>> -> memref<1x1x128x16xf32, #tpu.memory_space<vmem>>
          %dma_start3A_284 = tpu.memref_squeeze %dma_start3A_283 : memref<1x1x128x16xf32, #tpu.memory_space<vmem>> -> memref<128x16xf32, #tpu.memory_space<vmem>>
          %dma_start3A_285 = arith.constant 0 : i32
          %dma_start3A_286 = tpu.memref_slice %arg9[%rem3A_242, %run_scoped3A_270, %dma_start3A_285] : memref<3x5x128xi32, #tpu.memory_space<vmem>> -> memref<1x1x128xi32, #tpu.memory_space<vmem>>
          %dma_start3A_287 = tpu.memref_squeeze %dma_start3A_286 : memref<1x1x128xi32, #tpu.memory_space<vmem>> -> memref<128xi32, #tpu.memory_space<vmem>>
          %dma_start3A_288 = arith.constant 0 : i32
          %dma_start3A_289 = arith.constant 0 : i32
          %dma_start3A_290 = tpu.memref_slice %arg11[%dma_start3A_288, %dma_start3A_289] : memref<100352x16xf32, #tpu.memory_space<vmem_shared>> -> memref<100352x16xf32, #tpu.memory_space<vmem_shared>>
          tpu.enqueue_indirect_dma source(%dma_start3A_284 : memref<128x16xf32, #tpu.memory_space<vmem>>) target(%dma_start3A_290 : memref<100352x16xf32, #tpu.memory_space<vmem_shared>>) offsets(%dma_start3A_287 : memref<128xi32, #tpu.memory_space<vmem>>) semaphore(%run_scoped3A_280 : memref<!tpu.dma_semaphore, #tpu.memory_space<semaphore_mem>>) {add = true}
          %dma_wait3A_291 = arith.constant 0 : i32
          %dma_wait3A_292 = arith.constant 0 : i32
          %dma_wait3A_293 = tpu.memref_slice %arg10[%rem3A_239, %run_scoped3A_269, %dma_wait3A_291, %dma_wait3A_292] : memref<2x5x128x16xf32, #tpu.memory_space<vmem>> -> memref<1x1x128x16xf32, #tpu.memory_space<vmem>>
          %dma_wait3A_294 = tpu.memref_squeeze %dma_wait3A_293 : memref<1x1x128x16xf32, #tpu.memory_space<vmem>> -> memref<128x16xf32, #tpu.memory_space<vmem>>
          %dma_wait3A_295 = arith.constant 0 : i32
          %dma_wait3A_296 = tpu.memref_slice %arg9[%rem3A_242, %run_scoped3A_270, %dma_wait3A_295] : memref<3x5x128xi32, #tpu.memory_space<vmem>> -> memref<1x1x128xi32, #tpu.memory_space<vmem>>
          %dma_wait3A_297 = tpu.memref_squeeze %dma_wait3A_296 : memref<1x1x128xi32, #tpu.memory_space<vmem>> -> memref<128xi32, #tpu.memory_space<vmem>>
          %dma_wait3A_298 = arith.constant 0 : i32
          %dma_wait3A_299 = arith.constant 0 : i32
          %dma_wait3A_300 = tpu.memref_slice %arg11[%dma_wait3A_298, %dma_wait3A_299] : memref<100352x16xf32, #tpu.memory_space<vmem_shared>> -> memref<100352x16xf32, #tpu.memory_space<vmem_shared>>
          tpu.wait_indirect_dma semaphore(%run_scoped3A_280 : memref<!tpu.dma_semaphore, #tpu.memory_space<semaphore_mem>>) src(%dma_wait3A_294 : memref<128x16xf32, #tpu.memory_space<vmem>>) dst(%dma_wait3A_300 : memref<100352x16xf32, #tpu.memory_space<vmem_shared>>)
          tpu.yield
        }) : () -> ()
        %run_scoped3A_271 = arith.constant 4 : i32
        %run_scoped3A_272 = arith.constant 4 : i32
        "tpu.region"() ({
          %run_scoped3A_280 = tpu.sem_alloc : memref<!tpu.dma_semaphore, #tpu.memory_space<semaphore_mem>>
          %dma_start3A_281 = arith.constant 0 : i32
          %dma_start3A_282 = arith.constant 0 : i32
          %dma_start3A_283 = tpu.memref_slice %arg10[%rem3A_239, %run_scoped3A_271, %dma_start3A_281, %dma_start3A_282] : memref<2x5x128x16xf32, #tpu.memory_space<vmem>> -> memref<1x1x128x16xf32, #tpu.memory_space<vmem>>
          %dma_start3A_284 = tpu.memref_squeeze %dma_start3A_283 : memref<1x1x128x16xf32, #tpu.memory_space<vmem>> -> memref<128x16xf32, #tpu.memory_space<vmem>>
          %dma_start3A_285 = arith.constant 0 : i32
          %dma_start3A_286 = tpu.memref_slice %arg9[%rem3A_242, %run_scoped3A_272, %dma_start3A_285] : memref<3x5x128xi32, #tpu.memory_space<vmem>> -> memref<1x1x128xi32, #tpu.memory_space<vmem>>
          %dma_start3A_287 = tpu.memref_squeeze %dma_start3A_286 : memref<1x1x128xi32, #tpu.memory_space<vmem>> -> memref<128xi32, #tpu.memory_space<vmem>>
          %dma_start3A_288 = arith.constant 0 : i32
          %dma_start3A_289 = arith.constant 0 : i32
          %dma_start3A_290 = tpu.memref_slice %arg11[%dma_start3A_288, %dma_start3A_289] : memref<100352x16xf32, #tpu.memory_space<vmem_shared>> -> memref<100352x16xf32, #tpu.memory_space<vmem_shared>>
          tpu.enqueue_indirect_dma source(%dma_start3A_284 : memref<128x16xf32, #tpu.memory_space<vmem>>) target(%dma_start3A_290 : memref<100352x16xf32, #tpu.memory_space<vmem_shared>>) offsets(%dma_start3A_287 : memref<128xi32, #tpu.memory_space<vmem>>) semaphore(%run_scoped3A_280 : memref<!tpu.dma_semaphore, #tpu.memory_space<semaphore_mem>>) {add = true}
          %dma_wait3A_291 = arith.constant 0 : i32
          %dma_wait3A_292 = arith.constant 0 : i32
          %dma_wait3A_293 = tpu.memref_slice %arg10[%rem3A_239, %run_scoped3A_271, %dma_wait3A_291, %dma_wait3A_292] : memref<2x5x128x16xf32, #tpu.memory_space<vmem>> -> memref<1x1x128x16xf32, #tpu.memory_space<vmem>>
          %dma_wait3A_294 = tpu.memref_squeeze %dma_wait3A_293 : memref<1x1x128x16xf32, #tpu.memory_space<vmem>> -> memref<128x16xf32, #tpu.memory_space<vmem>>
          %dma_wait3A_295 = arith.constant 0 : i32
          %dma_wait3A_296 = tpu.memref_slice %arg9[%rem3A_242, %run_scoped3A_272, %dma_wait3A_295] : memref<3x5x128xi32, #tpu.memory_space<vmem>> -> memref<1x1x128xi32, #tpu.memory_space<vmem>>
          %dma_wait3A_297 = tpu.memref_squeeze %dma_wait3A_296 : memref<1x1x128xi32, #tpu.memory_space<vmem>> -> memref<128xi32, #tpu.memory_space<vmem>>
          %dma_wait3A_298 = arith.constant 0 : i32
          %dma_wait3A_299 = arith.constant 0 : i32
          %dma_wait3A_300 = tpu.memref_slice %arg11[%dma_wait3A_298, %dma_wait3A_299] : memref<100352x16xf32, #tpu.memory_space<vmem_shared>> -> memref<100352x16xf32, #tpu.memory_space<vmem_shared>>
          tpu.wait_indirect_dma semaphore(%run_scoped3A_280 : memref<!tpu.dma_semaphore, #tpu.memory_space<semaphore_mem>>) src(%dma_wait3A_294 : memref<128x16xf32, #tpu.memory_space<vmem>>) dst(%dma_wait3A_300 : memref<100352x16xf32, #tpu.memory_space<vmem_shared>>)
          tpu.yield
        }) : () -> ()
        %add3A_273 = arith.constant 1 : i32
        %add3A_274 = arith.addi %scan3A_238, %add3A_273 : i32
        %lt3A_275 = arith.constant 314 : i32
        %lt3A_276 = arith.cmpi slt, %add3A_274, %lt3A_275 : i32
        %convert_element_type3A_277 = arith.extui %lt3A_276 : i1 to i32
        %cond3A_278 = arith.constant 0 : i32
        %cond3A_279 = arith.cmpi ne, %convert_element_type3A_277, %cond3A_278 : i32
        scf.if %cond3A_279 {
          %dma_wait3A_280 = arith.constant 0 : i32
          %dma_wait3A_281 = arith.constant 0 : i32
          %dma_wait3A_282 = arith.constant 0 : i32
          %dma_wait3A_283 = arith.constant 0 : i32
          %dma_wait3A_284 = tpu.memref_slice %arg10[%sub3A_240, %dma_wait3A_281, %dma_wait3A_282, %dma_wait3A_283] : memref<2x5x128x16xf32, #tpu.memory_space<vmem>> -> memref<1x1x128x16xf32, #tpu.memory_space<vmem>>
          %dma_wait3A_285 = tpu.memref_squeeze %dma_wait3A_284 : memref<1x1x128x16xf32, #tpu.memory_space<vmem>> -> memref<128x16xf32, #tpu.memory_space<vmem>>
          %dma_wait3A_286 = arith.constant 0 : i32
          %dma_wait3A_287 = tpu.memref_slice %arg8[%rem3A_246, %dma_wait3A_280, %dma_wait3A_286] : memref<3x5x128xi32, #tpu.memory_space<vmem>> -> memref<1x1x128xi32, #tpu.memory_space<vmem>>
          %dma_wait3A_288 = tpu.memref_squeeze %dma_wait3A_287 : memref<1x1x128xi32, #tpu.memory_space<vmem>> -> memref<128xi32, #tpu.memory_space<vmem>>
          %dma_wait3A_289 = arith.constant 0 : i32
          %dma_wait3A_290 = arith.constant 0 : i32
          %dma_wait3A_291 = tpu.memref_slice %arg2[%dma_wait3A_289, %dma_wait3A_290] : memref<100000x16xf32, #tpu.memory_space<hbm>> -> memref<100000x16xf32, #tpu.memory_space<hbm>>
          tpu.wait_indirect_dma semaphore(%arg12 : memref<!tpu.dma_semaphore, #tpu.memory_space<semaphore_mem>>) src(%dma_wait3A_291 : memref<100000x16xf32, #tpu.memory_space<hbm>>) dst(%dma_wait3A_285 : memref<128x16xf32, #tpu.memory_space<vmem>>)
          %dma_wait3A_292 = arith.constant 1 : i32
          %dma_wait3A_293 = arith.constant 1 : i32
          %dma_wait3A_294 = arith.constant 0 : i32
          %dma_wait3A_295 = arith.constant 0 : i32
          %dma_wait3A_296 = tpu.memref_slice %arg10[%sub3A_240, %dma_wait3A_293, %dma_wait3A_294, %dma_wait3A_295] : memref<2x5x128x16xf32, #tpu.memory_space<vmem>> -> memref<1x1x128x16xf32, #tpu.memory_space<vmem>>
          %dma_wait3A_297 = tpu.memref_squeeze %dma_wait3A_296 : memref<1x1x128x16xf32, #tpu.memory_space<vmem>> -> memref<128x16xf32, #tpu.memory_space<vmem>>
          %dma_wait3A_298 = arith.constant 0 : i32
          %dma_wait3A_299 = tpu.memref_slice %arg8[%rem3A_246, %dma_wait3A_292, %dma_wait3A_298] : memref<3x5x128xi32, #tpu.memory_space<vmem>> -> memref<1x1x128xi32, #tpu.memory_space<vmem>>
          %dma_wait3A_300 = tpu.memref_squeeze %dma_wait3A_299 : memref<1x1x128xi32, #tpu.memory_space<vmem>> -> memref<128xi32, #tpu.memory_space<vmem>>
          %dma_wait3A_301 = arith.constant 0 : i32
          %dma_wait3A_302 = arith.constant 0 : i32
          %dma_wait3A_303 = tpu.memref_slice %arg2[%dma_wait3A_301, %dma_wait3A_302] : memref<100000x16xf32, #tpu.memory_space<hbm>> -> memref<100000x16xf32, #tpu.memory_space<hbm>>
          tpu.wait_indirect_dma semaphore(%arg12 : memref<!tpu.dma_semaphore, #tpu.memory_space<semaphore_mem>>) src(%dma_wait3A_303 : memref<100000x16xf32, #tpu.memory_space<hbm>>) dst(%dma_wait3A_297 : memref<128x16xf32, #tpu.memory_space<vmem>>)
          %dma_wait3A_304 = arith.constant 2 : i32
          %dma_wait3A_305 = arith.constant 2 : i32
          %dma_wait3A_306 = arith.constant 0 : i32
          %dma_wait3A_307 = arith.constant 0 : i32
          %dma_wait3A_308 = tpu.memref_slice %arg10[%sub3A_240, %dma_wait3A_305, %dma_wait3A_306, %dma_wait3A_307] : memref<2x5x128x16xf32, #tpu.memory_space<vmem>> -> memref<1x1x128x16xf32, #tpu.memory_space<vmem>>
          %dma_wait3A_309 = tpu.memref_squeeze %dma_wait3A_308 : memref<1x1x128x16xf32, #tpu.memory_space<vmem>> -> memref<128x16xf32, #tpu.memory_space<vmem>>
          %dma_wait3A_310 = arith.constant 0 : i32
          %dma_wait3A_311 = tpu.memref_slice %arg8[%rem3A_246, %dma_wait3A_304, %dma_wait3A_310] : memref<3x5x128xi32, #tpu.memory_space<vmem>> -> memref<1x1x128xi32, #tpu.memory_space<vmem>>
          %dma_wait3A_312 = tpu.memref_squeeze %dma_wait3A_311 : memref<1x1x128xi32, #tpu.memory_space<vmem>> -> memref<128xi32, #tpu.memory_space<vmem>>
          %dma_wait3A_313 = arith.constant 0 : i32
          %dma_wait3A_314 = arith.constant 0 : i32
          %dma_wait3A_315 = tpu.memref_slice %arg2[%dma_wait3A_313, %dma_wait3A_314] : memref<100000x16xf32, #tpu.memory_space<hbm>> -> memref<100000x16xf32, #tpu.memory_space<hbm>>
          tpu.wait_indirect_dma semaphore(%arg12 : memref<!tpu.dma_semaphore, #tpu.memory_space<semaphore_mem>>) src(%dma_wait3A_315 : memref<100000x16xf32, #tpu.memory_space<hbm>>) dst(%dma_wait3A_309 : memref<128x16xf32, #tpu.memory_space<vmem>>)
          %dma_wait3A_316 = arith.constant 3 : i32
          %dma_wait3A_317 = arith.constant 3 : i32
          %dma_wait3A_318 = arith.constant 0 : i32
          %dma_wait3A_319 = arith.constant 0 : i32
          %dma_wait3A_320 = tpu.memref_slice %arg10[%sub3A_240, %dma_wait3A_317, %dma_wait3A_318, %dma_wait3A_319] : memref<2x5x128x16xf32, #tpu.memory_space<vmem>> -> memref<1x1x128x16xf32, #tpu.memory_space<vmem>>
          %dma_wait3A_321 = tpu.memref_squeeze %dma_wait3A_320 : memref<1x1x128x16xf32, #tpu.memory_space<vmem>> -> memref<128x16xf32, #tpu.memory_space<vmem>>
          %dma_wait3A_322 = arith.constant 0 : i32
          %dma_wait3A_323 = tpu.memref_slice %arg8[%rem3A_246, %dma_wait3A_316, %dma_wait3A_322] : memref<3x5x128xi32, #tpu.memory_space<vmem>> -> memref<1x1x128xi32, #tpu.memory_space<vmem>>
          %dma_wait3A_324 = tpu.memref_squeeze %dma_wait3A_323 : memref<1x1x128xi32, #tpu.memory_space<vmem>> -> memref<128xi32, #tpu.memory_space<vmem>>
          %dma_wait3A_325 = arith.constant 0 : i32
          %dma_wait3A_326 = arith.constant 0 : i32
          %dma_wait3A_327 = tpu.memref_slice %arg2[%dma_wait3A_325, %dma_wait3A_326] : memref<100000x16xf32, #tpu.memory_space<hbm>> -> memref<100000x16xf32, #tpu.memory_space<hbm>>
          tpu.wait_indirect_dma semaphore(%arg12 : memref<!tpu.dma_semaphore, #tpu.memory_space<semaphore_mem>>) src(%dma_wait3A_327 : memref<100000x16xf32, #tpu.memory_space<hbm>>) dst(%dma_wait3A_321 : memref<128x16xf32, #tpu.memory_space<vmem>>)
          %dma_wait3A_328 = arith.constant 4 : i32
          %dma_wait3A_329 = arith.constant 4 : i32
          %dma_wait3A_330 = arith.constant 0 : i32
          %dma_wait3A_331 = arith.constant 0 : i32
          %dma_wait3A_332 = tpu.memref_slice %arg10[%sub3A_240, %dma_wait3A_329, %dma_wait3A_330, %dma_wait3A_331] : memref<2x5x128x16xf32, #tpu.memory_space<vmem>> -> memref<1x1x128x16xf32, #tpu.memory_space<vmem>>
          %dma_wait3A_333 = tpu.memref_squeeze %dma_wait3A_332 : memref<1x1x128x16xf32, #tpu.memory_space<vmem>> -> memref<128x16xf32, #tpu.memory_space<vmem>>
          %dma_wait3A_334 = arith.constant 0 : i32
          %dma_wait3A_335 = tpu.memref_slice %arg8[%rem3A_246, %dma_wait3A_328, %dma_wait3A_334] : memref<3x5x128xi32, #tpu.memory_space<vmem>> -> memref<1x1x128xi32, #tpu.memory_space<vmem>>
          %dma_wait3A_336 = tpu.memref_squeeze %dma_wait3A_335 : memref<1x1x128xi32, #tpu.memory_space<vmem>> -> memref<128xi32, #tpu.memory_space<vmem>>
          %dma_wait3A_337 = arith.constant 0 : i32
          %dma_wait3A_338 = arith.constant 0 : i32
          %dma_wait3A_339 = tpu.memref_slice %arg2[%dma_wait3A_337, %dma_wait3A_338] : memref<100000x16xf32, #tpu.memory_space<hbm>> -> memref<100000x16xf32, #tpu.memory_space<hbm>>
          tpu.wait_indirect_dma semaphore(%arg12 : memref<!tpu.dma_semaphore, #tpu.memory_space<semaphore_mem>>) src(%dma_wait3A_339 : memref<100000x16xf32, #tpu.memory_space<hbm>>) dst(%dma_wait3A_333 : memref<128x16xf32, #tpu.memory_space<vmem>>)
        } else {
        }
      }
      %scan3A_237 = arith.constant 314 : i32
    } else {
    }
    %eq3A_5 = arith.constant 1 : i32
    %eq3A_6 = arith.cmpi eq, %arg0, %eq3A_5 : i32
    %convert_element_type3A_7 = arith.extui %eq3A_6 : i1 to i32
    %cond3A_8 = arith.constant 0 : i32
    %cond3A_9 = arith.cmpi ne, %convert_element_type3A_7, %cond3A_8 : i32
    scf.if %cond3A_9 {
      %add3A_12 = arith.constant 0 : i32
      %add3A_13 = arith.addi %mul3A_2, %add3A_12 : i32
      %dma_start3A = arith.constant 0 : i32
      %dma_start3A_14 = arith.constant 0 : i32
      %dma_start3A_15 = arith.constant 0 : i32
      %dma_start3A_16 = tpu.memref_slice %arg8[%dma_start3A, %dma_start3A_14, %dma_start3A_15] : memref<3x5x128xi32, #tpu.memory_space<vmem>> -> memref<1x5x128xi32, #tpu.memory_space<vmem>>
      %dma_start3A_17 = tpu.memref_squeeze %dma_start3A_16 : memref<1x5x128xi32, #tpu.memory_space<vmem>> -> memref<5x128xi32, #tpu.memory_space<vmem>>
      %dma_start3A_18 = arith.constant 0 : i32
      %dma_start3A_19 = tpu.memref_slice %arg4[%add3A_13, %dma_start3A_18] : memref<25120x128xi32, #tpu.memory_space<hbm>> -> memref<5x128xi32, #tpu.memory_space<hbm>>
      %dma_start3A_20 = arith.constant 0 : i32
      %dma_start3A_21 = arith.constant 0 : i32
      %dma_start3A_22 = tpu.memref_slice %arg8[%dma_start3A, %dma_start3A_20, %dma_start3A_21] : memref<3x5x128xi32, #tpu.memory_space<vmem>> -> memref<1x5x128xi32, #tpu.memory_space<vmem>>
      %dma_start3A_23 = tpu.memref_squeeze %dma_start3A_22 : memref<1x5x128xi32, #tpu.memory_space<vmem>> -> memref<5x128xi32, #tpu.memory_space<vmem>>
      %dma_start3A_24 = arith.constant 0 : i32
      %dma_start3A_25 = tpu.memref_slice %arg4[%add3A_13, %dma_start3A_24] : memref<25120x128xi32, #tpu.memory_space<hbm>> -> memref<5x128xi32, #tpu.memory_space<hbm>>
      tpu.enqueue_dma source(%dma_start3A_25 : memref<5x128xi32, #tpu.memory_space<hbm>>) target(%dma_start3A_23 : memref<5x128xi32, #tpu.memory_space<vmem>>) target_semaphore(%arg13 : memref<!tpu.dma_semaphore, #tpu.memory_space<semaphore_mem>>)
      %dma_wait3A = arith.constant 0 : i32
      %dma_wait3A_26 = arith.constant 0 : i32
      %dma_wait3A_27 = arith.constant 0 : i32
      %dma_wait3A_28 = tpu.memref_slice %arg8[%dma_wait3A, %dma_wait3A_26, %dma_wait3A_27] : memref<3x5x128xi32, #tpu.memory_space<vmem>> -> memref<1x5x128xi32, #tpu.memory_space<vmem>>
      %dma_wait3A_29 = tpu.memref_squeeze %dma_wait3A_28 : memref<1x5x128xi32, #tpu.memory_space<vmem>> -> memref<5x128xi32, #tpu.memory_space<vmem>>
      %dma_wait3A_30 = arith.constant 0 : i32
      %dma_wait3A_31 = tpu.memref_slice %arg4[%add3A_13, %dma_wait3A_30] : memref<25120x128xi32, #tpu.memory_space<hbm>> -> memref<5x128xi32, #tpu.memory_space<hbm>>
      %dma_wait3A_32 = arith.constant 0 : i32
      %dma_wait3A_33 = arith.constant 0 : i32
      %dma_wait3A_34 = tpu.memref_slice %arg8[%dma_wait3A, %dma_wait3A_32, %dma_wait3A_33] : memref<3x5x128xi32, #tpu.memory_space<vmem>> -> memref<1x5x128xi32, #tpu.memory_space<vmem>>
      %dma_wait3A_35 = tpu.memref_squeeze %dma_wait3A_34 : memref<1x5x128xi32, #tpu.memory_space<vmem>> -> memref<5x128xi32, #tpu.memory_space<vmem>>
      %dma_wait3A_36 = arith.constant 0 : i32
      %dma_wait3A_37 = tpu.memref_slice %arg4[%add3A_13, %dma_wait3A_36] : memref<25120x128xi32, #tpu.memory_space<hbm>> -> memref<5x128xi32, #tpu.memory_space<hbm>>
      tpu.wait_dma2 semaphore(%arg13 : memref<!tpu.dma_semaphore, #tpu.memory_space<semaphore_mem>>) src(%dma_wait3A_37 : memref<5x128xi32, #tpu.memory_space<hbm>>) dst(%dma_wait3A_35 : memref<5x128xi32, #tpu.memory_space<vmem>>)
      %dma_start3A_38 = arith.constant 0 : i32
      %dma_start3A_39 = arith.constant 0 : i32
      %dma_start3A_40 = arith.constant 0 : i32
      %dma_start3A_41 = tpu.memref_slice %arg9[%dma_start3A_38, %dma_start3A_39, %dma_start3A_40] : memref<3x5x128xi32, #tpu.memory_space<vmem>> -> memref<1x5x128xi32, #tpu.memory_space<vmem>>
      %dma_start3A_42 = tpu.memref_squeeze %dma_start3A_41 : memref<1x5x128xi32, #tpu.memory_space<vmem>> -> memref<5x128xi32, #tpu.memory_space<vmem>>
      %dma_start3A_43 = arith.constant 0 : i32
      %dma_start3A_44 = tpu.memref_slice %arg5[%add3A_13, %dma_start3A_43] : memref<25120x128xi32, #tpu.memory_space<hbm>> -> memref<5x128xi32, #tpu.memory_space<hbm>>
      %dma_start3A_45 = arith.constant 0 : i32
      %dma_start3A_46 = arith.constant 0 : i32
      %dma_start3A_47 = tpu.memref_slice %arg9[%dma_start3A_38, %dma_start3A_45, %dma_start3A_46] : memref<3x5x128xi32, #tpu.memory_space<vmem>> -> memref<1x5x128xi32, #tpu.memory_space<vmem>>
      %dma_start3A_48 = tpu.memref_squeeze %dma_start3A_47 : memref<1x5x128xi32, #tpu.memory_space<vmem>> -> memref<5x128xi32, #tpu.memory_space<vmem>>
      %dma_start3A_49 = arith.constant 0 : i32
      %dma_start3A_50 = tpu.memref_slice %arg5[%add3A_13, %dma_start3A_49] : memref<25120x128xi32, #tpu.memory_space<hbm>> -> memref<5x128xi32, #tpu.memory_space<hbm>>
      tpu.enqueue_dma source(%dma_start3A_50 : memref<5x128xi32, #tpu.memory_space<hbm>>) target(%dma_start3A_48 : memref<5x128xi32, #tpu.memory_space<vmem>>) target_semaphore(%arg13 : memref<!tpu.dma_semaphore, #tpu.memory_space<semaphore_mem>>)
      %dma_wait3A_51 = arith.constant 0 : i32
      %dma_wait3A_52 = arith.constant 0 : i32
      %dma_wait3A_53 = arith.constant 0 : i32
      %dma_wait3A_54 = tpu.memref_slice %arg9[%dma_wait3A_51, %dma_wait3A_52, %dma_wait3A_53] : memref<3x5x128xi32, #tpu.memory_space<vmem>> -> memref<1x5x128xi32, #tpu.memory_space<vmem>>
      %dma_wait3A_55 = tpu.memref_squeeze %dma_wait3A_54 : memref<1x5x128xi32, #tpu.memory_space<vmem>> -> memref<5x128xi32, #tpu.memory_space<vmem>>
      %dma_wait3A_56 = arith.constant 0 : i32
      %dma_wait3A_57 = tpu.memref_slice %arg5[%add3A_13, %dma_wait3A_56] : memref<25120x128xi32, #tpu.memory_space<hbm>> -> memref<5x128xi32, #tpu.memory_space<hbm>>
      %dma_wait3A_58 = arith.constant 0 : i32
      %dma_wait3A_59 = arith.constant 0 : i32
      %dma_wait3A_60 = tpu.memref_slice %arg9[%dma_wait3A_51, %dma_wait3A_58, %dma_wait3A_59] : memref<3x5x128xi32, #tpu.memory_space<vmem>> -> memref<1x5x128xi32, #tpu.memory_space<vmem>>
      %dma_wait3A_61 = tpu.memref_squeeze %dma_wait3A_60 : memref<1x5x128xi32, #tpu.memory_space<vmem>> -> memref<5x128xi32, #tpu.memory_space<vmem>>
      %dma_wait3A_62 = arith.constant 0 : i32
      %dma_wait3A_63 = tpu.memref_slice %arg5[%add3A_13, %dma_wait3A_62] : memref<25120x128xi32, #tpu.memory_space<hbm>> -> memref<5x128xi32, #tpu.memory_space<hbm>>
      tpu.wait_dma2 semaphore(%arg13 : memref<!tpu.dma_semaphore, #tpu.memory_space<semaphore_mem>>) src(%dma_wait3A_63 : memref<5x128xi32, #tpu.memory_space<hbm>>) dst(%dma_wait3A_61 : memref<5x128xi32, #tpu.memory_space<vmem>>)
      %dma_start3A_64 = arith.constant 0 : i32
      %dma_start3A_65 = arith.constant 0 : i32
      %dma_start3A_66 = arith.constant 0 : i32
      %dma_start3A_67 = arith.constant 0 : i32
      %dma_start3A_68 = arith.constant 0 : i32
      %dma_start3A_69 = arith.constant 0 : i32
      %dma_start3A_70 = tpu.memref_slice %arg10[%dma_start3A_66, %dma_start3A_67, %dma_start3A_68, %dma_start3A_69] : memref<2x5x128x16xf32, #tpu.memory_space<vmem>> -> memref<1x1x128x16xf32, #tpu.memory_space<vmem>>
      %dma_start3A_71 = tpu.memref_squeeze %dma_start3A_70 : memref<1x1x128x16xf32, #tpu.memory_space<vmem>> -> memref<128x16xf32, #tpu.memory_space<vmem>>
      %dma_start3A_72 = arith.constant 0 : i32
      %dma_start3A_73 = tpu.memref_slice %arg8[%dma_start3A_64, %dma_start3A_65, %dma_start3A_72] : memref<3x5x128xi32, #tpu.memory_space<vmem>> -> memref<1x1x128xi32, #tpu.memory_space<vmem>>
      %dma_start3A_74 = tpu.memref_squeeze %dma_start3A_73 : memref<1x1x128xi32, #tpu.memory_space<vmem>> -> memref<128xi32, #tpu.memory_space<vmem>>
      %dma_start3A_75 = arith.constant 0 : i32
      %dma_start3A_76 = arith.constant 0 : i32
      %dma_start3A_77 = tpu.memref_slice %arg3[%dma_start3A_75, %dma_start3A_76] : memref<100000x16xf32, #tpu.memory_space<hbm>> -> memref<100000x16xf32, #tpu.memory_space<hbm>>
      tpu.enqueue_indirect_dma source(%dma_start3A_77 : memref<100000x16xf32, #tpu.memory_space<hbm>>) target(%dma_start3A_71 : memref<128x16xf32, #tpu.memory_space<vmem>>) offsets(%dma_start3A_74 : memref<128xi32, #tpu.memory_space<vmem>>) semaphore(%arg12 : memref<!tpu.dma_semaphore, #tpu.memory_space<semaphore_mem>>)
      %dma_start3A_78 = arith.constant 0 : i32
      %dma_start3A_79 = arith.constant 1 : i32
      %dma_start3A_80 = arith.constant 0 : i32
      %dma_start3A_81 = arith.constant 1 : i32
      %dma_start3A_82 = arith.constant 0 : i32
      %dma_start3A_83 = arith.constant 0 : i32
      %dma_start3A_84 = tpu.memref_slice %arg10[%dma_start3A_80, %dma_start3A_81, %dma_start3A_82, %dma_start3A_83] : memref<2x5x128x16xf32, #tpu.memory_space<vmem>> -> memref<1x1x128x16xf32, #tpu.memory_space<vmem>>
      %dma_start3A_85 = tpu.memref_squeeze %dma_start3A_84 : memref<1x1x128x16xf32, #tpu.memory_space<vmem>> -> memref<128x16xf32, #tpu.memory_space<vmem>>
      %dma_start3A_86 = arith.constant 0 : i32
      %dma_start3A_87 = tpu.memref_slice %arg8[%dma_start3A_78, %dma_start3A_79, %dma_start3A_86] : memref<3x5x128xi32, #tpu.memory_space<vmem>> -> memref<1x1x128xi32, #tpu.memory_space<vmem>>
      %dma_start3A_88 = tpu.memref_squeeze %dma_start3A_87 : memref<1x1x128xi32, #tpu.memory_space<vmem>> -> memref<128xi32, #tpu.memory_space<vmem>>
      %dma_start3A_89 = arith.constant 0 : i32
      %dma_start3A_90 = arith.constant 0 : i32
      %dma_start3A_91 = tpu.memref_slice %arg3[%dma_start3A_89, %dma_start3A_90] : memref<100000x16xf32, #tpu.memory_space<hbm>> -> memref<100000x16xf32, #tpu.memory_space<hbm>>
      tpu.enqueue_indirect_dma source(%dma_start3A_91 : memref<100000x16xf32, #tpu.memory_space<hbm>>) target(%dma_start3A_85 : memref<128x16xf32, #tpu.memory_space<vmem>>) offsets(%dma_start3A_88 : memref<128xi32, #tpu.memory_space<vmem>>) semaphore(%arg12 : memref<!tpu.dma_semaphore, #tpu.memory_space<semaphore_mem>>)
      %dma_start3A_92 = arith.constant 0 : i32
      %dma_start3A_93 = arith.constant 2 : i32
      %dma_start3A_94 = arith.constant 0 : i32
      %dma_start3A_95 = arith.constant 2 : i32
      %dma_start3A_96 = arith.constant 0 : i32
      %dma_start3A_97 = arith.constant 0 : i32
      %dma_start3A_98 = tpu.memref_slice %arg10[%dma_start3A_94, %dma_start3A_95, %dma_start3A_96, %dma_start3A_97] : memref<2x5x128x16xf32, #tpu.memory_space<vmem>> -> memref<1x1x128x16xf32, #tpu.memory_space<vmem>>
      %dma_start3A_99 = tpu.memref_squeeze %dma_start3A_98 : memref<1x1x128x16xf32, #tpu.memory_space<vmem>> -> memref<128x16xf32, #tpu.memory_space<vmem>>
      %dma_start3A_100 = arith.constant 0 : i32
      %dma_start3A_101 = tpu.memref_slice %arg8[%dma_start3A_92, %dma_start3A_93, %dma_start3A_100] : memref<3x5x128xi32, #tpu.memory_space<vmem>> -> memref<1x1x128xi32, #tpu.memory_space<vmem>>
      %dma_start3A_102 = tpu.memref_squeeze %dma_start3A_101 : memref<1x1x128xi32, #tpu.memory_space<vmem>> -> memref<128xi32, #tpu.memory_space<vmem>>
      %dma_start3A_103 = arith.constant 0 : i32
      %dma_start3A_104 = arith.constant 0 : i32
      %dma_start3A_105 = tpu.memref_slice %arg3[%dma_start3A_103, %dma_start3A_104] : memref<100000x16xf32, #tpu.memory_space<hbm>> -> memref<100000x16xf32, #tpu.memory_space<hbm>>
      tpu.enqueue_indirect_dma source(%dma_start3A_105 : memref<100000x16xf32, #tpu.memory_space<hbm>>) target(%dma_start3A_99 : memref<128x16xf32, #tpu.memory_space<vmem>>) offsets(%dma_start3A_102 : memref<128xi32, #tpu.memory_space<vmem>>) semaphore(%arg12 : memref<!tpu.dma_semaphore, #tpu.memory_space<semaphore_mem>>)
      %dma_start3A_106 = arith.constant 0 : i32
      %dma_start3A_107 = arith.constant 3 : i32
      %dma_start3A_108 = arith.constant 0 : i32
      %dma_start3A_109 = arith.constant 3 : i32
      %dma_start3A_110 = arith.constant 0 : i32
      %dma_start3A_111 = arith.constant 0 : i32
      %dma_start3A_112 = tpu.memref_slice %arg10[%dma_start3A_108, %dma_start3A_109, %dma_start3A_110, %dma_start3A_111] : memref<2x5x128x16xf32, #tpu.memory_space<vmem>> -> memref<1x1x128x16xf32, #tpu.memory_space<vmem>>
      %dma_start3A_113 = tpu.memref_squeeze %dma_start3A_112 : memref<1x1x128x16xf32, #tpu.memory_space<vmem>> -> memref<128x16xf32, #tpu.memory_space<vmem>>
      %dma_start3A_114 = arith.constant 0 : i32
      %dma_start3A_115 = tpu.memref_slice %arg8[%dma_start3A_106, %dma_start3A_107, %dma_start3A_114] : memref<3x5x128xi32, #tpu.memory_space<vmem>> -> memref<1x1x128xi32, #tpu.memory_space<vmem>>
      %dma_start3A_116 = tpu.memref_squeeze %dma_start3A_115 : memref<1x1x128xi32, #tpu.memory_space<vmem>> -> memref<128xi32, #tpu.memory_space<vmem>>
      %dma_start3A_117 = arith.constant 0 : i32
      %dma_start3A_118 = arith.constant 0 : i32
      %dma_start3A_119 = tpu.memref_slice %arg3[%dma_start3A_117, %dma_start3A_118] : memref<100000x16xf32, #tpu.memory_space<hbm>> -> memref<100000x16xf32, #tpu.memory_space<hbm>>
      tpu.enqueue_indirect_dma source(%dma_start3A_119 : memref<100000x16xf32, #tpu.memory_space<hbm>>) target(%dma_start3A_113 : memref<128x16xf32, #tpu.memory_space<vmem>>) offsets(%dma_start3A_116 : memref<128xi32, #tpu.memory_space<vmem>>) semaphore(%arg12 : memref<!tpu.dma_semaphore, #tpu.memory_space<semaphore_mem>>)
      %dma_start3A_120 = arith.constant 0 : i32
      %dma_start3A_121 = arith.constant 4 : i32
      %dma_start3A_122 = arith.constant 0 : i32
      %dma_start3A_123 = arith.constant 4 : i32
      %dma_start3A_124 = arith.constant 0 : i32
      %dma_start3A_125 = arith.constant 0 : i32
      %dma_start3A_126 = tpu.memref_slice %arg10[%dma_start3A_122, %dma_start3A_123, %dma_start3A_124, %dma_start3A_125] : memref<2x5x128x16xf32, #tpu.memory_space<vmem>> -> memref<1x1x128x16xf32, #tpu.memory_space<vmem>>
      %dma_start3A_127 = tpu.memref_squeeze %dma_start3A_126 : memref<1x1x128x16xf32, #tpu.memory_space<vmem>> -> memref<128x16xf32, #tpu.memory_space<vmem>>
      %dma_start3A_128 = arith.constant 0 : i32
      %dma_start3A_129 = tpu.memref_slice %arg8[%dma_start3A_120, %dma_start3A_121, %dma_start3A_128] : memref<3x5x128xi32, #tpu.memory_space<vmem>> -> memref<1x1x128xi32, #tpu.memory_space<vmem>>
      %dma_start3A_130 = tpu.memref_squeeze %dma_start3A_129 : memref<1x1x128xi32, #tpu.memory_space<vmem>> -> memref<128xi32, #tpu.memory_space<vmem>>
      %dma_start3A_131 = arith.constant 0 : i32
      %dma_start3A_132 = arith.constant 0 : i32
      %dma_start3A_133 = tpu.memref_slice %arg3[%dma_start3A_131, %dma_start3A_132] : memref<100000x16xf32, #tpu.memory_space<hbm>> -> memref<100000x16xf32, #tpu.memory_space<hbm>>
      tpu.enqueue_indirect_dma source(%dma_start3A_133 : memref<100000x16xf32, #tpu.memory_space<hbm>>) target(%dma_start3A_127 : memref<128x16xf32, #tpu.memory_space<vmem>>) offsets(%dma_start3A_130 : memref<128xi32, #tpu.memory_space<vmem>>) semaphore(%arg12 : memref<!tpu.dma_semaphore, #tpu.memory_space<semaphore_mem>>)
      %add3A_134 = arith.constant 5 : i32
      %add3A_135 = arith.addi %mul3A_2, %add3A_134 : i32
      %dma_start3A_136 = arith.constant 1 : i32
      %dma_start3A_137 = arith.constant 0 : i32
      %dma_start3A_138 = arith.constant 0 : i32
      %dma_start3A_139 = tpu.memref_slice %arg8[%dma_start3A_136, %dma_start3A_137, %dma_start3A_138] : memref<3x5x128xi32, #tpu.memory_space<vmem>> -> memref<1x5x128xi32, #tpu.memory_space<vmem>>
      %dma_start3A_140 = tpu.memref_squeeze %dma_start3A_139 : memref<1x5x128xi32, #tpu.memory_space<vmem>> -> memref<5x128xi32, #tpu.memory_space<vmem>>
      %dma_start3A_141 = arith.constant 0 : i32
      %dma_start3A_142 = tpu.memref_slice %arg4[%add3A_135, %dma_start3A_141] : memref<25120x128xi32, #tpu.memory_space<hbm>> -> memref<5x128xi32, #tpu.memory_space<hbm>>
      %dma_start3A_143 = arith.constant 0 : i32
      %dma_start3A_144 = arith.constant 0 : i32
      %dma_start3A_145 = tpu.memref_slice %arg8[%dma_start3A_136, %dma_start3A_143, %dma_start3A_144] : memref<3x5x128xi32, #tpu.memory_space<vmem>> -> memref<1x5x128xi32, #tpu.memory_space<vmem>>
      %dma_start3A_146 = tpu.memref_squeeze %dma_start3A_145 : memref<1x5x128xi32, #tpu.memory_space<vmem>> -> memref<5x128xi32, #tpu.memory_space<vmem>>
      %dma_start3A_147 = arith.constant 0 : i32
      %dma_start3A_148 = tpu.memref_slice %arg4[%add3A_135, %dma_start3A_147] : memref<25120x128xi32, #tpu.memory_space<hbm>> -> memref<5x128xi32, #tpu.memory_space<hbm>>
      tpu.enqueue_dma source(%dma_start3A_148 : memref<5x128xi32, #tpu.memory_space<hbm>>) target(%dma_start3A_146 : memref<5x128xi32, #tpu.memory_space<vmem>>) target_semaphore(%arg13 : memref<!tpu.dma_semaphore, #tpu.memory_space<semaphore_mem>>)
      %dma_start3A_149 = arith.constant 1 : i32
      %dma_start3A_150 = arith.constant 0 : i32
      %dma_start3A_151 = arith.constant 0 : i32
      %dma_start3A_152 = tpu.memref_slice %arg9[%dma_start3A_149, %dma_start3A_150, %dma_start3A_151] : memref<3x5x128xi32, #tpu.memory_space<vmem>> -> memref<1x5x128xi32, #tpu.memory_space<vmem>>
      %dma_start3A_153 = tpu.memref_squeeze %dma_start3A_152 : memref<1x5x128xi32, #tpu.memory_space<vmem>> -> memref<5x128xi32, #tpu.memory_space<vmem>>
      %dma_start3A_154 = arith.constant 0 : i32
      %dma_start3A_155 = tpu.memref_slice %arg5[%add3A_135, %dma_start3A_154] : memref<25120x128xi32, #tpu.memory_space<hbm>> -> memref<5x128xi32, #tpu.memory_space<hbm>>
      %dma_start3A_156 = arith.constant 0 : i32
      %dma_start3A_157 = arith.constant 0 : i32
      %dma_start3A_158 = tpu.memref_slice %arg9[%dma_start3A_149, %dma_start3A_156, %dma_start3A_157] : memref<3x5x128xi32, #tpu.memory_space<vmem>> -> memref<1x5x128xi32, #tpu.memory_space<vmem>>
      %dma_start3A_159 = tpu.memref_squeeze %dma_start3A_158 : memref<1x5x128xi32, #tpu.memory_space<vmem>> -> memref<5x128xi32, #tpu.memory_space<vmem>>
      %dma_start3A_160 = arith.constant 0 : i32
      %dma_start3A_161 = tpu.memref_slice %arg5[%add3A_135, %dma_start3A_160] : memref<25120x128xi32, #tpu.memory_space<hbm>> -> memref<5x128xi32, #tpu.memory_space<hbm>>
      tpu.enqueue_dma source(%dma_start3A_161 : memref<5x128xi32, #tpu.memory_space<hbm>>) target(%dma_start3A_159 : memref<5x128xi32, #tpu.memory_space<vmem>>) target_semaphore(%arg13 : memref<!tpu.dma_semaphore, #tpu.memory_space<semaphore_mem>>)
      "tpu.region"() ({
        %run_scoped3A = tpu.sem_alloc : memref<!tpu.dma_semaphore, #tpu.memory_space<semaphore_mem>>
        %dma_start3A_238 = arith.constant 0 : i32
        %dma_start3A_239 = tpu.memref_slice %arg11[%mul3A_0, %dma_start3A_238] : memref<100352x16xf32, #tpu.memory_space<vmem_shared>> -> memref<6272x16xf32, #tpu.memory_space<vmem_shared>>
        tpu.enqueue_dma source(%arg6 : memref<6272x16xf32, #tpu.memory_space<hbm>>) target(%dma_start3A_239 : memref<6272x16xf32, #tpu.memory_space<vmem_shared>>) target_semaphore(%run_scoped3A : memref<!tpu.dma_semaphore, #tpu.memory_space<semaphore_mem>>)
        %dma_wait3A_240 = arith.constant 0 : i32
        %dma_wait3A_241 = tpu.memref_slice %arg11[%mul3A_0, %dma_wait3A_240] : memref<100352x16xf32, #tpu.memory_space<vmem_shared>> -> memref<6272x16xf32, #tpu.memory_space<vmem_shared>>
        tpu.wait_dma2 semaphore(%run_scoped3A : memref<!tpu.dma_semaphore, #tpu.memory_space<semaphore_mem>>) src(%arg6 : memref<6272x16xf32, #tpu.memory_space<hbm>>) dst(%dma_wait3A_241 : memref<6272x16xf32, #tpu.memory_space<vmem_shared>>)
        tpu.yield
      }) : () -> ()
      %barrier3A_162 = arith.constant 0 : index
      tpu.barrier barrier_id(%barrier3A_162)
      %dma_wait3A_163 = arith.constant 0 : i32
      %dma_wait3A_164 = arith.constant 0 : i32
      %dma_wait3A_165 = arith.constant 0 : i32
      %dma_wait3A_166 = arith.constant 0 : i32
      %dma_wait3A_167 = arith.constant 0 : i32
      %dma_wait3A_168 = arith.constant 0 : i32
      %dma_wait3A_169 = tpu.memref_slice %arg10[%dma_wait3A_165, %dma_wait3A_166, %dma_wait3A_167, %dma_wait3A_168] : memref<2x5x128x16xf32, #tpu.memory_space<vmem>> -> memref<1x1x128x16xf32, #tpu.memory_space<vmem>>
      %dma_wait3A_170 = tpu.memref_squeeze %dma_wait3A_169 : memref<1x1x128x16xf32, #tpu.memory_space<vmem>> -> memref<128x16xf32, #tpu.memory_space<vmem>>
      %dma_wait3A_171 = arith.constant 0 : i32
      %dma_wait3A_172 = tpu.memref_slice %arg8[%dma_wait3A_163, %dma_wait3A_164, %dma_wait3A_171] : memref<3x5x128xi32, #tpu.memory_space<vmem>> -> memref<1x1x128xi32, #tpu.memory_space<vmem>>
      %dma_wait3A_173 = tpu.memref_squeeze %dma_wait3A_172 : memref<1x1x128xi32, #tpu.memory_space<vmem>> -> memref<128xi32, #tpu.memory_space<vmem>>
      %dma_wait3A_174 = arith.constant 0 : i32
      %dma_wait3A_175 = arith.constant 0 : i32
      %dma_wait3A_176 = tpu.memref_slice %arg3[%dma_wait3A_174, %dma_wait3A_175] : memref<100000x16xf32, #tpu.memory_space<hbm>> -> memref<100000x16xf32, #tpu.memory_space<hbm>>
      tpu.wait_indirect_dma semaphore(%arg12 : memref<!tpu.dma_semaphore, #tpu.memory_space<semaphore_mem>>) src(%dma_wait3A_176 : memref<100000x16xf32, #tpu.memory_space<hbm>>) dst(%dma_wait3A_170 : memref<128x16xf32, #tpu.memory_space<vmem>>)
      %dma_wait3A_177 = arith.constant 0 : i32
      %dma_wait3A_178 = arith.constant 1 : i32
      %dma_wait3A_179 = arith.constant 0 : i32
      %dma_wait3A_180 = arith.constant 1 : i32
      %dma_wait3A_181 = arith.constant 0 : i32
      %dma_wait3A_182 = arith.constant 0 : i32
      %dma_wait3A_183 = tpu.memref_slice %arg10[%dma_wait3A_179, %dma_wait3A_180, %dma_wait3A_181, %dma_wait3A_182] : memref<2x5x128x16xf32, #tpu.memory_space<vmem>> -> memref<1x1x128x16xf32, #tpu.memory_space<vmem>>
      %dma_wait3A_184 = tpu.memref_squeeze %dma_wait3A_183 : memref<1x1x128x16xf32, #tpu.memory_space<vmem>> -> memref<128x16xf32, #tpu.memory_space<vmem>>
      %dma_wait3A_185 = arith.constant 0 : i32
      %dma_wait3A_186 = tpu.memref_slice %arg8[%dma_wait3A_177, %dma_wait3A_178, %dma_wait3A_185] : memref<3x5x128xi32, #tpu.memory_space<vmem>> -> memref<1x1x128xi32, #tpu.memory_space<vmem>>
      %dma_wait3A_187 = tpu.memref_squeeze %dma_wait3A_186 : memref<1x1x128xi32, #tpu.memory_space<vmem>> -> memref<128xi32, #tpu.memory_space<vmem>>
      %dma_wait3A_188 = arith.constant 0 : i32
      %dma_wait3A_189 = arith.constant 0 : i32
      %dma_wait3A_190 = tpu.memref_slice %arg3[%dma_wait3A_188, %dma_wait3A_189] : memref<100000x16xf32, #tpu.memory_space<hbm>> -> memref<100000x16xf32, #tpu.memory_space<hbm>>
      tpu.wait_indirect_dma semaphore(%arg12 : memref<!tpu.dma_semaphore, #tpu.memory_space<semaphore_mem>>) src(%dma_wait3A_190 : memref<100000x16xf32, #tpu.memory_space<hbm>>) dst(%dma_wait3A_184 : memref<128x16xf32, #tpu.memory_space<vmem>>)
      %dma_wait3A_191 = arith.constant 0 : i32
      %dma_wait3A_192 = arith.constant 2 : i32
      %dma_wait3A_193 = arith.constant 0 : i32
      %dma_wait3A_194 = arith.constant 2 : i32
      %dma_wait3A_195 = arith.constant 0 : i32
      %dma_wait3A_196 = arith.constant 0 : i32
      %dma_wait3A_197 = tpu.memref_slice %arg10[%dma_wait3A_193, %dma_wait3A_194, %dma_wait3A_195, %dma_wait3A_196] : memref<2x5x128x16xf32, #tpu.memory_space<vmem>> -> memref<1x1x128x16xf32, #tpu.memory_space<vmem>>
      %dma_wait3A_198 = tpu.memref_squeeze %dma_wait3A_197 : memref<1x1x128x16xf32, #tpu.memory_space<vmem>> -> memref<128x16xf32, #tpu.memory_space<vmem>>
      %dma_wait3A_199 = arith.constant 0 : i32
      %dma_wait3A_200 = tpu.memref_slice %arg8[%dma_wait3A_191, %dma_wait3A_192, %dma_wait3A_199] : memref<3x5x128xi32, #tpu.memory_space<vmem>> -> memref<1x1x128xi32, #tpu.memory_space<vmem>>
      %dma_wait3A_201 = tpu.memref_squeeze %dma_wait3A_200 : memref<1x1x128xi32, #tpu.memory_space<vmem>> -> memref<128xi32, #tpu.memory_space<vmem>>
      %dma_wait3A_202 = arith.constant 0 : i32
      %dma_wait3A_203 = arith.constant 0 : i32
      %dma_wait3A_204 = tpu.memref_slice %arg3[%dma_wait3A_202, %dma_wait3A_203] : memref<100000x16xf32, #tpu.memory_space<hbm>> -> memref<100000x16xf32, #tpu.memory_space<hbm>>
      tpu.wait_indirect_dma semaphore(%arg12 : memref<!tpu.dma_semaphore, #tpu.memory_space<semaphore_mem>>) src(%dma_wait3A_204 : memref<100000x16xf32, #tpu.memory_space<hbm>>) dst(%dma_wait3A_198 : memref<128x16xf32, #tpu.memory_space<vmem>>)
      %dma_wait3A_205 = arith.constant 0 : i32
      %dma_wait3A_206 = arith.constant 3 : i32
      %dma_wait3A_207 = arith.constant 0 : i32
      %dma_wait3A_208 = arith.constant 3 : i32
      %dma_wait3A_209 = arith.constant 0 : i32
      %dma_wait3A_210 = arith.constant 0 : i32
      %dma_wait3A_211 = tpu.memref_slice %arg10[%dma_wait3A_207, %dma_wait3A_208, %dma_wait3A_209, %dma_wait3A_210] : memref<2x5x128x16xf32, #tpu.memory_space<vmem>> -> memref<1x1x128x16xf32, #tpu.memory_space<vmem>>
      %dma_wait3A_212 = tpu.memref_squeeze %dma_wait3A_211 : memref<1x1x128x16xf32, #tpu.memory_space<vmem>> -> memref<128x16xf32, #tpu.memory_space<vmem>>
      %dma_wait3A_213 = arith.constant 0 : i32
      %dma_wait3A_214 = tpu.memref_slice %arg8[%dma_wait3A_205, %dma_wait3A_206, %dma_wait3A_213] : memref<3x5x128xi32, #tpu.memory_space<vmem>> -> memref<1x1x128xi32, #tpu.memory_space<vmem>>
      %dma_wait3A_215 = tpu.memref_squeeze %dma_wait3A_214 : memref<1x1x128xi32, #tpu.memory_space<vmem>> -> memref<128xi32, #tpu.memory_space<vmem>>
      %dma_wait3A_216 = arith.constant 0 : i32
      %dma_wait3A_217 = arith.constant 0 : i32
      %dma_wait3A_218 = tpu.memref_slice %arg3[%dma_wait3A_216, %dma_wait3A_217] : memref<100000x16xf32, #tpu.memory_space<hbm>> -> memref<100000x16xf32, #tpu.memory_space<hbm>>
      tpu.wait_indirect_dma semaphore(%arg12 : memref<!tpu.dma_semaphore, #tpu.memory_space<semaphore_mem>>) src(%dma_wait3A_218 : memref<100000x16xf32, #tpu.memory_space<hbm>>) dst(%dma_wait3A_212 : memref<128x16xf32, #tpu.memory_space<vmem>>)
      %dma_wait3A_219 = arith.constant 0 : i32
      %dma_wait3A_220 = arith.constant 4 : i32
      %dma_wait3A_221 = arith.constant 0 : i32
      %dma_wait3A_222 = arith.constant 4 : i32
      %dma_wait3A_223 = arith.constant 0 : i32
      %dma_wait3A_224 = arith.constant 0 : i32
      %dma_wait3A_225 = tpu.memref_slice %arg10[%dma_wait3A_221, %dma_wait3A_222, %dma_wait3A_223, %dma_wait3A_224] : memref<2x5x128x16xf32, #tpu.memory_space<vmem>> -> memref<1x1x128x16xf32, #tpu.memory_space<vmem>>
      %dma_wait3A_226 = tpu.memref_squeeze %dma_wait3A_225 : memref<1x1x128x16xf32, #tpu.memory_space<vmem>> -> memref<128x16xf32, #tpu.memory_space<vmem>>
      %dma_wait3A_227 = arith.constant 0 : i32
      %dma_wait3A_228 = tpu.memref_slice %arg8[%dma_wait3A_219, %dma_wait3A_220, %dma_wait3A_227] : memref<3x5x128xi32, #tpu.memory_space<vmem>> -> memref<1x1x128xi32, #tpu.memory_space<vmem>>
      %dma_wait3A_229 = tpu.memref_squeeze %dma_wait3A_228 : memref<1x1x128xi32, #tpu.memory_space<vmem>> -> memref<128xi32, #tpu.memory_space<vmem>>
      %dma_wait3A_230 = arith.constant 0 : i32
      %dma_wait3A_231 = arith.constant 0 : i32
      %dma_wait3A_232 = tpu.memref_slice %arg3[%dma_wait3A_230, %dma_wait3A_231] : memref<100000x16xf32, #tpu.memory_space<hbm>> -> memref<100000x16xf32, #tpu.memory_space<hbm>>
      tpu.wait_indirect_dma semaphore(%arg12 : memref<!tpu.dma_semaphore, #tpu.memory_space<semaphore_mem>>) src(%dma_wait3A_232 : memref<100000x16xf32, #tpu.memory_space<hbm>>) dst(%dma_wait3A_226 : memref<128x16xf32, #tpu.memory_space<vmem>>)
      %scan3A = arith.constant 0 : i32
      %scan3A_233 = arith.constant 0 : i32
      %scan3A_234 = arith.constant 314 : i32
      %scan3A_235 = arith.addi %scan3A_233, %scan3A_234 : i32
      %scan3A_236 = arith.constant 1 : i32
      scf.for %scan3A_238 = %scan3A_233 to %scan3A_235 step %scan3A_236  : i32 {
        %rem3A = arith.constant 2 : i32
        %rem3A_239 = arith.remsi %scan3A_238, %rem3A : i32
        %sub3A = arith.constant 1 : i32
        %sub3A_240 = arith.subi %sub3A, %rem3A_239 : i32
        %rem3A_241 = arith.constant 3 : i32
        %rem3A_242 = arith.remsi %scan3A_238, %rem3A_241 : i32
        %add3A_243 = arith.constant 1 : i32
        %add3A_244 = arith.addi %scan3A_238, %add3A_243 : i32
        %rem3A_245 = arith.constant 3 : i32
        %rem3A_246 = arith.remsi %add3A_244, %rem3A_245 : i32
        %add3A_247 = arith.constant 2 : i32
        %add3A_248 = arith.addi %scan3A_238, %add3A_247 : i32
        %rem3A_249 = arith.constant 3 : i32
        %rem3A_250 = arith.remsi %add3A_248, %rem3A_249 : i32
        %add3A_251 = arith.constant 1 : i32
        %add3A_252 = arith.addi %scan3A_238, %add3A_251 : i32
        %lt3A = arith.constant 314 : i32
        %lt3A_253 = arith.cmpi slt, %add3A_252, %lt3A : i32
        %convert_element_type3A_254 = arith.extui %lt3A_253 : i1 to i32
        %cond3A_255 = arith.constant 0 : i32
        %cond3A_256 = arith.cmpi ne, %convert_element_type3A_254, %cond3A_255 : i32
        scf.if %cond3A_256 {
          %add3A_280 = arith.constant 1 : i32
          %add3A_281 = arith.addi %scan3A_238, %add3A_280 : i32
          %mul3A_282 = arith.constant 5 : i32
          %mul3A_283 = arith.muli %add3A_281, %mul3A_282 : i32
          %add3A_284 = arith.addi %mul3A_2, %mul3A_283 : i32
          %dma_wait3A_285 = arith.constant 0 : i32
          %dma_wait3A_286 = arith.constant 0 : i32
          %dma_wait3A_287 = tpu.memref_slice %arg8[%rem3A_246, %dma_wait3A_285, %dma_wait3A_286] : memref<3x5x128xi32, #tpu.memory_space<vmem>> -> memref<1x5x128xi32, #tpu.memory_space<vmem>>
          %dma_wait3A_288 = tpu.memref_squeeze %dma_wait3A_287 : memref<1x5x128xi32, #tpu.memory_space<vmem>> -> memref<5x128xi32, #tpu.memory_space<vmem>>
          %dma_wait3A_289 = arith.constant 0 : i32
          %dma_wait3A_290 = tpu.memref_slice %arg4[%add3A_284, %dma_wait3A_289] : memref<25120x128xi32, #tpu.memory_space<hbm>> -> memref<5x128xi32, #tpu.memory_space<hbm>>
          %dma_wait3A_291 = arith.constant 0 : i32
          %dma_wait3A_292 = arith.constant 0 : i32
          %dma_wait3A_293 = tpu.memref_slice %arg8[%rem3A_246, %dma_wait3A_291, %dma_wait3A_292] : memref<3x5x128xi32, #tpu.memory_space<vmem>> -> memref<1x5x128xi32, #tpu.memory_space<vmem>>
          %dma_wait3A_294 = tpu.memref_squeeze %dma_wait3A_293 : memref<1x5x128xi32, #tpu.memory_space<vmem>> -> memref<5x128xi32, #tpu.memory_space<vmem>>
          %dma_wait3A_295 = arith.constant 0 : i32
          %dma_wait3A_296 = tpu.memref_slice %arg4[%add3A_284, %dma_wait3A_295] : memref<25120x128xi32, #tpu.memory_space<hbm>> -> memref<5x128xi32, #tpu.memory_space<hbm>>
          tpu.wait_dma2 semaphore(%arg13 : memref<!tpu.dma_semaphore, #tpu.memory_space<semaphore_mem>>) src(%dma_wait3A_296 : memref<5x128xi32, #tpu.memory_space<hbm>>) dst(%dma_wait3A_294 : memref<5x128xi32, #tpu.memory_space<vmem>>)
          %dma_wait3A_297 = arith.constant 0 : i32
          %dma_wait3A_298 = arith.constant 0 : i32
          %dma_wait3A_299 = tpu.memref_slice %arg9[%rem3A_246, %dma_wait3A_297, %dma_wait3A_298] : memref<3x5x128xi32, #tpu.memory_space<vmem>> -> memref<1x5x128xi32, #tpu.memory_space<vmem>>
          %dma_wait3A_300 = tpu.memref_squeeze %dma_wait3A_299 : memref<1x5x128xi32, #tpu.memory_space<vmem>> -> memref<5x128xi32, #tpu.memory_space<vmem>>
          %dma_wait3A_301 = arith.constant 0 : i32
          %dma_wait3A_302 = tpu.memref_slice %arg5[%add3A_284, %dma_wait3A_301] : memref<25120x128xi32, #tpu.memory_space<hbm>> -> memref<5x128xi32, #tpu.memory_space<hbm>>
          %dma_wait3A_303 = arith.constant 0 : i32
          %dma_wait3A_304 = arith.constant 0 : i32
          %dma_wait3A_305 = tpu.memref_slice %arg9[%rem3A_246, %dma_wait3A_303, %dma_wait3A_304] : memref<3x5x128xi32, #tpu.memory_space<vmem>> -> memref<1x5x128xi32, #tpu.memory_space<vmem>>
          %dma_wait3A_306 = tpu.memref_squeeze %dma_wait3A_305 : memref<1x5x128xi32, #tpu.memory_space<vmem>> -> memref<5x128xi32, #tpu.memory_space<vmem>>
          %dma_wait3A_307 = arith.constant 0 : i32
          %dma_wait3A_308 = tpu.memref_slice %arg5[%add3A_284, %dma_wait3A_307] : memref<25120x128xi32, #tpu.memory_space<hbm>> -> memref<5x128xi32, #tpu.memory_space<hbm>>
          tpu.wait_dma2 semaphore(%arg13 : memref<!tpu.dma_semaphore, #tpu.memory_space<semaphore_mem>>) src(%dma_wait3A_308 : memref<5x128xi32, #tpu.memory_space<hbm>>) dst(%dma_wait3A_306 : memref<5x128xi32, #tpu.memory_space<vmem>>)
          %dma_start3A_309 = arith.constant 0 : i32
          %dma_start3A_310 = arith.constant 0 : i32
          %dma_start3A_311 = arith.constant 0 : i32
          %dma_start3A_312 = arith.constant 0 : i32
          %dma_start3A_313 = tpu.memref_slice %arg10[%sub3A_240, %dma_start3A_310, %dma_start3A_311, %dma_start3A_312] : memref<2x5x128x16xf32, #tpu.memory_space<vmem>> -> memref<1x1x128x16xf32, #tpu.memory_space<vmem>>
          %dma_start3A_314 = tpu.memref_squeeze %dma_start3A_313 : memref<1x1x128x16xf32, #tpu.memory_space<vmem>> -> memref<128x16xf32, #tpu.memory_space<vmem>>
          %dma_start3A_315 = arith.constant 0 : i32
          %dma_start3A_316 = tpu.memref_slice %arg8[%rem3A_246, %dma_start3A_309, %dma_start3A_315] : memref<3x5x128xi32, #tpu.memory_space<vmem>> -> memref<1x1x128xi32, #tpu.memory_space<vmem>>
          %dma_start3A_317 = tpu.memref_squeeze %dma_start3A_316 : memref<1x1x128xi32, #tpu.memory_space<vmem>> -> memref<128xi32, #tpu.memory_space<vmem>>
          %dma_start3A_318 = arith.constant 0 : i32
          %dma_start3A_319 = arith.constant 0 : i32
          %dma_start3A_320 = tpu.memref_slice %arg3[%dma_start3A_318, %dma_start3A_319] : memref<100000x16xf32, #tpu.memory_space<hbm>> -> memref<100000x16xf32, #tpu.memory_space<hbm>>
          tpu.enqueue_indirect_dma source(%dma_start3A_320 : memref<100000x16xf32, #tpu.memory_space<hbm>>) target(%dma_start3A_314 : memref<128x16xf32, #tpu.memory_space<vmem>>) offsets(%dma_start3A_317 : memref<128xi32, #tpu.memory_space<vmem>>) semaphore(%arg12 : memref<!tpu.dma_semaphore, #tpu.memory_space<semaphore_mem>>)
          %dma_start3A_321 = arith.constant 1 : i32
          %dma_start3A_322 = arith.constant 1 : i32
          %dma_start3A_323 = arith.constant 0 : i32
          %dma_start3A_324 = arith.constant 0 : i32
          %dma_start3A_325 = tpu.memref_slice %arg10[%sub3A_240, %dma_start3A_322, %dma_start3A_323, %dma_start3A_324] : memref<2x5x128x16xf32, #tpu.memory_space<vmem>> -> memref<1x1x128x16xf32, #tpu.memory_space<vmem>>
          %dma_start3A_326 = tpu.memref_squeeze %dma_start3A_325 : memref<1x1x128x16xf32, #tpu.memory_space<vmem>> -> memref<128x16xf32, #tpu.memory_space<vmem>>
          %dma_start3A_327 = arith.constant 0 : i32
          %dma_start3A_328 = tpu.memref_slice %arg8[%rem3A_246, %dma_start3A_321, %dma_start3A_327] : memref<3x5x128xi32, #tpu.memory_space<vmem>> -> memref<1x1x128xi32, #tpu.memory_space<vmem>>
          %dma_start3A_329 = tpu.memref_squeeze %dma_start3A_328 : memref<1x1x128xi32, #tpu.memory_space<vmem>> -> memref<128xi32, #tpu.memory_space<vmem>>
          %dma_start3A_330 = arith.constant 0 : i32
          %dma_start3A_331 = arith.constant 0 : i32
          %dma_start3A_332 = tpu.memref_slice %arg3[%dma_start3A_330, %dma_start3A_331] : memref<100000x16xf32, #tpu.memory_space<hbm>> -> memref<100000x16xf32, #tpu.memory_space<hbm>>
          tpu.enqueue_indirect_dma source(%dma_start3A_332 : memref<100000x16xf32, #tpu.memory_space<hbm>>) target(%dma_start3A_326 : memref<128x16xf32, #tpu.memory_space<vmem>>) offsets(%dma_start3A_329 : memref<128xi32, #tpu.memory_space<vmem>>) semaphore(%arg12 : memref<!tpu.dma_semaphore, #tpu.memory_space<semaphore_mem>>)
          %dma_start3A_333 = arith.constant 2 : i32
          %dma_start3A_334 = arith.constant 2 : i32
          %dma_start3A_335 = arith.constant 0 : i32
          %dma_start3A_336 = arith.constant 0 : i32
          %dma_start3A_337 = tpu.memref_slice %arg10[%sub3A_240, %dma_start3A_334, %dma_start3A_335, %dma_start3A_336] : memref<2x5x128x16xf32, #tpu.memory_space<vmem>> -> memref<1x1x128x16xf32, #tpu.memory_space<vmem>>
          %dma_start3A_338 = tpu.memref_squeeze %dma_start3A_337 : memref<1x1x128x16xf32, #tpu.memory_space<vmem>> -> memref<128x16xf32, #tpu.memory_space<vmem>>
          %dma_start3A_339 = arith.constant 0 : i32
          %dma_start3A_340 = tpu.memref_slice %arg8[%rem3A_246, %dma_start3A_333, %dma_start3A_339] : memref<3x5x128xi32, #tpu.memory_space<vmem>> -> memref<1x1x128xi32, #tpu.memory_space<vmem>>
          %dma_start3A_341 = tpu.memref_squeeze %dma_start3A_340 : memref<1x1x128xi32, #tpu.memory_space<vmem>> -> memref<128xi32, #tpu.memory_space<vmem>>
          %dma_start3A_342 = arith.constant 0 : i32
          %dma_start3A_343 = arith.constant 0 : i32
          %dma_start3A_344 = tpu.memref_slice %arg3[%dma_start3A_342, %dma_start3A_343] : memref<100000x16xf32, #tpu.memory_space<hbm>> -> memref<100000x16xf32, #tpu.memory_space<hbm>>
          tpu.enqueue_indirect_dma source(%dma_start3A_344 : memref<100000x16xf32, #tpu.memory_space<hbm>>) target(%dma_start3A_338 : memref<128x16xf32, #tpu.memory_space<vmem>>) offsets(%dma_start3A_341 : memref<128xi32, #tpu.memory_space<vmem>>) semaphore(%arg12 : memref<!tpu.dma_semaphore, #tpu.memory_space<semaphore_mem>>)
          %dma_start3A_345 = arith.constant 3 : i32
          %dma_start3A_346 = arith.constant 3 : i32
          %dma_start3A_347 = arith.constant 0 : i32
          %dma_start3A_348 = arith.constant 0 : i32
          %dma_start3A_349 = tpu.memref_slice %arg10[%sub3A_240, %dma_start3A_346, %dma_start3A_347, %dma_start3A_348] : memref<2x5x128x16xf32, #tpu.memory_space<vmem>> -> memref<1x1x128x16xf32, #tpu.memory_space<vmem>>
          %dma_start3A_350 = tpu.memref_squeeze %dma_start3A_349 : memref<1x1x128x16xf32, #tpu.memory_space<vmem>> -> memref<128x16xf32, #tpu.memory_space<vmem>>
          %dma_start3A_351 = arith.constant 0 : i32
          %dma_start3A_352 = tpu.memref_slice %arg8[%rem3A_246, %dma_start3A_345, %dma_start3A_351] : memref<3x5x128xi32, #tpu.memory_space<vmem>> -> memref<1x1x128xi32, #tpu.memory_space<vmem>>
          %dma_start3A_353 = tpu.memref_squeeze %dma_start3A_352 : memref<1x1x128xi32, #tpu.memory_space<vmem>> -> memref<128xi32, #tpu.memory_space<vmem>>
          %dma_start3A_354 = arith.constant 0 : i32
          %dma_start3A_355 = arith.constant 0 : i32
          %dma_start3A_356 = tpu.memref_slice %arg3[%dma_start3A_354, %dma_start3A_355] : memref<100000x16xf32, #tpu.memory_space<hbm>> -> memref<100000x16xf32, #tpu.memory_space<hbm>>
          tpu.enqueue_indirect_dma source(%dma_start3A_356 : memref<100000x16xf32, #tpu.memory_space<hbm>>) target(%dma_start3A_350 : memref<128x16xf32, #tpu.memory_space<vmem>>) offsets(%dma_start3A_353 : memref<128xi32, #tpu.memory_space<vmem>>) semaphore(%arg12 : memref<!tpu.dma_semaphore, #tpu.memory_space<semaphore_mem>>)
          %dma_start3A_357 = arith.constant 4 : i32
          %dma_start3A_358 = arith.constant 4 : i32
          %dma_start3A_359 = arith.constant 0 : i32
          %dma_start3A_360 = arith.constant 0 : i32
          %dma_start3A_361 = tpu.memref_slice %arg10[%sub3A_240, %dma_start3A_358, %dma_start3A_359, %dma_start3A_360] : memref<2x5x128x16xf32, #tpu.memory_space<vmem>> -> memref<1x1x128x16xf32, #tpu.memory_space<vmem>>
          %dma_start3A_362 = tpu.memref_squeeze %dma_start3A_361 : memref<1x1x128x16xf32, #tpu.memory_space<vmem>> -> memref<128x16xf32, #tpu.memory_space<vmem>>
          %dma_start3A_363 = arith.constant 0 : i32
          %dma_start3A_364 = tpu.memref_slice %arg8[%rem3A_246, %dma_start3A_357, %dma_start3A_363] : memref<3x5x128xi32, #tpu.memory_space<vmem>> -> memref<1x1x128xi32, #tpu.memory_space<vmem>>
          %dma_start3A_365 = tpu.memref_squeeze %dma_start3A_364 : memref<1x1x128xi32, #tpu.memory_space<vmem>> -> memref<128xi32, #tpu.memory_space<vmem>>
          %dma_start3A_366 = arith.constant 0 : i32
          %dma_start3A_367 = arith.constant 0 : i32
          %dma_start3A_368 = tpu.memref_slice %arg3[%dma_start3A_366, %dma_start3A_367] : memref<100000x16xf32, #tpu.memory_space<hbm>> -> memref<100000x16xf32, #tpu.memory_space<hbm>>
          tpu.enqueue_indirect_dma source(%dma_start3A_368 : memref<100000x16xf32, #tpu.memory_space<hbm>>) target(%dma_start3A_362 : memref<128x16xf32, #tpu.memory_space<vmem>>) offsets(%dma_start3A_365 : memref<128xi32, #tpu.memory_space<vmem>>) semaphore(%arg12 : memref<!tpu.dma_semaphore, #tpu.memory_space<semaphore_mem>>)
        } else {
        }
        %add3A_257 = arith.constant 2 : i32
        %add3A_258 = arith.addi %scan3A_238, %add3A_257 : i32
        %lt3A_259 = arith.constant 314 : i32
        %lt3A_260 = arith.cmpi slt, %add3A_258, %lt3A_259 : i32
        %convert_element_type3A_261 = arith.extui %lt3A_260 : i1 to i32
        %cond3A_262 = arith.constant 0 : i32
        %cond3A_263 = arith.cmpi ne, %convert_element_type3A_261, %cond3A_262 : i32
        scf.if %cond3A_263 {
          %add3A_280 = arith.constant 2 : i32
          %add3A_281 = arith.addi %scan3A_238, %add3A_280 : i32
          %mul3A_282 = arith.constant 5 : i32
          %mul3A_283 = arith.muli %add3A_281, %mul3A_282 : i32
          %add3A_284 = arith.addi %mul3A_2, %mul3A_283 : i32
          %dma_start3A_285 = arith.constant 0 : i32
          %dma_start3A_286 = arith.constant 0 : i32
          %dma_start3A_287 = tpu.memref_slice %arg8[%rem3A_250, %dma_start3A_285, %dma_start3A_286] : memref<3x5x128xi32, #tpu.memory_space<vmem>> -> memref<1x5x128xi32, #tpu.memory_space<vmem>>
          %dma_start3A_288 = tpu.memref_squeeze %dma_start3A_287 : memref<1x5x128xi32, #tpu.memory_space<vmem>> -> memref<5x128xi32, #tpu.memory_space<vmem>>
          %dma_start3A_289 = arith.constant 0 : i32
          %dma_start3A_290 = tpu.memref_slice %arg4[%add3A_284, %dma_start3A_289] : memref<25120x128xi32, #tpu.memory_space<hbm>> -> memref<5x128xi32, #tpu.memory_space<hbm>>
          %dma_start3A_291 = arith.constant 0 : i32
          %dma_start3A_292 = arith.constant 0 : i32
          %dma_start3A_293 = tpu.memref_slice %arg8[%rem3A_250, %dma_start3A_291, %dma_start3A_292] : memref<3x5x128xi32, #tpu.memory_space<vmem>> -> memref<1x5x128xi32, #tpu.memory_space<vmem>>
          %dma_start3A_294 = tpu.memref_squeeze %dma_start3A_293 : memref<1x5x128xi32, #tpu.memory_space<vmem>> -> memref<5x128xi32, #tpu.memory_space<vmem>>
          %dma_start3A_295 = arith.constant 0 : i32
          %dma_start3A_296 = tpu.memref_slice %arg4[%add3A_284, %dma_start3A_295] : memref<25120x128xi32, #tpu.memory_space<hbm>> -> memref<5x128xi32, #tpu.memory_space<hbm>>
          tpu.enqueue_dma source(%dma_start3A_296 : memref<5x128xi32, #tpu.memory_space<hbm>>) target(%dma_start3A_294 : memref<5x128xi32, #tpu.memory_space<vmem>>) target_semaphore(%arg13 : memref<!tpu.dma_semaphore, #tpu.memory_space<semaphore_mem>>)
          %dma_start3A_297 = arith.constant 0 : i32
          %dma_start3A_298 = arith.constant 0 : i32
          %dma_start3A_299 = tpu.memref_slice %arg9[%rem3A_250, %dma_start3A_297, %dma_start3A_298] : memref<3x5x128xi32, #tpu.memory_space<vmem>> -> memref<1x5x128xi32, #tpu.memory_space<vmem>>
          %dma_start3A_300 = tpu.memref_squeeze %dma_start3A_299 : memref<1x5x128xi32, #tpu.memory_space<vmem>> -> memref<5x128xi32, #tpu.memory_space<vmem>>
          %dma_start3A_301 = arith.constant 0 : i32
          %dma_start3A_302 = tpu.memref_slice %arg5[%add3A_284, %dma_start3A_301] : memref<25120x128xi32, #tpu.memory_space<hbm>> -> memref<5x128xi32, #tpu.memory_space<hbm>>
          %dma_start3A_303 = arith.constant 0 : i32
          %dma_start3A_304 = arith.constant 0 : i32
          %dma_start3A_305 = tpu.memref_slice %arg9[%rem3A_250, %dma_start3A_303, %dma_start3A_304] : memref<3x5x128xi32, #tpu.memory_space<vmem>> -> memref<1x5x128xi32, #tpu.memory_space<vmem>>
          %dma_start3A_306 = tpu.memref_squeeze %dma_start3A_305 : memref<1x5x128xi32, #tpu.memory_space<vmem>> -> memref<5x128xi32, #tpu.memory_space<vmem>>
          %dma_start3A_307 = arith.constant 0 : i32
          %dma_start3A_308 = tpu.memref_slice %arg5[%add3A_284, %dma_start3A_307] : memref<25120x128xi32, #tpu.memory_space<hbm>> -> memref<5x128xi32, #tpu.memory_space<hbm>>
          tpu.enqueue_dma source(%dma_start3A_308 : memref<5x128xi32, #tpu.memory_space<hbm>>) target(%dma_start3A_306 : memref<5x128xi32, #tpu.memory_space<vmem>>) target_semaphore(%arg13 : memref<!tpu.dma_semaphore, #tpu.memory_space<semaphore_mem>>)
        } else {
        }
        %run_scoped3A = arith.constant 0 : i32
        %run_scoped3A_264 = arith.constant 0 : i32
        "tpu.region"() ({
          %run_scoped3A_280 = tpu.sem_alloc : memref<!tpu.dma_semaphore, #tpu.memory_space<semaphore_mem>>
          %dma_start3A_281 = arith.constant 0 : i32
          %dma_start3A_282 = arith.constant 0 : i32
          %dma_start3A_283 = tpu.memref_slice %arg10[%rem3A_239, %run_scoped3A, %dma_start3A_281, %dma_start3A_282] : memref<2x5x128x16xf32, #tpu.memory_space<vmem>> -> memref<1x1x128x16xf32, #tpu.memory_space<vmem>>
          %dma_start3A_284 = tpu.memref_squeeze %dma_start3A_283 : memref<1x1x128x16xf32, #tpu.memory_space<vmem>> -> memref<128x16xf32, #tpu.memory_space<vmem>>
          %dma_start3A_285 = arith.constant 0 : i32
          %dma_start3A_286 = tpu.memref_slice %arg9[%rem3A_242, %run_scoped3A_264, %dma_start3A_285] : memref<3x5x128xi32, #tpu.memory_space<vmem>> -> memref<1x1x128xi32, #tpu.memory_space<vmem>>
          %dma_start3A_287 = tpu.memref_squeeze %dma_start3A_286 : memref<1x1x128xi32, #tpu.memory_space<vmem>> -> memref<128xi32, #tpu.memory_space<vmem>>
          %dma_start3A_288 = arith.constant 0 : i32
          %dma_start3A_289 = arith.constant 0 : i32
          %dma_start3A_290 = tpu.memref_slice %arg11[%dma_start3A_288, %dma_start3A_289] : memref<100352x16xf32, #tpu.memory_space<vmem_shared>> -> memref<100352x16xf32, #tpu.memory_space<vmem_shared>>
          tpu.enqueue_indirect_dma source(%dma_start3A_284 : memref<128x16xf32, #tpu.memory_space<vmem>>) target(%dma_start3A_290 : memref<100352x16xf32, #tpu.memory_space<vmem_shared>>) offsets(%dma_start3A_287 : memref<128xi32, #tpu.memory_space<vmem>>) semaphore(%run_scoped3A_280 : memref<!tpu.dma_semaphore, #tpu.memory_space<semaphore_mem>>) {add = true}
          %dma_wait3A_291 = arith.constant 0 : i32
          %dma_wait3A_292 = arith.constant 0 : i32
          %dma_wait3A_293 = tpu.memref_slice %arg10[%rem3A_239, %run_scoped3A, %dma_wait3A_291, %dma_wait3A_292] : memref<2x5x128x16xf32, #tpu.memory_space<vmem>> -> memref<1x1x128x16xf32, #tpu.memory_space<vmem>>
          %dma_wait3A_294 = tpu.memref_squeeze %dma_wait3A_293 : memref<1x1x128x16xf32, #tpu.memory_space<vmem>> -> memref<128x16xf32, #tpu.memory_space<vmem>>
          %dma_wait3A_295 = arith.constant 0 : i32
          %dma_wait3A_296 = tpu.memref_slice %arg9[%rem3A_242, %run_scoped3A_264, %dma_wait3A_295] : memref<3x5x128xi32, #tpu.memory_space<vmem>> -> memref<1x1x128xi32, #tpu.memory_space<vmem>>
          %dma_wait3A_297 = tpu.memref_squeeze %dma_wait3A_296 : memref<1x1x128xi32, #tpu.memory_space<vmem>> -> memref<128xi32, #tpu.memory_space<vmem>>
          %dma_wait3A_298 = arith.constant 0 : i32
          %dma_wait3A_299 = arith.constant 0 : i32
          %dma_wait3A_300 = tpu.memref_slice %arg11[%dma_wait3A_298, %dma_wait3A_299] : memref<100352x16xf32, #tpu.memory_space<vmem_shared>> -> memref<100352x16xf32, #tpu.memory_space<vmem_shared>>
          tpu.wait_indirect_dma semaphore(%run_scoped3A_280 : memref<!tpu.dma_semaphore, #tpu.memory_space<semaphore_mem>>) src(%dma_wait3A_294 : memref<128x16xf32, #tpu.memory_space<vmem>>) dst(%dma_wait3A_300 : memref<100352x16xf32, #tpu.memory_space<vmem_shared>>)
          tpu.yield
        }) : () -> ()
        %run_scoped3A_265 = arith.constant 1 : i32
        %run_scoped3A_266 = arith.constant 1 : i32
        "tpu.region"() ({
          %run_scoped3A_280 = tpu.sem_alloc : memref<!tpu.dma_semaphore, #tpu.memory_space<semaphore_mem>>
          %dma_start3A_281 = arith.constant 0 : i32
          %dma_start3A_282 = arith.constant 0 : i32
          %dma_start3A_283 = tpu.memref_slice %arg10[%rem3A_239, %run_scoped3A_265, %dma_start3A_281, %dma_start3A_282] : memref<2x5x128x16xf32, #tpu.memory_space<vmem>> -> memref<1x1x128x16xf32, #tpu.memory_space<vmem>>
          %dma_start3A_284 = tpu.memref_squeeze %dma_start3A_283 : memref<1x1x128x16xf32, #tpu.memory_space<vmem>> -> memref<128x16xf32, #tpu.memory_space<vmem>>
          %dma_start3A_285 = arith.constant 0 : i32
          %dma_start3A_286 = tpu.memref_slice %arg9[%rem3A_242, %run_scoped3A_266, %dma_start3A_285] : memref<3x5x128xi32, #tpu.memory_space<vmem>> -> memref<1x1x128xi32, #tpu.memory_space<vmem>>
          %dma_start3A_287 = tpu.memref_squeeze %dma_start3A_286 : memref<1x1x128xi32, #tpu.memory_space<vmem>> -> memref<128xi32, #tpu.memory_space<vmem>>
          %dma_start3A_288 = arith.constant 0 : i32
          %dma_start3A_289 = arith.constant 0 : i32
          %dma_start3A_290 = tpu.memref_slice %arg11[%dma_start3A_288, %dma_start3A_289] : memref<100352x16xf32, #tpu.memory_space<vmem_shared>> -> memref<100352x16xf32, #tpu.memory_space<vmem_shared>>
          tpu.enqueue_indirect_dma source(%dma_start3A_284 : memref<128x16xf32, #tpu.memory_space<vmem>>) target(%dma_start3A_290 : memref<100352x16xf32, #tpu.memory_space<vmem_shared>>) offsets(%dma_start3A_287 : memref<128xi32, #tpu.memory_space<vmem>>) semaphore(%run_scoped3A_280 : memref<!tpu.dma_semaphore, #tpu.memory_space<semaphore_mem>>) {add = true}
          %dma_wait3A_291 = arith.constant 0 : i32
          %dma_wait3A_292 = arith.constant 0 : i32
          %dma_wait3A_293 = tpu.memref_slice %arg10[%rem3A_239, %run_scoped3A_265, %dma_wait3A_291, %dma_wait3A_292] : memref<2x5x128x16xf32, #tpu.memory_space<vmem>> -> memref<1x1x128x16xf32, #tpu.memory_space<vmem>>
          %dma_wait3A_294 = tpu.memref_squeeze %dma_wait3A_293 : memref<1x1x128x16xf32, #tpu.memory_space<vmem>> -> memref<128x16xf32, #tpu.memory_space<vmem>>
          %dma_wait3A_295 = arith.constant 0 : i32
          %dma_wait3A_296 = tpu.memref_slice %arg9[%rem3A_242, %run_scoped3A_266, %dma_wait3A_295] : memref<3x5x128xi32, #tpu.memory_space<vmem>> -> memref<1x1x128xi32, #tpu.memory_space<vmem>>
          %dma_wait3A_297 = tpu.memref_squeeze %dma_wait3A_296 : memref<1x1x128xi32, #tpu.memory_space<vmem>> -> memref<128xi32, #tpu.memory_space<vmem>>
          %dma_wait3A_298 = arith.constant 0 : i32
          %dma_wait3A_299 = arith.constant 0 : i32
          %dma_wait3A_300 = tpu.memref_slice %arg11[%dma_wait3A_298, %dma_wait3A_299] : memref<100352x16xf32, #tpu.memory_space<vmem_shared>> -> memref<100352x16xf32, #tpu.memory_space<vmem_shared>>
          tpu.wait_indirect_dma semaphore(%run_scoped3A_280 : memref<!tpu.dma_semaphore, #tpu.memory_space<semaphore_mem>>) src(%dma_wait3A_294 : memref<128x16xf32, #tpu.memory_space<vmem>>) dst(%dma_wait3A_300 : memref<100352x16xf32, #tpu.memory_space<vmem_shared>>)
          tpu.yield
        }) : () -> ()
        %run_scoped3A_267 = arith.constant 2 : i32
        %run_scoped3A_268 = arith.constant 2 : i32
        "tpu.region"() ({
          %run_scoped3A_280 = tpu.sem_alloc : memref<!tpu.dma_semaphore, #tpu.memory_space<semaphore_mem>>
          %dma_start3A_281 = arith.constant 0 : i32
          %dma_start3A_282 = arith.constant 0 : i32
          %dma_start3A_283 = tpu.memref_slice %arg10[%rem3A_239, %run_scoped3A_267, %dma_start3A_281, %dma_start3A_282] : memref<2x5x128x16xf32, #tpu.memory_space<vmem>> -> memref<1x1x128x16xf32, #tpu.memory_space<vmem>>
          %dma_start3A_284 = tpu.memref_squeeze %dma_start3A_283 : memref<1x1x128x16xf32, #tpu.memory_space<vmem>> -> memref<128x16xf32, #tpu.memory_space<vmem>>
          %dma_start3A_285 = arith.constant 0 : i32
          %dma_start3A_286 = tpu.memref_slice %arg9[%rem3A_242, %run_scoped3A_268, %dma_start3A_285] : memref<3x5x128xi32, #tpu.memory_space<vmem>> -> memref<1x1x128xi32, #tpu.memory_space<vmem>>
          %dma_start3A_287 = tpu.memref_squeeze %dma_start3A_286 : memref<1x1x128xi32, #tpu.memory_space<vmem>> -> memref<128xi32, #tpu.memory_space<vmem>>
          %dma_start3A_288 = arith.constant 0 : i32
          %dma_start3A_289 = arith.constant 0 : i32
          %dma_start3A_290 = tpu.memref_slice %arg11[%dma_start3A_288, %dma_start3A_289] : memref<100352x16xf32, #tpu.memory_space<vmem_shared>> -> memref<100352x16xf32, #tpu.memory_space<vmem_shared>>
          tpu.enqueue_indirect_dma source(%dma_start3A_284 : memref<128x16xf32, #tpu.memory_space<vmem>>) target(%dma_start3A_290 : memref<100352x16xf32, #tpu.memory_space<vmem_shared>>) offsets(%dma_start3A_287 : memref<128xi32, #tpu.memory_space<vmem>>) semaphore(%run_scoped3A_280 : memref<!tpu.dma_semaphore, #tpu.memory_space<semaphore_mem>>) {add = true}
          %dma_wait3A_291 = arith.constant 0 : i32
          %dma_wait3A_292 = arith.constant 0 : i32
          %dma_wait3A_293 = tpu.memref_slice %arg10[%rem3A_239, %run_scoped3A_267, %dma_wait3A_291, %dma_wait3A_292] : memref<2x5x128x16xf32, #tpu.memory_space<vmem>> -> memref<1x1x128x16xf32, #tpu.memory_space<vmem>>
          %dma_wait3A_294 = tpu.memref_squeeze %dma_wait3A_293 : memref<1x1x128x16xf32, #tpu.memory_space<vmem>> -> memref<128x16xf32, #tpu.memory_space<vmem>>
          %dma_wait3A_295 = arith.constant 0 : i32
          %dma_wait3A_296 = tpu.memref_slice %arg9[%rem3A_242, %run_scoped3A_268, %dma_wait3A_295] : memref<3x5x128xi32, #tpu.memory_space<vmem>> -> memref<1x1x128xi32, #tpu.memory_space<vmem>>
          %dma_wait3A_297 = tpu.memref_squeeze %dma_wait3A_296 : memref<1x1x128xi32, #tpu.memory_space<vmem>> -> memref<128xi32, #tpu.memory_space<vmem>>
          %dma_wait3A_298 = arith.constant 0 : i32
          %dma_wait3A_299 = arith.constant 0 : i32
          %dma_wait3A_300 = tpu.memref_slice %arg11[%dma_wait3A_298, %dma_wait3A_299] : memref<100352x16xf32, #tpu.memory_space<vmem_shared>> -> memref<100352x16xf32, #tpu.memory_space<vmem_shared>>
          tpu.wait_indirect_dma semaphore(%run_scoped3A_280 : memref<!tpu.dma_semaphore, #tpu.memory_space<semaphore_mem>>) src(%dma_wait3A_294 : memref<128x16xf32, #tpu.memory_space<vmem>>) dst(%dma_wait3A_300 : memref<100352x16xf32, #tpu.memory_space<vmem_shared>>)
          tpu.yield
        }) : () -> ()
        %run_scoped3A_269 = arith.constant 3 : i32
        %run_scoped3A_270 = arith.constant 3 : i32
        "tpu.region"() ({
          %run_scoped3A_280 = tpu.sem_alloc : memref<!tpu.dma_semaphore, #tpu.memory_space<semaphore_mem>>
          %dma_start3A_281 = arith.constant 0 : i32
          %dma_start3A_282 = arith.constant 0 : i32
          %dma_start3A_283 = tpu.memref_slice %arg10[%rem3A_239, %run_scoped3A_269, %dma_start3A_281, %dma_start3A_282] : memref<2x5x128x16xf32, #tpu.memory_space<vmem>> -> memref<1x1x128x16xf32, #tpu.memory_space<vmem>>
          %dma_start3A_284 = tpu.memref_squeeze %dma_start3A_283 : memref<1x1x128x16xf32, #tpu.memory_space<vmem>> -> memref<128x16xf32, #tpu.memory_space<vmem>>
          %dma_start3A_285 = arith.constant 0 : i32
          %dma_start3A_286 = tpu.memref_slice %arg9[%rem3A_242, %run_scoped3A_270, %dma_start3A_285] : memref<3x5x128xi32, #tpu.memory_space<vmem>> -> memref<1x1x128xi32, #tpu.memory_space<vmem>>
          %dma_start3A_287 = tpu.memref_squeeze %dma_start3A_286 : memref<1x1x128xi32, #tpu.memory_space<vmem>> -> memref<128xi32, #tpu.memory_space<vmem>>
          %dma_start3A_288 = arith.constant 0 : i32
          %dma_start3A_289 = arith.constant 0 : i32
          %dma_start3A_290 = tpu.memref_slice %arg11[%dma_start3A_288, %dma_start3A_289] : memref<100352x16xf32, #tpu.memory_space<vmem_shared>> -> memref<100352x16xf32, #tpu.memory_space<vmem_shared>>
          tpu.enqueue_indirect_dma source(%dma_start3A_284 : memref<128x16xf32, #tpu.memory_space<vmem>>) target(%dma_start3A_290 : memref<100352x16xf32, #tpu.memory_space<vmem_shared>>) offsets(%dma_start3A_287 : memref<128xi32, #tpu.memory_space<vmem>>) semaphore(%run_scoped3A_280 : memref<!tpu.dma_semaphore, #tpu.memory_space<semaphore_mem>>) {add = true}
          %dma_wait3A_291 = arith.constant 0 : i32
          %dma_wait3A_292 = arith.constant 0 : i32
          %dma_wait3A_293 = tpu.memref_slice %arg10[%rem3A_239, %run_scoped3A_269, %dma_wait3A_291, %dma_wait3A_292] : memref<2x5x128x16xf32, #tpu.memory_space<vmem>> -> memref<1x1x128x16xf32, #tpu.memory_space<vmem>>
          %dma_wait3A_294 = tpu.memref_squeeze %dma_wait3A_293 : memref<1x1x128x16xf32, #tpu.memory_space<vmem>> -> memref<128x16xf32, #tpu.memory_space<vmem>>
          %dma_wait3A_295 = arith.constant 0 : i32
          %dma_wait3A_296 = tpu.memref_slice %arg9[%rem3A_242, %run_scoped3A_270, %dma_wait3A_295] : memref<3x5x128xi32, #tpu.memory_space<vmem>> -> memref<1x1x128xi32, #tpu.memory_space<vmem>>
          %dma_wait3A_297 = tpu.memref_squeeze %dma_wait3A_296 : memref<1x1x128xi32, #tpu.memory_space<vmem>> -> memref<128xi32, #tpu.memory_space<vmem>>
          %dma_wait3A_298 = arith.constant 0 : i32
          %dma_wait3A_299 = arith.constant 0 : i32
          %dma_wait3A_300 = tpu.memref_slice %arg11[%dma_wait3A_298, %dma_wait3A_299] : memref<100352x16xf32, #tpu.memory_space<vmem_shared>> -> memref<100352x16xf32, #tpu.memory_space<vmem_shared>>
          tpu.wait_indirect_dma semaphore(%run_scoped3A_280 : memref<!tpu.dma_semaphore, #tpu.memory_space<semaphore_mem>>) src(%dma_wait3A_294 : memref<128x16xf32, #tpu.memory_space<vmem>>) dst(%dma_wait3A_300 : memref<100352x16xf32, #tpu.memory_space<vmem_shared>>)
          tpu.yield
        }) : () -> ()
        %run_scoped3A_271 = arith.constant 4 : i32
        %run_scoped3A_272 = arith.constant 4 : i32
        "tpu.region"() ({
          %run_scoped3A_280 = tpu.sem_alloc : memref<!tpu.dma_semaphore, #tpu.memory_space<semaphore_mem>>
          %dma_start3A_281 = arith.constant 0 : i32
          %dma_start3A_282 = arith.constant 0 : i32
          %dma_start3A_283 = tpu.memref_slice %arg10[%rem3A_239, %run_scoped3A_271, %dma_start3A_281, %dma_start3A_282] : memref<2x5x128x16xf32, #tpu.memory_space<vmem>> -> memref<1x1x128x16xf32, #tpu.memory_space<vmem>>
          %dma_start3A_284 = tpu.memref_squeeze %dma_start3A_283 : memref<1x1x128x16xf32, #tpu.memory_space<vmem>> -> memref<128x16xf32, #tpu.memory_space<vmem>>
          %dma_start3A_285 = arith.constant 0 : i32
          %dma_start3A_286 = tpu.memref_slice %arg9[%rem3A_242, %run_scoped3A_272, %dma_start3A_285] : memref<3x5x128xi32, #tpu.memory_space<vmem>> -> memref<1x1x128xi32, #tpu.memory_space<vmem>>
          %dma_start3A_287 = tpu.memref_squeeze %dma_start3A_286 : memref<1x1x128xi32, #tpu.memory_space<vmem>> -> memref<128xi32, #tpu.memory_space<vmem>>
          %dma_start3A_288 = arith.constant 0 : i32
          %dma_start3A_289 = arith.constant 0 : i32
          %dma_start3A_290 = tpu.memref_slice %arg11[%dma_start3A_288, %dma_start3A_289] : memref<100352x16xf32, #tpu.memory_space<vmem_shared>> -> memref<100352x16xf32, #tpu.memory_space<vmem_shared>>
          tpu.enqueue_indirect_dma source(%dma_start3A_284 : memref<128x16xf32, #tpu.memory_space<vmem>>) target(%dma_start3A_290 : memref<100352x16xf32, #tpu.memory_space<vmem_shared>>) offsets(%dma_start3A_287 : memref<128xi32, #tpu.memory_space<vmem>>) semaphore(%run_scoped3A_280 : memref<!tpu.dma_semaphore, #tpu.memory_space<semaphore_mem>>) {add = true}
          %dma_wait3A_291 = arith.constant 0 : i32
          %dma_wait3A_292 = arith.constant 0 : i32
          %dma_wait3A_293 = tpu.memref_slice %arg10[%rem3A_239, %run_scoped3A_271, %dma_wait3A_291, %dma_wait3A_292] : memref<2x5x128x16xf32, #tpu.memory_space<vmem>> -> memref<1x1x128x16xf32, #tpu.memory_space<vmem>>
          %dma_wait3A_294 = tpu.memref_squeeze %dma_wait3A_293 : memref<1x1x128x16xf32, #tpu.memory_space<vmem>> -> memref<128x16xf32, #tpu.memory_space<vmem>>
          %dma_wait3A_295 = arith.constant 0 : i32
          %dma_wait3A_296 = tpu.memref_slice %arg9[%rem3A_242, %run_scoped3A_272, %dma_wait3A_295] : memref<3x5x128xi32, #tpu.memory_space<vmem>> -> memref<1x1x128xi32, #tpu.memory_space<vmem>>
          %dma_wait3A_297 = tpu.memref_squeeze %dma_wait3A_296 : memref<1x1x128xi32, #tpu.memory_space<vmem>> -> memref<128xi32, #tpu.memory_space<vmem>>
          %dma_wait3A_298 = arith.constant 0 : i32
          %dma_wait3A_299 = arith.constant 0 : i32
          %dma_wait3A_300 = tpu.memref_slice %arg11[%dma_wait3A_298, %dma_wait3A_299] : memref<100352x16xf32, #tpu.memory_space<vmem_shared>> -> memref<100352x16xf32, #tpu.memory_space<vmem_shared>>
          tpu.wait_indirect_dma semaphore(%run_scoped3A_280 : memref<!tpu.dma_semaphore, #tpu.memory_space<semaphore_mem>>) src(%dma_wait3A_294 : memref<128x16xf32, #tpu.memory_space<vmem>>) dst(%dma_wait3A_300 : memref<100352x16xf32, #tpu.memory_space<vmem_shared>>)
          tpu.yield
        }) : () -> ()
        %add3A_273 = arith.constant 1 : i32
        %add3A_274 = arith.addi %scan3A_238, %add3A_273 : i32
        %lt3A_275 = arith.constant 314 : i32
        %lt3A_276 = arith.cmpi slt, %add3A_274, %lt3A_275 : i32
        %convert_element_type3A_277 = arith.extui %lt3A_276 : i1 to i32
        %cond3A_278 = arith.constant 0 : i32
        %cond3A_279 = arith.cmpi ne, %convert_element_type3A_277, %cond3A_278 : i32
        scf.if %cond3A_279 {
          %dma_wait3A_280 = arith.constant 0 : i32
          %dma_wait3A_281 = arith.constant 0 : i32
          %dma_wait3A_282 = arith.constant 0 : i32
          %dma_wait3A_283 = arith.constant 0 : i32
          %dma_wait3A_284 = tpu.memref_slice %arg10[%sub3A_240, %dma_wait3A_281, %dma_wait3A_282, %dma_wait3A_283] : memref<2x5x128x16xf32, #tpu.memory_space<vmem>> -> memref<1x1x128x16xf32, #tpu.memory_space<vmem>>
          %dma_wait3A_285 = tpu.memref_squeeze %dma_wait3A_284 : memref<1x1x128x16xf32, #tpu.memory_space<vmem>> -> memref<128x16xf32, #tpu.memory_space<vmem>>
          %dma_wait3A_286 = arith.constant 0 : i32
          %dma_wait3A_287 = tpu.memref_slice %arg8[%rem3A_246, %dma_wait3A_280, %dma_wait3A_286] : memref<3x5x128xi32, #tpu.memory_space<vmem>> -> memref<1x1x128xi32, #tpu.memory_space<vmem>>
          %dma_wait3A_288 = tpu.memref_squeeze %dma_wait3A_287 : memref<1x1x128xi32, #tpu.memory_space<vmem>> -> memref<128xi32, #tpu.memory_space<vmem>>
          %dma_wait3A_289 = arith.constant 0 : i32
          %dma_wait3A_290 = arith.constant 0 : i32
          %dma_wait3A_291 = tpu.memref_slice %arg3[%dma_wait3A_289, %dma_wait3A_290] : memref<100000x16xf32, #tpu.memory_space<hbm>> -> memref<100000x16xf32, #tpu.memory_space<hbm>>
          tpu.wait_indirect_dma semaphore(%arg12 : memref<!tpu.dma_semaphore, #tpu.memory_space<semaphore_mem>>) src(%dma_wait3A_291 : memref<100000x16xf32, #tpu.memory_space<hbm>>) dst(%dma_wait3A_285 : memref<128x16xf32, #tpu.memory_space<vmem>>)
          %dma_wait3A_292 = arith.constant 1 : i32
          %dma_wait3A_293 = arith.constant 1 : i32
          %dma_wait3A_294 = arith.constant 0 : i32
          %dma_wait3A_295 = arith.constant 0 : i32
          %dma_wait3A_296 = tpu.memref_slice %arg10[%sub3A_240, %dma_wait3A_293, %dma_wait3A_294, %dma_wait3A_295] : memref<2x5x128x16xf32, #tpu.memory_space<vmem>> -> memref<1x1x128x16xf32, #tpu.memory_space<vmem>>
          %dma_wait3A_297 = tpu.memref_squeeze %dma_wait3A_296 : memref<1x1x128x16xf32, #tpu.memory_space<vmem>> -> memref<128x16xf32, #tpu.memory_space<vmem>>
          %dma_wait3A_298 = arith.constant 0 : i32
          %dma_wait3A_299 = tpu.memref_slice %arg8[%rem3A_246, %dma_wait3A_292, %dma_wait3A_298] : memref<3x5x128xi32, #tpu.memory_space<vmem>> -> memref<1x1x128xi32, #tpu.memory_space<vmem>>
          %dma_wait3A_300 = tpu.memref_squeeze %dma_wait3A_299 : memref<1x1x128xi32, #tpu.memory_space<vmem>> -> memref<128xi32, #tpu.memory_space<vmem>>
          %dma_wait3A_301 = arith.constant 0 : i32
          %dma_wait3A_302 = arith.constant 0 : i32
          %dma_wait3A_303 = tpu.memref_slice %arg3[%dma_wait3A_301, %dma_wait3A_302] : memref<100000x16xf32, #tpu.memory_space<hbm>> -> memref<100000x16xf32, #tpu.memory_space<hbm>>
          tpu.wait_indirect_dma semaphore(%arg12 : memref<!tpu.dma_semaphore, #tpu.memory_space<semaphore_mem>>) src(%dma_wait3A_303 : memref<100000x16xf32, #tpu.memory_space<hbm>>) dst(%dma_wait3A_297 : memref<128x16xf32, #tpu.memory_space<vmem>>)
          %dma_wait3A_304 = arith.constant 2 : i32
          %dma_wait3A_305 = arith.constant 2 : i32
          %dma_wait3A_306 = arith.constant 0 : i32
          %dma_wait3A_307 = arith.constant 0 : i32
          %dma_wait3A_308 = tpu.memref_slice %arg10[%sub3A_240, %dma_wait3A_305, %dma_wait3A_306, %dma_wait3A_307] : memref<2x5x128x16xf32, #tpu.memory_space<vmem>> -> memref<1x1x128x16xf32, #tpu.memory_space<vmem>>
          %dma_wait3A_309 = tpu.memref_squeeze %dma_wait3A_308 : memref<1x1x128x16xf32, #tpu.memory_space<vmem>> -> memref<128x16xf32, #tpu.memory_space<vmem>>
          %dma_wait3A_310 = arith.constant 0 : i32
          %dma_wait3A_311 = tpu.memref_slice %arg8[%rem3A_246, %dma_wait3A_304, %dma_wait3A_310] : memref<3x5x128xi32, #tpu.memory_space<vmem>> -> memref<1x1x128xi32, #tpu.memory_space<vmem>>
          %dma_wait3A_312 = tpu.memref_squeeze %dma_wait3A_311 : memref<1x1x128xi32, #tpu.memory_space<vmem>> -> memref<128xi32, #tpu.memory_space<vmem>>
          %dma_wait3A_313 = arith.constant 0 : i32
          %dma_wait3A_314 = arith.constant 0 : i32
          %dma_wait3A_315 = tpu.memref_slice %arg3[%dma_wait3A_313, %dma_wait3A_314] : memref<100000x16xf32, #tpu.memory_space<hbm>> -> memref<100000x16xf32, #tpu.memory_space<hbm>>
          tpu.wait_indirect_dma semaphore(%arg12 : memref<!tpu.dma_semaphore, #tpu.memory_space<semaphore_mem>>) src(%dma_wait3A_315 : memref<100000x16xf32, #tpu.memory_space<hbm>>) dst(%dma_wait3A_309 : memref<128x16xf32, #tpu.memory_space<vmem>>)
          %dma_wait3A_316 = arith.constant 3 : i32
          %dma_wait3A_317 = arith.constant 3 : i32
          %dma_wait3A_318 = arith.constant 0 : i32
          %dma_wait3A_319 = arith.constant 0 : i32
          %dma_wait3A_320 = tpu.memref_slice %arg10[%sub3A_240, %dma_wait3A_317, %dma_wait3A_318, %dma_wait3A_319] : memref<2x5x128x16xf32, #tpu.memory_space<vmem>> -> memref<1x1x128x16xf32, #tpu.memory_space<vmem>>
          %dma_wait3A_321 = tpu.memref_squeeze %dma_wait3A_320 : memref<1x1x128x16xf32, #tpu.memory_space<vmem>> -> memref<128x16xf32, #tpu.memory_space<vmem>>
          %dma_wait3A_322 = arith.constant 0 : i32
          %dma_wait3A_323 = tpu.memref_slice %arg8[%rem3A_246, %dma_wait3A_316, %dma_wait3A_322] : memref<3x5x128xi32, #tpu.memory_space<vmem>> -> memref<1x1x128xi32, #tpu.memory_space<vmem>>
          %dma_wait3A_324 = tpu.memref_squeeze %dma_wait3A_323 : memref<1x1x128xi32, #tpu.memory_space<vmem>> -> memref<128xi32, #tpu.memory_space<vmem>>
          %dma_wait3A_325 = arith.constant 0 : i32
          %dma_wait3A_326 = arith.constant 0 : i32
          %dma_wait3A_327 = tpu.memref_slice %arg3[%dma_wait3A_325, %dma_wait3A_326] : memref<100000x16xf32, #tpu.memory_space<hbm>> -> memref<100000x16xf32, #tpu.memory_space<hbm>>
          tpu.wait_indirect_dma semaphore(%arg12 : memref<!tpu.dma_semaphore, #tpu.memory_space<semaphore_mem>>) src(%dma_wait3A_327 : memref<100000x16xf32, #tpu.memory_space<hbm>>) dst(%dma_wait3A_321 : memref<128x16xf32, #tpu.memory_space<vmem>>)
          %dma_wait3A_328 = arith.constant 4 : i32
          %dma_wait3A_329 = arith.constant 4 : i32
          %dma_wait3A_330 = arith.constant 0 : i32
          %dma_wait3A_331 = arith.constant 0 : i32
          %dma_wait3A_332 = tpu.memref_slice %arg10[%sub3A_240, %dma_wait3A_329, %dma_wait3A_330, %dma_wait3A_331] : memref<2x5x128x16xf32, #tpu.memory_space<vmem>> -> memref<1x1x128x16xf32, #tpu.memory_space<vmem>>
          %dma_wait3A_333 = tpu.memref_squeeze %dma_wait3A_332 : memref<1x1x128x16xf32, #tpu.memory_space<vmem>> -> memref<128x16xf32, #tpu.memory_space<vmem>>
          %dma_wait3A_334 = arith.constant 0 : i32
          %dma_wait3A_335 = tpu.memref_slice %arg8[%rem3A_246, %dma_wait3A_328, %dma_wait3A_334] : memref<3x5x128xi32, #tpu.memory_space<vmem>> -> memref<1x1x128xi32, #tpu.memory_space<vmem>>
          %dma_wait3A_336 = tpu.memref_squeeze %dma_wait3A_335 : memref<1x1x128xi32, #tpu.memory_space<vmem>> -> memref<128xi32, #tpu.memory_space<vmem>>
          %dma_wait3A_337 = arith.constant 0 : i32
          %dma_wait3A_338 = arith.constant 0 : i32
          %dma_wait3A_339 = tpu.memref_slice %arg3[%dma_wait3A_337, %dma_wait3A_338] : memref<100000x16xf32, #tpu.memory_space<hbm>> -> memref<100000x16xf32, #tpu.memory_space<hbm>>
          tpu.wait_indirect_dma semaphore(%arg12 : memref<!tpu.dma_semaphore, #tpu.memory_space<semaphore_mem>>) src(%dma_wait3A_339 : memref<100000x16xf32, #tpu.memory_space<hbm>>) dst(%dma_wait3A_333 : memref<128x16xf32, #tpu.memory_space<vmem>>)
        } else {
        }
      }
      %scan3A_237 = arith.constant 314 : i32
    } else {
    }
    %barrier3A = arith.constant 0 : index
    tpu.barrier barrier_id(%barrier3A)
    %mul3A_10 = arith.constant 100352 : i32
    %mul3A_11 = arith.muli %arg0, %mul3A_10 : i32
    %add3A = arith.addi %mul3A_11, %mul3A_0 : i32
    "tpu.region"() ({
      %run_scoped3A = tpu.sem_alloc : memref<!tpu.dma_semaphore, #tpu.memory_space<semaphore_mem>>
      %dma_start3A = arith.constant 0 : i32
      %dma_start3A_12 = tpu.memref_slice %arg7[%add3A, %dma_start3A] : memref<200704x16xf32, #tpu.memory_space<hbm>> -> memref<6272x16xf32, #tpu.memory_space<hbm>>
      %dma_start3A_13 = arith.constant 0 : i32
      %dma_start3A_14 = tpu.memref_slice %arg11[%mul3A_0, %dma_start3A_13] : memref<100352x16xf32, #tpu.memory_space<vmem_shared>> -> memref<6272x16xf32, #tpu.memory_space<vmem_shared>>
      tpu.enqueue_dma source(%dma_start3A_14 : memref<6272x16xf32, #tpu.memory_space<vmem_shared>>) target(%dma_start3A_12 : memref<6272x16xf32, #tpu.memory_space<hbm>>) target_semaphore(%run_scoped3A : memref<!tpu.dma_semaphore, #tpu.memory_space<semaphore_mem>>)
      %dma_wait3A = arith.constant 0 : i32
      %dma_wait3A_15 = tpu.memref_slice %arg7[%add3A, %dma_wait3A] : memref<200704x16xf32, #tpu.memory_space<hbm>> -> memref<6272x16xf32, #tpu.memory_space<hbm>>
      %dma_wait3A_16 = arith.constant 0 : i32
      %dma_wait3A_17 = tpu.memref_slice %arg11[%mul3A_0, %dma_wait3A_16] : memref<100352x16xf32, #tpu.memory_space<vmem_shared>> -> memref<6272x16xf32, #tpu.memory_space<vmem_shared>>
      tpu.wait_dma2 semaphore(%run_scoped3A : memref<!tpu.dma_semaphore, #tpu.memory_space<semaphore_mem>>) src(%dma_wait3A_17 : memref<6272x16xf32, #tpu.memory_space<vmem_shared>>) dst(%dma_wait3A_15 : memref<6272x16xf32, #tpu.memory_space<hbm>>)
      tpu.yield
    }) : () -> ()
    return
  }
}

module attributes {stable_mosaic.version = 14 : i64} {
  func.func @body(%arg0: i32, %arg1: memref<1792x128xf32, #tpu.memory_space<vmem>>, %arg2: memref<1792x128xf32, #tpu.memory_space<vmem>>, %arg3: memref<1792x128xf32, #tpu.memory_space<vmem>>, %arg4: memref<1792x128xf32, #tpu.memory_space<vmem>>, %arg5: memref<4x128x128xf32, #tpu.memory_space<vmem>>, %arg6: memref<2x128xf32, #tpu.memory_space<vmem>>, %arg7: memref<4x128x128xf32, #tpu.memory_space<vmem>>, %arg8: memref<2x128xf32, #tpu.memory_space<vmem>>, %arg9: memref<1792x128xf32, #tpu.memory_space<vmem>>, %arg10: memref<1792x128xf32, #tpu.memory_space<vmem>>, %arg11: memref<8x128xf32, #tpu.memory_space<vmem>>) attributes {dimension_semantics = [#tpu.dimension_semantics<arbitrary>], iteration_bounds = array<i64: 7>, scalar_prefetch = 0 : i64, scratch_operands = 0 : i64, tpu.core_type = #tpu.core_type<tc>, window_params = [{transform_indices = @transform_0, window_bounds = array<i64: 1792, 128>}, {transform_indices = @transform_1, window_bounds = array<i64: 1792, 128>}, {transform_indices = @transform_2, window_bounds = array<i64: 1792, 128>}, {transform_indices = @transform_3, window_bounds = array<i64: 1792, 128>}, {pipeline_mode = #tpu.pipeline_mode<synchronous>, transform_indices = @transform_4, window_bounds = array<i64: 4, 128, 128>}, {pipeline_mode = #tpu.pipeline_mode<synchronous>, transform_indices = @transform_5, window_bounds = array<i64: 2, 128>}, {pipeline_mode = #tpu.pipeline_mode<synchronous>, transform_indices = @transform_6, window_bounds = array<i64: 4, 128, 128>}, {pipeline_mode = #tpu.pipeline_mode<synchronous>, transform_indices = @transform_7, window_bounds = array<i64: 2, 128>}, {transform_indices = @transform_8, window_bounds = array<i64: 1792, 128>}, {transform_indices = @transform_9, window_bounds = array<i64: 1792, 128>}, {pipeline_mode = #tpu.pipeline_mode<synchronous>, transform_indices = @transform_10, window_bounds = array<i64: 8, 128>}]} {
    %get3A = arith.constant 0 : index
    %get3A_0 = arith.constant 0 : index
    %get3A_1 = vector.load %arg1[%get3A, %get3A_0] : memref<1792x128xf32, #tpu.memory_space<vmem>>, vector<1792x128xf32>
    %get3A_2 = arith.constant 0 : index
    %get3A_3 = arith.constant 0 : index
    %get3A_4 = vector.load %arg3[%get3A_2, %get3A_3] : memref<1792x128xf32, #tpu.memory_space<vmem>>, vector<1792x128xf32>
    %add3A = arith.addf %get3A_1, %get3A_4 : vector<1792x128xf32>
    %get3A_5 = arith.constant 0 : index
    %get3A_6 = arith.constant 0 : index
    %get3A_7 = vector.load %arg2[%get3A_5, %get3A_6] : memref<1792x128xf32, #tpu.memory_space<vmem>>, vector<1792x128xf32>
    %get3A_8 = arith.constant 0 : index
    %get3A_9 = arith.constant 0 : index
    %get3A_10 = vector.load %arg4[%get3A_8, %get3A_9] : memref<1792x128xf32, #tpu.memory_space<vmem>>, vector<1792x128xf32>
    %add3A_11 = arith.addf %get3A_7, %get3A_10 : vector<1792x128xf32>
    %get3A_12 = arith.constant 0 : index
    %get3A_13 = arith.constant 0 : index
    %get3A_14 = arith.constant 0 : index
    %get3A_15 = vector.load %arg5[%get3A_12, %get3A_13, %get3A_14] : memref<4x128x128xf32, #tpu.memory_space<vmem>>, vector<1x128x128xf32>
    %get3A_16 = vector.shape_cast %get3A_15 : vector<1x128x128xf32> to vector<128x128xf32>
    %dot_general3A = arith.constant dense<0.000000e+00> : vector<1792x128xf32>
    %dot_general3A_17 = tpu.matmul %add3A, %get3A_16, %dot_general3A {dimension_numbers = #tpu.dot_dimension_numbers<[1], [0], [0], [1], [0, 0, 1, 1], [], []>, transpose_lhs_hint = false} : vector<1792x128xf32>, vector<128x128xf32>, vector<1792x128xf32> -> vector<1792x128xf32>
    %get3A_18 = arith.constant 1 : index
    %get3A_19 = arith.constant 0 : index
    %get3A_20 = arith.constant 0 : index
    %get3A_21 = vector.load %arg5[%get3A_18, %get3A_19, %get3A_20] : memref<4x128x128xf32, #tpu.memory_space<vmem>>, vector<1x128x128xf32>
    %get3A_22 = vector.shape_cast %get3A_21 : vector<1x128x128xf32> to vector<128x128xf32>
    %dot_general3A_23 = arith.constant dense<0.000000e+00> : vector<1792x128xf32>
    %dot_general3A_24 = tpu.matmul %add3A_11, %get3A_22, %dot_general3A_23 {dimension_numbers = #tpu.dot_dimension_numbers<[1], [0], [0], [1], [0, 0, 1, 1], [], []>, transpose_lhs_hint = false} : vector<1792x128xf32>, vector<128x128xf32>, vector<1792x128xf32> -> vector<1792x128xf32>
    %add3A_25 = arith.addf %dot_general3A_17, %dot_general3A_24 : vector<1792x128xf32>
    %get3A_26 = arith.constant 0 : index
    %get3A_27 = arith.constant 0 : index
    %get3A_28 = vector.load %arg6[%get3A_26, %get3A_27] : memref<2x128xf32, #tpu.memory_space<vmem>>, vector<1x128xf32>
    %add3A_29 = vector.broadcast %get3A_28 : vector<1x128xf32> to vector<1792x128xf32>
    %add3A_30 = arith.addf %add3A_25, %add3A_29 : vector<1792x128xf32>
    %get3A_31 = arith.constant 2 : index
    %get3A_32 = arith.constant 0 : index
    %get3A_33 = arith.constant 0 : index
    %get3A_34 = vector.load %arg5[%get3A_31, %get3A_32, %get3A_33] : memref<4x128x128xf32, #tpu.memory_space<vmem>>, vector<1x128x128xf32>
    %get3A_35 = vector.shape_cast %get3A_34 : vector<1x128x128xf32> to vector<128x128xf32>
    %dot_general3A_36 = arith.constant dense<0.000000e+00> : vector<1792x128xf32>
    %dot_general3A_37 = tpu.matmul %add3A, %get3A_35, %dot_general3A_36 {dimension_numbers = #tpu.dot_dimension_numbers<[1], [0], [0], [1], [0, 0, 1, 1], [], []>, transpose_lhs_hint = false} : vector<1792x128xf32>, vector<128x128xf32>, vector<1792x128xf32> -> vector<1792x128xf32>
    %get3A_38 = arith.constant 3 : index
    %get3A_39 = arith.constant 0 : index
    %get3A_40 = arith.constant 0 : index
    %get3A_41 = vector.load %arg5[%get3A_38, %get3A_39, %get3A_40] : memref<4x128x128xf32, #tpu.memory_space<vmem>>, vector<1x128x128xf32>
    %get3A_42 = vector.shape_cast %get3A_41 : vector<1x128x128xf32> to vector<128x128xf32>
    %dot_general3A_43 = arith.constant dense<0.000000e+00> : vector<1792x128xf32>
    %dot_general3A_44 = tpu.matmul %add3A_11, %get3A_42, %dot_general3A_43 {dimension_numbers = #tpu.dot_dimension_numbers<[1], [0], [0], [1], [0, 0, 1, 1], [], []>, transpose_lhs_hint = false} : vector<1792x128xf32>, vector<128x128xf32>, vector<1792x128xf32> -> vector<1792x128xf32>
    %add3A_45 = arith.addf %dot_general3A_37, %dot_general3A_44 : vector<1792x128xf32>
    %get3A_46 = arith.constant 1 : index
    %get3A_47 = arith.constant 0 : index
    %get3A_48 = vector.load %arg6[%get3A_46, %get3A_47] : memref<2x128xf32, #tpu.memory_space<vmem>>, vector<1x128xf32>
    %add3A_49 = vector.broadcast %get3A_48 : vector<1x128xf32> to vector<1792x128xf32>
    %add3A_50 = arith.addf %add3A_45, %add3A_49 : vector<1792x128xf32>
    %max3A = arith.constant 0.000000e+00 : f32
    %max3A_51 = vector.broadcast %max3A : f32 to vector<1792x128xf32>
    %max3A_52 = arith.maximumf %add3A_30, %max3A_51 : vector<1792x128xf32>
    %max3A_53 = arith.constant 0.000000e+00 : f32
    %max3A_54 = vector.broadcast %max3A_53 : f32 to vector<1792x128xf32>
    %max3A_55 = arith.maximumf %add3A_50, %max3A_54 : vector<1792x128xf32>
    %get3A_56 = arith.constant 0 : index
    %get3A_57 = arith.constant 0 : index
    %get3A_58 = arith.constant 0 : index
    %get3A_59 = vector.load %arg7[%get3A_56, %get3A_57, %get3A_58] : memref<4x128x128xf32, #tpu.memory_space<vmem>>, vector<1x128x128xf32>
    %get3A_60 = vector.shape_cast %get3A_59 : vector<1x128x128xf32> to vector<128x128xf32>
    %dot_general3A_61 = arith.constant dense<0.000000e+00> : vector<1792x128xf32>
    %dot_general3A_62 = tpu.matmul %max3A_52, %get3A_60, %dot_general3A_61 {dimension_numbers = #tpu.dot_dimension_numbers<[1], [0], [0], [1], [0, 0, 1, 1], [], []>, transpose_lhs_hint = false} : vector<1792x128xf32>, vector<128x128xf32>, vector<1792x128xf32> -> vector<1792x128xf32>
    %get3A_63 = arith.constant 1 : index
    %get3A_64 = arith.constant 0 : index
    %get3A_65 = arith.constant 0 : index
    %get3A_66 = vector.load %arg7[%get3A_63, %get3A_64, %get3A_65] : memref<4x128x128xf32, #tpu.memory_space<vmem>>, vector<1x128x128xf32>
    %get3A_67 = vector.shape_cast %get3A_66 : vector<1x128x128xf32> to vector<128x128xf32>
    %dot_general3A_68 = arith.constant dense<0.000000e+00> : vector<1792x128xf32>
    %dot_general3A_69 = tpu.matmul %max3A_55, %get3A_67, %dot_general3A_68 {dimension_numbers = #tpu.dot_dimension_numbers<[1], [0], [0], [1], [0, 0, 1, 1], [], []>, transpose_lhs_hint = false} : vector<1792x128xf32>, vector<128x128xf32>, vector<1792x128xf32> -> vector<1792x128xf32>
    %add3A_70 = arith.addf %dot_general3A_62, %dot_general3A_69 : vector<1792x128xf32>
    %get3A_71 = arith.constant 0 : index
    %get3A_72 = arith.constant 0 : index
    %get3A_73 = vector.load %arg8[%get3A_71, %get3A_72] : memref<2x128xf32, #tpu.memory_space<vmem>>, vector<1x128xf32>
    %add3A_74 = vector.broadcast %get3A_73 : vector<1x128xf32> to vector<1792x128xf32>
    %add3A_75 = arith.addf %add3A_70, %add3A_74 : vector<1792x128xf32>
    %get3A_76 = arith.constant 2 : index
    %get3A_77 = arith.constant 0 : index
    %get3A_78 = arith.constant 0 : index
    %get3A_79 = vector.load %arg7[%get3A_76, %get3A_77, %get3A_78] : memref<4x128x128xf32, #tpu.memory_space<vmem>>, vector<1x128x128xf32>
    %get3A_80 = vector.shape_cast %get3A_79 : vector<1x128x128xf32> to vector<128x128xf32>
    %dot_general3A_81 = arith.constant dense<0.000000e+00> : vector<1792x128xf32>
    %dot_general3A_82 = tpu.matmul %max3A_52, %get3A_80, %dot_general3A_81 {dimension_numbers = #tpu.dot_dimension_numbers<[1], [0], [0], [1], [0, 0, 1, 1], [], []>, transpose_lhs_hint = false} : vector<1792x128xf32>, vector<128x128xf32>, vector<1792x128xf32> -> vector<1792x128xf32>
    %get3A_83 = arith.constant 3 : index
    %get3A_84 = arith.constant 0 : index
    %get3A_85 = arith.constant 0 : index
    %get3A_86 = vector.load %arg7[%get3A_83, %get3A_84, %get3A_85] : memref<4x128x128xf32, #tpu.memory_space<vmem>>, vector<1x128x128xf32>
    %get3A_87 = vector.shape_cast %get3A_86 : vector<1x128x128xf32> to vector<128x128xf32>
    %dot_general3A_88 = arith.constant dense<0.000000e+00> : vector<1792x128xf32>
    %dot_general3A_89 = tpu.matmul %max3A_55, %get3A_87, %dot_general3A_88 {dimension_numbers = #tpu.dot_dimension_numbers<[1], [0], [0], [1], [0, 0, 1, 1], [], []>, transpose_lhs_hint = false} : vector<1792x128xf32>, vector<128x128xf32>, vector<1792x128xf32> -> vector<1792x128xf32>
    %add3A_90 = arith.addf %dot_general3A_82, %dot_general3A_89 : vector<1792x128xf32>
    %get3A_91 = arith.constant 1 : index
    %get3A_92 = arith.constant 0 : index
    %get3A_93 = vector.load %arg8[%get3A_91, %get3A_92] : memref<2x128xf32, #tpu.memory_space<vmem>>, vector<1x128xf32>
    %add3A_94 = vector.broadcast %get3A_93 : vector<1x128xf32> to vector<1792x128xf32>
    %add3A_95 = arith.addf %add3A_90, %add3A_94 : vector<1792x128xf32>
    %swap3A = arith.constant 0 : index
    %swap3A_96 = arith.constant 0 : index
    %swap3A_97 = vector.load %arg9[%swap3A, %swap3A_96] : memref<1792x128xf32, #tpu.memory_space<vmem>>, vector<1792x128xf32>
    tpu.vector_store %arg9[%swap3A, %swap3A_96], %add3A_75 {strides = array<i32>} : memref<1792x128xf32, #tpu.memory_space<vmem>>, vector<1792x128xf32>,
    %swap3A_98 = arith.constant 0 : index
    %swap3A_99 = arith.constant 0 : index
    %swap3A_100 = vector.load %arg10[%swap3A_98, %swap3A_99] : memref<1792x128xf32, #tpu.memory_space<vmem>>, vector<1792x128xf32>
    tpu.vector_store %arg10[%swap3A_98, %swap3A_99], %add3A_95 {strides = array<i32>} : memref<1792x128xf32, #tpu.memory_space<vmem>>, vector<1792x128xf32>,
    %iota3A = tpu.iota {dimensions = array<i32: 0>} : vector<1792x1xi32>
    %mul3A = arith.constant 1792 : i32
    %mul3A_101 = arith.muli %arg0, %mul3A : i32
    %add3A_102 = vector.broadcast %mul3A_101 : i32 to vector<1792x1xi32>
    %add3A_103 = arith.addi %iota3A, %add3A_102 : vector<1792x1xi32>
    %lt3A = arith.constant 12500 : i32
    %lt3A_104 = vector.broadcast %lt3A : i32 to vector<1792x1xi32>
    %lt3A_105 = arith.cmpi slt, %add3A_103, %lt3A_104 : vector<1792x1xi32>
    %jit3A = arith.constant 0.000000e+00 : f32
    %broadcast_in_dim3A = vector.shape_cast %lt3A_105 : vector<1792x1xi1> to vector<1792x1xi1>
    %broadcast_in_dim3A_106 = vector.broadcast %broadcast_in_dim3A : vector<1792x1xi1> to vector<1792x128xi1>
    %broadcast_in_dim3A_107 = vector.broadcast %jit3A : f32 to vector<1792x128xf32>
    %select_n3A = arith.select %broadcast_in_dim3A_106, %add3A_75, %broadcast_in_dim3A_107 : vector<1792x128xi1>, vector<1792x128xf32>
    %jit3A_108 = arith.constant 0.000000e+00 : f32
    %broadcast_in_dim3A_109 = vector.shape_cast %lt3A_105 : vector<1792x1xi1> to vector<1792x1xi1>
    %broadcast_in_dim3A_110 = vector.broadcast %broadcast_in_dim3A_109 : vector<1792x1xi1> to vector<1792x128xi1>
    %broadcast_in_dim3A_111 = vector.broadcast %jit3A_108 : f32 to vector<1792x128xf32>
    %select_n3A_112 = arith.select %broadcast_in_dim3A_110, %add3A_95, %broadcast_in_dim3A_111 : vector<1792x128xi1>, vector<1792x128xf32>
    %reduce_sum3A = arith.constant dense<0.000000e+00> : vector<128xf32>
    %reduce_sum3A_113 = vector.multi_reduction <add>, %select_n3A, %reduce_sum3A [0] : vector<1792x128xf32> to vector<128xf32>
    %broadcast_in_dim3A_114 = vector.shape_cast %reduce_sum3A_113 : vector<128xf32> to vector<1x128xf32>
    %mul3A_115 = arith.mulf %select_n3A, %select_n3A : vector<1792x128xf32>
    %reduce_sum3A_116 = arith.constant dense<0.000000e+00> : vector<128xf32>
    %reduce_sum3A_117 = vector.multi_reduction <add>, %mul3A_115, %reduce_sum3A_116 [0] : vector<1792x128xf32> to vector<128xf32>
    %broadcast_in_dim3A_118 = vector.shape_cast %reduce_sum3A_117 : vector<128xf32> to vector<1x128xf32>
    %reduce_sum3A_119 = arith.constant dense<0.000000e+00> : vector<128xf32>
    %reduce_sum3A_120 = vector.multi_reduction <add>, %select_n3A_112, %reduce_sum3A_119 [0] : vector<1792x128xf32> to vector<128xf32>
    %broadcast_in_dim3A_121 = vector.shape_cast %reduce_sum3A_120 : vector<128xf32> to vector<1x128xf32>
    %mul3A_122 = arith.mulf %select_n3A_112, %select_n3A_112 : vector<1792x128xf32>
    %reduce_sum3A_123 = arith.constant dense<0.000000e+00> : vector<128xf32>
    %reduce_sum3A_124 = vector.multi_reduction <add>, %mul3A_122, %reduce_sum3A_123 [0] : vector<1792x128xf32> to vector<128xf32>
    %broadcast_in_dim3A_125 = vector.shape_cast %reduce_sum3A_124 : vector<128xf32> to vector<1x128xf32>
    %broadcast_in_dim3A_126 = arith.constant 0.000000e+00 : f32
    %broadcast_in_dim3A_127 = vector.broadcast %broadcast_in_dim3A_126 : f32 to vector<4x128xf32>
    %concatenate3A = tpu.concatenate %broadcast_in_dim3A_114, %broadcast_in_dim3A_118, %broadcast_in_dim3A_121, %broadcast_in_dim3A_125, %broadcast_in_dim3A_127 in 0 : vector<1x128xf32>, vector<1x128xf32>, vector<1x128xf32>, vector<1x128xf32>, vector<4x128xf32> -> vector<8x128xf32>
    %eq3A = arith.constant 0 : i32
    %eq3A_128 = arith.cmpi eq, %arg0, %eq3A : i32
    %convert_element_type3A = arith.extui %eq3A_128 : i1 to i32
    %cond3A = arith.constant 0 : i32
    %cond3A_129 = arith.cmpi ne, %convert_element_type3A, %cond3A : i32
    scf.if %cond3A_129 {
      %swap3A_134 = arith.constant 0 : index
      %swap3A_135 = arith.constant 0 : index
      %swap3A_136 = vector.load %arg11[%swap3A_134, %swap3A_135] : memref<8x128xf32, #tpu.memory_space<vmem>>, vector<8x128xf32>
      tpu.vector_store %arg11[%swap3A_134, %swap3A_135], %concatenate3A {strides = array<i32>} : memref<8x128xf32, #tpu.memory_space<vmem>>, vector<8x128xf32>,
    } else {
    }
    %gt3A = arith.constant 0 : i32
    %gt3A_130 = arith.cmpi sgt, %arg0, %gt3A : i32
    %convert_element_type3A_131 = arith.extui %gt3A_130 : i1 to i32
    %cond3A_132 = arith.constant 0 : i32
    %cond3A_133 = arith.cmpi ne, %convert_element_type3A_131, %cond3A_132 : i32
    scf.if %cond3A_133 {
      %get3A_134 = arith.constant 0 : index
      %get3A_135 = arith.constant 0 : index
      %get3A_136 = vector.load %arg11[%get3A_134, %get3A_135] : memref<8x128xf32, #tpu.memory_space<vmem>>, vector<8x128xf32>
      %add3A_137 = arith.addf %get3A_136, %concatenate3A : vector<8x128xf32>
      %swap3A_138 = arith.constant 0 : index
      %swap3A_139 = arith.constant 0 : index
      %swap3A_140 = vector.load %arg11[%swap3A_138, %swap3A_139] : memref<8x128xf32, #tpu.memory_space<vmem>>, vector<8x128xf32>
      tpu.vector_store %arg11[%swap3A_138, %swap3A_139], %add3A_137 {strides = array<i32>} : memref<8x128xf32, #tpu.memory_space<vmem>>, vector<8x128xf32>,
    } else {
    }
    return
  }
  func.func @transform_0(%arg0: i32) -> (i32, i32) {
    %c0_i32 = arith.constant 0 : i32
    %c0_i32_0 = arith.constant 0 : i32
    return %arg0, %c0_i32 : i32, i32
  }
  func.func @transform_1(%arg0: i32) -> (i32, i32) {
    %c0_i32 = arith.constant 0 : i32
    %c0_i32_0 = arith.constant 0 : i32
    return %arg0, %c0_i32 : i32, i32
  }
  func.func @transform_2(%arg0: i32) -> (i32, i32) {
    %c0_i32 = arith.constant 0 : i32
    %c0_i32_0 = arith.constant 0 : i32
    return %arg0, %c0_i32 : i32, i32
  }
  func.func @transform_3(%arg0: i32) -> (i32, i32) {
    %add3A = arith.constant 7 : i32
    %add3A_0 = arith.addi %add3A, %arg0 : i32
    %c0_i32 = arith.constant 0 : i32
    %c0_i32_1 = arith.constant 0 : i32
    return %add3A_0, %c0_i32 : i32, i32
  }
  func.func @transform_4(%arg0: i32) -> (i32, i32, i32) {
    %c0_i32 = arith.constant 0 : i32
    %c0_i32_0 = arith.constant 0 : i32
    %c0_i32_1 = arith.constant 0 : i32
    %c0_i32_2 = arith.constant 0 : i32
    return %c0_i32, %c0_i32_0, %c0_i32_1 : i32, i32, i32
  }
  func.func @transform_5(%arg0: i32) -> (i32, i32) {
    %c0_i32 = arith.constant 0 : i32
    %c0_i32_0 = arith.constant 0 : i32
    %c0_i32_1 = arith.constant 0 : i32
    return %c0_i32, %c0_i32_0 : i32, i32
  }
  func.func @transform_6(%arg0: i32) -> (i32, i32, i32) {
    %c0_i32 = arith.constant 0 : i32
    %c0_i32_0 = arith.constant 0 : i32
    %c0_i32_1 = arith.constant 0 : i32
    %c0_i32_2 = arith.constant 0 : i32
    return %c0_i32, %c0_i32_0, %c0_i32_1 : i32, i32, i32
  }
  func.func @transform_7(%arg0: i32) -> (i32, i32) {
    %c0_i32 = arith.constant 0 : i32
    %c0_i32_0 = arith.constant 0 : i32
    %c0_i32_1 = arith.constant 0 : i32
    return %c0_i32, %c0_i32_0 : i32, i32
  }
  func.func @transform_8(%arg0: i32) -> (i32, i32) {
    %c0_i32 = arith.constant 0 : i32
    %c0_i32_0 = arith.constant 0 : i32
    return %arg0, %c0_i32 : i32, i32
  }
  func.func @transform_9(%arg0: i32) -> (i32, i32) {
    %c0_i32 = arith.constant 0 : i32
    %c0_i32_0 = arith.constant 0 : i32
    return %arg0, %c0_i32 : i32, i32
  }
  func.func @transform_10(%arg0: i32) -> (i32, i32) {
    %c0_i32 = arith.constant 0 : i32
    %c0_i32_0 = arith.constant 0 : i32
    %c0_i32_1 = arith.constant 0 : i32
    return %c0_i32, %c0_i32_0 : i32, i32
  }
}

module attributes {stable_mosaic.version = 14 : i64} {
  func.func @body(%arg0: i32, %arg1: memref<1792x128xf32, #tpu.memory_space<vmem>>, %arg2: memref<1792x128xf32, #tpu.memory_space<vmem>>, %arg3: memref<8x128xf32, #tpu.memory_space<vmem>>, %arg4: memref<2x128xf32, #tpu.memory_space<vmem>>, %arg5: memref<2x128xf32, #tpu.memory_space<vmem>>, %arg6: memref<1792x128xf32, #tpu.memory_space<vmem>>, %arg7: memref<1792x128xf32, #tpu.memory_space<vmem>>) attributes {dimension_semantics = [#tpu.dimension_semantics<arbitrary>], iteration_bounds = array<i64: 7>, scalar_prefetch = 0 : i64, scratch_operands = 0 : i64, tpu.core_type = #tpu.core_type<tc>, window_params = [{transform_indices = @transform_0, window_bounds = array<i64: 1792, 128>}, {transform_indices = @transform_1, window_bounds = array<i64: 1792, 128>}, {pipeline_mode = #tpu.pipeline_mode<synchronous>, transform_indices = @transform_2, window_bounds = array<i64: 8, 128>}, {pipeline_mode = #tpu.pipeline_mode<synchronous>, transform_indices = @transform_3, window_bounds = array<i64: 2, 128>}, {pipeline_mode = #tpu.pipeline_mode<synchronous>, transform_indices = @transform_4, window_bounds = array<i64: 2, 128>}, {transform_indices = @transform_5, window_bounds = array<i64: 1792, 128>}, {transform_indices = @transform_6, window_bounds = array<i64: 1792, 128>}]} {
    %get3A = arith.constant 0 : index
    %get3A_0 = arith.constant 0 : index
    %get3A_1 = vector.load %arg3[%get3A, %get3A_0] : memref<8x128xf32, #tpu.memory_space<vmem>>, vector<1x128xf32>
    %slice3A = vector.extract_strided_slice %get3A_1 {offsets = [0, 0], sizes = [1, 16], strides = [1, 1]} : vector<1x128xf32> to vector<1x16xf32>
    %slice3A_2 = vector.extract_strided_slice %get3A_1 {offsets = [0, 16], sizes = [1, 16], strides = [1, 1]} : vector<1x128xf32> to vector<1x16xf32>
    %add3A = arith.addf %slice3A, %slice3A_2 : vector<1x16xf32>
    %slice3A_3 = vector.extract_strided_slice %get3A_1 {offsets = [0, 32], sizes = [1, 16], strides = [1, 1]} : vector<1x128xf32> to vector<1x16xf32>
    %add3A_4 = arith.addf %add3A, %slice3A_3 : vector<1x16xf32>
    %slice3A_5 = vector.extract_strided_slice %get3A_1 {offsets = [0, 48], sizes = [1, 16], strides = [1, 1]} : vector<1x128xf32> to vector<1x16xf32>
    %add3A_6 = arith.addf %add3A_4, %slice3A_5 : vector<1x16xf32>
    %slice3A_7 = vector.extract_strided_slice %get3A_1 {offsets = [0, 64], sizes = [1, 16], strides = [1, 1]} : vector<1x128xf32> to vector<1x16xf32>
    %add3A_8 = arith.addf %add3A_6, %slice3A_7 : vector<1x16xf32>
    %slice3A_9 = vector.extract_strided_slice %get3A_1 {offsets = [0, 80], sizes = [1, 16], strides = [1, 1]} : vector<1x128xf32> to vector<1x16xf32>
    %add3A_10 = arith.addf %add3A_8, %slice3A_9 : vector<1x16xf32>
    %slice3A_11 = vector.extract_strided_slice %get3A_1 {offsets = [0, 96], sizes = [1, 16], strides = [1, 1]} : vector<1x128xf32> to vector<1x16xf32>
    %add3A_12 = arith.addf %add3A_10, %slice3A_11 : vector<1x16xf32>
    %slice3A_13 = vector.extract_strided_slice %get3A_1 {offsets = [0, 112], sizes = [1, 16], strides = [1, 1]} : vector<1x128xf32> to vector<1x16xf32>
    %add3A_14 = arith.addf %add3A_12, %slice3A_13 : vector<1x16xf32>
    %concatenate3A = tpu.concatenate %add3A_14, %add3A_14, %add3A_14, %add3A_14, %add3A_14, %add3A_14, %add3A_14, %add3A_14 in 1 : vector<1x16xf32>, vector<1x16xf32>, vector<1x16xf32>, vector<1x16xf32>, vector<1x16xf32>, vector<1x16xf32>, vector<1x16xf32>, vector<1x16xf32> -> vector<1x128xf32>
    %mul3A = arith.constant 9.99999974E-6 : f32
    %mul3A_15 = vector.broadcast %mul3A : f32 to vector<1x128xf32>
    %mul3A_16 = arith.mulf %concatenate3A, %mul3A_15 : vector<1x128xf32>
    %get3A_17 = arith.constant 1 : index
    %get3A_18 = arith.constant 0 : index
    %get3A_19 = vector.load %arg3[%get3A_17, %get3A_18] : memref<8x128xf32, #tpu.memory_space<vmem>>, vector<1x128xf32>
    %slice3A_20 = vector.extract_strided_slice %get3A_19 {offsets = [0, 0], sizes = [1, 16], strides = [1, 1]} : vector<1x128xf32> to vector<1x16xf32>
    %slice3A_21 = vector.extract_strided_slice %get3A_19 {offsets = [0, 16], sizes = [1, 16], strides = [1, 1]} : vector<1x128xf32> to vector<1x16xf32>
    %add3A_22 = arith.addf %slice3A_20, %slice3A_21 : vector<1x16xf32>
    %slice3A_23 = vector.extract_strided_slice %get3A_19 {offsets = [0, 32], sizes = [1, 16], strides = [1, 1]} : vector<1x128xf32> to vector<1x16xf32>
    %add3A_24 = arith.addf %add3A_22, %slice3A_23 : vector<1x16xf32>
    %slice3A_25 = vector.extract_strided_slice %get3A_19 {offsets = [0, 48], sizes = [1, 16], strides = [1, 1]} : vector<1x128xf32> to vector<1x16xf32>
    %add3A_26 = arith.addf %add3A_24, %slice3A_25 : vector<1x16xf32>
    %slice3A_27 = vector.extract_strided_slice %get3A_19 {offsets = [0, 64], sizes = [1, 16], strides = [1, 1]} : vector<1x128xf32> to vector<1x16xf32>
    %add3A_28 = arith.addf %add3A_26, %slice3A_27 : vector<1x16xf32>
    %slice3A_29 = vector.extract_strided_slice %get3A_19 {offsets = [0, 80], sizes = [1, 16], strides = [1, 1]} : vector<1x128xf32> to vector<1x16xf32>
    %add3A_30 = arith.addf %add3A_28, %slice3A_29 : vector<1x16xf32>
    %slice3A_31 = vector.extract_strided_slice %get3A_19 {offsets = [0, 96], sizes = [1, 16], strides = [1, 1]} : vector<1x128xf32> to vector<1x16xf32>
    %add3A_32 = arith.addf %add3A_30, %slice3A_31 : vector<1x16xf32>
    %slice3A_33 = vector.extract_strided_slice %get3A_19 {offsets = [0, 112], sizes = [1, 16], strides = [1, 1]} : vector<1x128xf32> to vector<1x16xf32>
    %add3A_34 = arith.addf %add3A_32, %slice3A_33 : vector<1x16xf32>
    %concatenate3A_35 = tpu.concatenate %add3A_34, %add3A_34, %add3A_34, %add3A_34, %add3A_34, %add3A_34, %add3A_34, %add3A_34 in 1 : vector<1x16xf32>, vector<1x16xf32>, vector<1x16xf32>, vector<1x16xf32>, vector<1x16xf32>, vector<1x16xf32>, vector<1x16xf32>, vector<1x16xf32> -> vector<1x128xf32>
    %mul3A_36 = arith.constant 9.99999974E-6 : f32
    %mul3A_37 = vector.broadcast %mul3A_36 : f32 to vector<1x128xf32>
    %mul3A_38 = arith.mulf %concatenate3A_35, %mul3A_37 : vector<1x128xf32>
    %get3A_39 = arith.constant 2 : index
    %get3A_40 = arith.constant 0 : index
    %get3A_41 = vector.load %arg3[%get3A_39, %get3A_40] : memref<8x128xf32, #tpu.memory_space<vmem>>, vector<1x128xf32>
    %slice3A_42 = vector.extract_strided_slice %get3A_41 {offsets = [0, 0], sizes = [1, 16], strides = [1, 1]} : vector<1x128xf32> to vector<1x16xf32>
    %slice3A_43 = vector.extract_strided_slice %get3A_41 {offsets = [0, 16], sizes = [1, 16], strides = [1, 1]} : vector<1x128xf32> to vector<1x16xf32>
    %add3A_44 = arith.addf %slice3A_42, %slice3A_43 : vector<1x16xf32>
    %slice3A_45 = vector.extract_strided_slice %get3A_41 {offsets = [0, 32], sizes = [1, 16], strides = [1, 1]} : vector<1x128xf32> to vector<1x16xf32>
    %add3A_46 = arith.addf %add3A_44, %slice3A_45 : vector<1x16xf32>
    %slice3A_47 = vector.extract_strided_slice %get3A_41 {offsets = [0, 48], sizes = [1, 16], strides = [1, 1]} : vector<1x128xf32> to vector<1x16xf32>
    %add3A_48 = arith.addf %add3A_46, %slice3A_47 : vector<1x16xf32>
    %slice3A_49 = vector.extract_strided_slice %get3A_41 {offsets = [0, 64], sizes = [1, 16], strides = [1, 1]} : vector<1x128xf32> to vector<1x16xf32>
    %add3A_50 = arith.addf %add3A_48, %slice3A_49 : vector<1x16xf32>
    %slice3A_51 = vector.extract_strided_slice %get3A_41 {offsets = [0, 80], sizes = [1, 16], strides = [1, 1]} : vector<1x128xf32> to vector<1x16xf32>
    %add3A_52 = arith.addf %add3A_50, %slice3A_51 : vector<1x16xf32>
    %slice3A_53 = vector.extract_strided_slice %get3A_41 {offsets = [0, 96], sizes = [1, 16], strides = [1, 1]} : vector<1x128xf32> to vector<1x16xf32>
    %add3A_54 = arith.addf %add3A_52, %slice3A_53 : vector<1x16xf32>
    %slice3A_55 = vector.extract_strided_slice %get3A_41 {offsets = [0, 112], sizes = [1, 16], strides = [1, 1]} : vector<1x128xf32> to vector<1x16xf32>
    %add3A_56 = arith.addf %add3A_54, %slice3A_55 : vector<1x16xf32>
    %concatenate3A_57 = tpu.concatenate %add3A_56, %add3A_56, %add3A_56, %add3A_56, %add3A_56, %add3A_56, %add3A_56, %add3A_56 in 1 : vector<1x16xf32>, vector<1x16xf32>, vector<1x16xf32>, vector<1x16xf32>, vector<1x16xf32>, vector<1x16xf32>, vector<1x16xf32>, vector<1x16xf32> -> vector<1x128xf32>
    %mul3A_58 = arith.constant 9.99999974E-6 : f32
    %mul3A_59 = vector.broadcast %mul3A_58 : f32 to vector<1x128xf32>
    %mul3A_60 = arith.mulf %concatenate3A_57, %mul3A_59 : vector<1x128xf32>
    %get3A_61 = arith.constant 3 : index
    %get3A_62 = arith.constant 0 : index
    %get3A_63 = vector.load %arg3[%get3A_61, %get3A_62] : memref<8x128xf32, #tpu.memory_space<vmem>>, vector<1x128xf32>
    %slice3A_64 = vector.extract_strided_slice %get3A_63 {offsets = [0, 0], sizes = [1, 16], strides = [1, 1]} : vector<1x128xf32> to vector<1x16xf32>
    %slice3A_65 = vector.extract_strided_slice %get3A_63 {offsets = [0, 16], sizes = [1, 16], strides = [1, 1]} : vector<1x128xf32> to vector<1x16xf32>
    %add3A_66 = arith.addf %slice3A_64, %slice3A_65 : vector<1x16xf32>
    %slice3A_67 = vector.extract_strided_slice %get3A_63 {offsets = [0, 32], sizes = [1, 16], strides = [1, 1]} : vector<1x128xf32> to vector<1x16xf32>
    %add3A_68 = arith.addf %add3A_66, %slice3A_67 : vector<1x16xf32>
    %slice3A_69 = vector.extract_strided_slice %get3A_63 {offsets = [0, 48], sizes = [1, 16], strides = [1, 1]} : vector<1x128xf32> to vector<1x16xf32>
    %add3A_70 = arith.addf %add3A_68, %slice3A_69 : vector<1x16xf32>
    %slice3A_71 = vector.extract_strided_slice %get3A_63 {offsets = [0, 64], sizes = [1, 16], strides = [1, 1]} : vector<1x128xf32> to vector<1x16xf32>
    %add3A_72 = arith.addf %add3A_70, %slice3A_71 : vector<1x16xf32>
    %slice3A_73 = vector.extract_strided_slice %get3A_63 {offsets = [0, 80], sizes = [1, 16], strides = [1, 1]} : vector<1x128xf32> to vector<1x16xf32>
    %add3A_74 = arith.addf %add3A_72, %slice3A_73 : vector<1x16xf32>
    %slice3A_75 = vector.extract_strided_slice %get3A_63 {offsets = [0, 96], sizes = [1, 16], strides = [1, 1]} : vector<1x128xf32> to vector<1x16xf32>
    %add3A_76 = arith.addf %add3A_74, %slice3A_75 : vector<1x16xf32>
    %slice3A_77 = vector.extract_strided_slice %get3A_63 {offsets = [0, 112], sizes = [1, 16], strides = [1, 1]} : vector<1x128xf32> to vector<1x16xf32>
    %add3A_78 = arith.addf %add3A_76, %slice3A_77 : vector<1x16xf32>
    %concatenate3A_79 = tpu.concatenate %add3A_78, %add3A_78, %add3A_78, %add3A_78, %add3A_78, %add3A_78, %add3A_78, %add3A_78 in 1 : vector<1x16xf32>, vector<1x16xf32>, vector<1x16xf32>, vector<1x16xf32>, vector<1x16xf32>, vector<1x16xf32>, vector<1x16xf32>, vector<1x16xf32> -> vector<1x128xf32>
    %mul3A_80 = arith.constant 9.99999974E-6 : f32
    %mul3A_81 = vector.broadcast %mul3A_80 : f32 to vector<1x128xf32>
    %mul3A_82 = arith.mulf %concatenate3A_79, %mul3A_81 : vector<1x128xf32>
    %mul3A_83 = arith.mulf %mul3A_16, %mul3A_16 : vector<1x128xf32>
    %sub3A = arith.subf %mul3A_38, %mul3A_83 : vector<1x128xf32>
    %add3A_84 = arith.constant 9.99999974E-6 : f32
    %add3A_85 = vector.broadcast %add3A_84 : f32 to vector<1x128xf32>
    %add3A_86 = arith.addf %sub3A, %add3A_85 : vector<1x128xf32>
    %rsqrt3A = math.rsqrt %add3A_86 : vector<1x128xf32>
    %mul3A_87 = arith.mulf %mul3A_60, %mul3A_60 : vector<1x128xf32>
    %sub3A_88 = arith.subf %mul3A_82, %mul3A_87 : vector<1x128xf32>
    %add3A_89 = arith.constant 9.99999974E-6 : f32
    %add3A_90 = vector.broadcast %add3A_89 : f32 to vector<1x128xf32>
    %add3A_91 = arith.addf %sub3A_88, %add3A_90 : vector<1x128xf32>
    %rsqrt3A_92 = math.rsqrt %add3A_91 : vector<1x128xf32>
    %get3A_93 = arith.constant 0 : index
    %get3A_94 = arith.constant 0 : index
    %get3A_95 = vector.load %arg4[%get3A_93, %get3A_94] : memref<2x128xf32, #tpu.memory_space<vmem>>, vector<1x128xf32>
    %get3A_96 = arith.constant 0 : index
    %get3A_97 = arith.constant 0 : index
    %get3A_98 = vector.load %arg1[%get3A_96, %get3A_97] : memref<1792x128xf32, #tpu.memory_space<vmem>>, vector<1792x128xf32>
    %sub3A_99 = vector.broadcast %mul3A_16 : vector<1x128xf32> to vector<1792x128xf32>
    %sub3A_100 = arith.subf %get3A_98, %sub3A_99 : vector<1792x128xf32>
    %mul3A_101 = vector.broadcast %get3A_95 : vector<1x128xf32> to vector<1792x128xf32>
    %mul3A_102 = arith.mulf %mul3A_101, %sub3A_100 : vector<1792x128xf32>
    %mul3A_103 = vector.broadcast %rsqrt3A : vector<1x128xf32> to vector<1792x128xf32>
    %mul3A_104 = arith.mulf %mul3A_102, %mul3A_103 : vector<1792x128xf32>
    %get3A_105 = arith.constant 0 : index
    %get3A_106 = arith.constant 0 : index
    %get3A_107 = vector.load %arg5[%get3A_105, %get3A_106] : memref<2x128xf32, #tpu.memory_space<vmem>>, vector<1x128xf32>
    %add3A_108 = vector.broadcast %get3A_107 : vector<1x128xf32> to vector<1792x128xf32>
    %add3A_109 = arith.addf %mul3A_104, %add3A_108 : vector<1792x128xf32>
    %max3A = arith.constant 0.000000e+00 : f32
    %max3A_110 = vector.broadcast %max3A : f32 to vector<1792x128xf32>
    %max3A_111 = arith.maximumf %add3A_109, %max3A_110 : vector<1792x128xf32>
    %swap3A = arith.constant 0 : index
    %swap3A_112 = arith.constant 0 : index
    %swap3A_113 = vector.load %arg6[%swap3A, %swap3A_112] : memref<1792x128xf32, #tpu.memory_space<vmem>>, vector<1792x128xf32>
    tpu.vector_store %arg6[%swap3A, %swap3A_112], %max3A_111 {strides = array<i32>} : memref<1792x128xf32, #tpu.memory_space<vmem>>, vector<1792x128xf32>,
    %get3A_114 = arith.constant 1 : index
    %get3A_115 = arith.constant 0 : index
    %get3A_116 = vector.load %arg4[%get3A_114, %get3A_115] : memref<2x128xf32, #tpu.memory_space<vmem>>, vector<1x128xf32>
    %get3A_117 = arith.constant 0 : index
    %get3A_118 = arith.constant 0 : index
    %get3A_119 = vector.load %arg2[%get3A_117, %get3A_118] : memref<1792x128xf32, #tpu.memory_space<vmem>>, vector<1792x128xf32>
    %sub3A_120 = vector.broadcast %mul3A_60 : vector<1x128xf32> to vector<1792x128xf32>
    %sub3A_121 = arith.subf %get3A_119, %sub3A_120 : vector<1792x128xf32>
    %mul3A_122 = vector.broadcast %get3A_116 : vector<1x128xf32> to vector<1792x128xf32>
    %mul3A_123 = arith.mulf %mul3A_122, %sub3A_121 : vector<1792x128xf32>
    %mul3A_124 = vector.broadcast %rsqrt3A_92 : vector<1x128xf32> to vector<1792x128xf32>
    %mul3A_125 = arith.mulf %mul3A_123, %mul3A_124 : vector<1792x128xf32>
    %get3A_126 = arith.constant 1 : index
    %get3A_127 = arith.constant 0 : index
    %get3A_128 = vector.load %arg5[%get3A_126, %get3A_127] : memref<2x128xf32, #tpu.memory_space<vmem>>, vector<1x128xf32>
    %add3A_129 = vector.broadcast %get3A_128 : vector<1x128xf32> to vector<1792x128xf32>
    %add3A_130 = arith.addf %mul3A_125, %add3A_129 : vector<1792x128xf32>
    %max3A_131 = arith.constant 0.000000e+00 : f32
    %max3A_132 = vector.broadcast %max3A_131 : f32 to vector<1792x128xf32>
    %max3A_133 = arith.maximumf %add3A_130, %max3A_132 : vector<1792x128xf32>
    %swap3A_134 = arith.constant 0 : index
    %swap3A_135 = arith.constant 0 : index
    %swap3A_136 = vector.load %arg7[%swap3A_134, %swap3A_135] : memref<1792x128xf32, #tpu.memory_space<vmem>>, vector<1792x128xf32>
    tpu.vector_store %arg7[%swap3A_134, %swap3A_135], %max3A_133 {strides = array<i32>} : memref<1792x128xf32, #tpu.memory_space<vmem>>, vector<1792x128xf32>,
    return
  }
  func.func @transform_0(%arg0: i32) -> (i32, i32) {
    %c0_i32 = arith.constant 0 : i32
    %c0_i32_0 = arith.constant 0 : i32
    return %arg0, %c0_i32 : i32, i32
  }
  func.func @transform_1(%arg0: i32) -> (i32, i32) {
    %c0_i32 = arith.constant 0 : i32
    %c0_i32_0 = arith.constant 0 : i32
    return %arg0, %c0_i32 : i32, i32
  }
  func.func @transform_2(%arg0: i32) -> (i32, i32) {
    %c0_i32 = arith.constant 0 : i32
    %c0_i32_0 = arith.constant 0 : i32
    %c0_i32_1 = arith.constant 0 : i32
    return %c0_i32, %c0_i32_0 : i32, i32
  }
  func.func @transform_3(%arg0: i32) -> (i32, i32) {
    %c0_i32 = arith.constant 0 : i32
    %c0_i32_0 = arith.constant 0 : i32
    %c0_i32_1 = arith.constant 0 : i32
    return %c0_i32, %c0_i32_0 : i32, i32
  }
  func.func @transform_4(%arg0: i32) -> (i32, i32) {
    %c0_i32 = arith.constant 0 : i32
    %c0_i32_0 = arith.constant 0 : i32
    %c0_i32_1 = arith.constant 0 : i32
    return %c0_i32, %c0_i32_0 : i32, i32
  }
  func.func @transform_5(%arg0: i32) -> (i32, i32) {
    %c0_i32 = arith.constant 0 : i32
    %c0_i32_0 = arith.constant 0 : i32
    return %arg0, %c0_i32 : i32, i32
  }
  func.func @transform_6(%arg0: i32) -> (i32, i32) {
    %c0_i32 = arith.constant 0 : i32
    %c0_i32_0 = arith.constant 0 : i32
    return %arg0, %c0_i32 : i32, i32
  }
}

module attributes {stable_mosaic.version = 14 : i64} {
  func.func @body(%arg0: i32, %arg1: memref<4096x20xf32, #tpu.memory_space<vmem>>, %arg2: memref<1x1x4096xi32, #tpu.memory_space<vmem>>, %arg3: memref<512x20xf32, #tpu.memory_space<vmem>>) attributes {dimension_semantics = [#tpu.dimension_semantics<arbitrary>], iteration_bounds = array<i64: 25>, scalar_prefetch = 0 : i64, scratch_operands = 0 : i64, tpu.core_type = #tpu.core_type<tc>, window_params = [{transform_indices = @transform_0, window_bounds = array<i64: 4096, 20>}, {transform_indices = @transform_1, window_bounds = array<i64: 1, 1, 4096>}, {pipeline_mode = #tpu.pipeline_mode<synchronous>, transform_indices = @transform_2, window_bounds = array<i64: 512, 20>}]} {
    %iota3A = tpu.iota {dimensions = array<i32: 0>} : vector<4096x1xi32>
    %mul3A = arith.constant 4096 : i32
    %mul3A_0 = arith.muli %arg0, %mul3A : i32
    %add3A = vector.broadcast %mul3A_0 : i32 to vector<4096x1xi32>
    %add3A_1 = arith.addi %iota3A, %add3A : vector<4096x1xi32>
    %lt3A = arith.constant 100000 : i32
    %lt3A_2 = vector.broadcast %lt3A : i32 to vector<4096x1xi32>
    %lt3A_3 = arith.cmpi slt, %add3A_1, %lt3A_2 : vector<4096x1xi32>
    %get3A = arith.constant 0 : index
    %get3A_4 = arith.constant 0 : index
    %get3A_5 = vector.load %arg1[%get3A, %get3A_4] : memref<4096x20xf32, #tpu.memory_space<vmem>>, vector<4096x20xf32>
    %jit3A = arith.constant 0.000000e+00 : f32
    %broadcast_in_dim3A = vector.shape_cast %lt3A_3 : vector<4096x1xi1> to vector<4096x1xi1>
    %broadcast_in_dim3A_6 = vector.broadcast %broadcast_in_dim3A : vector<4096x1xi1> to vector<4096x20xi1>
    %broadcast_in_dim3A_7 = vector.broadcast %jit3A : f32 to vector<4096x20xf32>
    %select_n3A = arith.select %broadcast_in_dim3A_6, %get3A_5, %broadcast_in_dim3A_7 : vector<4096x20xi1>, vector<4096x20xf32>
    %get3A_8 = arith.constant 0 : index
    %get3A_9 = arith.constant 0 : index
    %get3A_10 = arith.constant 0 : index
    %get3A_11 = vector.load %arg2[%get3A_8, %get3A_9, %get3A_10] : memref<1x1x4096xi32, #tpu.memory_space<vmem>>, vector<1x1x4096xi32>
    %get3A_12 = vector.shape_cast %get3A_11 : vector<1x1x4096xi32> to vector<4096xi32>
    %iota3A_13 = tpu.iota {dimensions = array<i32: 0>} : vector<512x4096xi32>
    %broadcast_in_dim3A_14 = vector.shape_cast %get3A_12 : vector<4096xi32> to vector<1x4096xi32>
    %eq3A = vector.broadcast %broadcast_in_dim3A_14 : vector<1x4096xi32> to vector<512x4096xi32>
    %eq3A_15 = arith.cmpi eq, %iota3A_13, %eq3A : vector<512x4096xi32>
    %convert_element_type3A = arith.extui %eq3A_15 : vector<512x4096xi1> to vector<512x4096xi32>
    %convert_element_type3A_16 = arith.sitofp %convert_element_type3A : vector<512x4096xi32> to vector<512x4096xf32>
    %convert_element_type3A_17 = arith.truncf %convert_element_type3A_16 : vector<512x4096xf32> to vector<512x4096xbf16>
    %convert_element_type3A_18 = arith.truncf %select_n3A : vector<4096x20xf32> to vector<4096x20xbf16>
    %dot_general3A = arith.constant dense<0.000000e+00> : vector<512x20xf32>
    %dot_general3A_19 = tpu.matmul %convert_element_type3A_17, %convert_element_type3A_18, %dot_general3A {dimension_numbers = #tpu.dot_dimension_numbers<[1], [0], [0], [1], [0, 0, 1, 1], [], []>, transpose_lhs_hint = false} : vector<512x4096xbf16>, vector<4096x20xbf16>, vector<512x20xf32> -> vector<512x20xf32>
    %eq3A_20 = arith.constant 0 : i32
    %eq3A_21 = arith.cmpi eq, %arg0, %eq3A_20 : i32
    %convert_element_type3A_22 = arith.extui %eq3A_21 : i1 to i32
    %cond3A = arith.constant 0 : i32
    %cond3A_23 = arith.cmpi ne, %convert_element_type3A_22, %cond3A : i32
    scf.if %cond3A_23 {
      %swap3A = arith.constant 0 : index
      %swap3A_28 = arith.constant 0 : index
      %swap3A_29 = vector.load %arg3[%swap3A, %swap3A_28] : memref<512x20xf32, #tpu.memory_space<vmem>>, vector<512x20xf32>
      tpu.vector_store %arg3[%swap3A, %swap3A_28], %dot_general3A_19 {strides = array<i32>} : memref<512x20xf32, #tpu.memory_space<vmem>>, vector<512x20xf32>,
    } else {
    }
    %gt3A = arith.constant 0 : i32
    %gt3A_24 = arith.cmpi sgt, %arg0, %gt3A : i32
    %convert_element_type3A_25 = arith.extui %gt3A_24 : i1 to i32
    %cond3A_26 = arith.constant 0 : i32
    %cond3A_27 = arith.cmpi ne, %convert_element_type3A_25, %cond3A_26 : i32
    scf.if %cond3A_27 {
      %get3A_28 = arith.constant 0 : index
      %get3A_29 = arith.constant 0 : index
      %get3A_30 = vector.load %arg3[%get3A_28, %get3A_29] : memref<512x20xf32, #tpu.memory_space<vmem>>, vector<512x20xf32>
      %add3A_31 = arith.addf %get3A_30, %dot_general3A_19 : vector<512x20xf32>
      %swap3A = arith.constant 0 : index
      %swap3A_32 = arith.constant 0 : index
      %swap3A_33 = vector.load %arg3[%swap3A, %swap3A_32] : memref<512x20xf32, #tpu.memory_space<vmem>>, vector<512x20xf32>
      tpu.vector_store %arg3[%swap3A, %swap3A_32], %add3A_31 {strides = array<i32>} : memref<512x20xf32, #tpu.memory_space<vmem>>, vector<512x20xf32>,
    } else {
    }
    return
  }
  func.func @transform_0(%arg0: i32) -> (i32, i32) {
    %c0_i32 = arith.constant 0 : i32
    %c0_i32_0 = arith.constant 0 : i32
    return %arg0, %c0_i32 : i32, i32
  }
  func.func @transform_1(%arg0: i32) -> (i32, i32, i32) {
    %c0_i32 = arith.constant 0 : i32
    %c0_i32_0 = arith.constant 0 : i32
    %c0_i32_1 = arith.constant 0 : i32
    return %arg0, %c0_i32, %c0_i32_0 : i32, i32, i32
  }
  func.func @transform_2(%arg0: i32) -> (i32, i32) {
    %c0_i32 = arith.constant 0 : i32
    %c0_i32_0 = arith.constant 0 : i32
    %c0_i32_1 = arith.constant 0 : i32
    return %c0_i32, %c0_i32_0 : i32, i32
  }
}

module attributes {stable_mosaic.version = 14 : i64} {
  func.func @body(%arg0: memref<512x20xf32, #tpu.memory_space<vmem>>, %arg1: memref<20x2xf32, #tpu.memory_space<vmem>>, %arg2: memref<1x2xf32, #tpu.memory_space<vmem>>, %arg3: memref<512x2xf32, #tpu.memory_space<vmem>>) attributes {dimension_semantics = [], scalar_prefetch = 0 : i64, scratch_operands = 0 : i64, tpu.core_type = #tpu.core_type<tc>} {
    %get3A = arith.constant 0 : index
    %get3A_0 = arith.constant 0 : index
    %get3A_1 = vector.load %arg0[%get3A, %get3A_0] : memref<512x20xf32, #tpu.memory_space<vmem>>, vector<512x20xf32>
    %get3A_2 = arith.constant 0 : index
    %get3A_3 = arith.constant 0 : index
    %get3A_4 = vector.load %arg1[%get3A_2, %get3A_3] : memref<20x2xf32, #tpu.memory_space<vmem>>, vector<20x2xf32>
    %dot_general3A = arith.constant dense<0.000000e+00> : vector<512x2xf32>
    %dot_general3A_5 = tpu.matmul %get3A_1, %get3A_4, %dot_general3A {dimension_numbers = #tpu.dot_dimension_numbers<[1], [0], [0], [1], [0, 0, 1, 1], [], []>, transpose_lhs_hint = false} : vector<512x20xf32>, vector<20x2xf32>, vector<512x2xf32> -> vector<512x2xf32>
    %get3A_6 = arith.constant 0 : index
    %get3A_7 = arith.constant 0 : index
    %get3A_8 = vector.load %arg2[%get3A_6, %get3A_7] : memref<1x2xf32, #tpu.memory_space<vmem>>, vector<1x2xf32>
    %add3A = vector.broadcast %get3A_8 : vector<1x2xf32> to vector<512x2xf32>
    %add3A_9 = arith.addf %dot_general3A_5, %add3A : vector<512x2xf32>
    %swap3A = arith.constant 0 : index
    %swap3A_10 = arith.constant 0 : index
    %swap3A_11 = vector.load %arg3[%swap3A, %swap3A_10] : memref<512x2xf32, #tpu.memory_space<vmem>>, vector<512x2xf32>
    tpu.vector_store %arg3[%swap3A, %swap3A_10], %add3A_9 {strides = array<i32>} : memref<512x2xf32, #tpu.memory_space<vmem>>, vector<512x2xf32>,
    return
  }
}

</mosaic_0001>

<sc_bundles>
// kernel: closed_call.16.cloned.1.call-start
scs
__scs_entry_jumppad:
0x0: {  	(pc) =	sbr.rel $0x88, $3  }
0x1: {  	(tag) =	ssettag $0x0;
	lr =	simm.s32 $0x1  }
0x2: {  	[smem:$0x3F8A] =	sst lr;
	_ =	strace $0xD0000000  }
0x3: {  	_ = 	snop  }
0x4: {  	_ = 	snop  }
0x5: {  	_ = 	snop  }
0x6: {  	_ = 	snop  }
0x7: {  	_ = 	snop  }
__scs_overlays_trampoline_lowered:
0x8: {  	[smem:$0x3F99] =	sst s0  }
0x9: {  	[smem:$0x3F9A] =	sst s1  }
0xa: {  	[smem:$0x3F9B] =	sst s2  }
0xb: {  	[smem:$0x3F9C] =	sst s3  }
0xc: {  	[smem:$0x3F9D] =	sst s4  }
0xd: {  	[smem:$0x3F9E] =	sst s5  }
0xe: {  	[smem:$0x3F9F] =	sst s6  }
0xf: {  	[smem:$0x3FA0] =	sst s7  }
0x10: {  	[smem:$0x3FA1] =	sst s8  }
0x11: {  	[smem:$0x3FA2] =	sst s9;
	s0 =	simm.s32 @!p0 $0x0  }
0x12: {  	s1 =	sld [smem:$0x3F88];
	s0 =	simm.s32 @p0 $0x1  }
0x13: {  	[smem:$0x3FA3] =	sst s0;
	s0 =	simm.s32 @!p1 $0x0  }
0x14: {  	s2 =	sld [smem:$0x3F87];
	s0 =	simm.s32 @p1 $0x1  }
0x15: {  	[smem:$0x3FA4] =	sst s0;
	s0 =	simm.s32 @!p2 $0x0  }
0x16: {  	s3 =	sld [smem:$0x3FDB];
	s0 =	simm.s32 @p2 $0x1  }
0x17: {  	s4 =	simm.s32 $0x1BF5;
	[smem:$0x3FA6] =	sst s0  }
0x18: {  	s0 =	sld [smem:$0x3F89];
	_ =	swait.ge [sflag:s4], $0x0  }
0x19: {  	s7 =	sld [smem:$0x3F8A]  }
0x1a: {  	s8 =	sadd.s32 $0xFFFFE003, lr  }
0x1b: {  	s9 =	sadd.s32 $0xFFFFFEF7, lr;
	s5 =	simm.s32 $0xFFFFFFFF;
	p2 =	slt.u32 s8, $0xFFFFF086  }
0x1c: {  	p1 =	slt.u32 s9, $0xF7A;
	s5 =	simm.s32 @!p2 $0x0  }
0x1d: {  	s5 =	simm.s32 @p1 $0x1;
	p0 =	seq.s32 s7, s2  }
0x1e: {  	s7 =	smul.u32 @!p0 $0xF7A, s2;
	p2 =	seq.s32 @!p0 s5, $0x0  }
0x1f: {  	s9 =	smul.u32 $0xF7A, s1;
	s8 =	simm.s32 @!p0 $0x1BF5;
	p2 =	por !p2, p0  }
0x20: {  	[sflag:s8] =	ssyncset.s32 @!p0 $0xFFFFF086;
	s6 =	sadd.s32 @!p0 s3, s7;
	s7 =	simm.s32 @!p0 $0x108  }
0x21: {  	s3 =	sadd.s32 s3, s9;
	s6 =	sadd.s32 @!p0 $0x88, s6;
	s7 =	simm.s32 @p2 $0x1082  }
0x22: {  	[simem:s7], [sflag:s8] =	dma.local @!p0 [hbm:s6], $0xF7A  }
0x23: {  	s9 =	sor.u32 $0xD0000000, s2;
	s6 =	simm.s32 $0x108;
	_ =	swait.ge @!p0 [sflag:s8], $0x0  }
0x24: {  	s3 =	sadd.s32 $0x88, s3;
	s6 =	simm.s32 @!p1 $0x1082;
	[sflag:s4] =	ssyncset.s32 $0xFFFFF086  }
0x25: {  	[simem:s6], [sflag:s4] =	dma.local [hbm:s3], $0xF7A  }
0x26: {  	[smem:$0x3F8A] =	sst s1;
	(tag) =	ssettag s2;
	_ =	strace s9  }
0x27: {  	s1 =	sld [smem:$0x3F9A]  }
0x28: {  	s2 =	sld [smem:$0x3F9B]  }
0x29: {  	s4 =	sld [smem:$0x3F9D]  }
0x2a: {  	p0 =	seq.s32 s5, $0x0;
	s5 =	sld [smem:$0x3F9E]  }
0x2b: {  	s6 =	sld [smem:$0x3F9F]  }
0x2c: {  	s7 =	sld [smem:$0x3FA0]  }
0x2d: {  	s3 =	simm.s32 $0x108;
	s8 =	sld [smem:$0x3FA1]  }
0x2e: {  	s3 =	simm.s32 @!p0 $0x1082;
	s9 =	sld [smem:$0x3FA2]  }
0x2f: {  	lr =	sadd.s32 s0, s3;
	s0 =	sld [smem:$0x3F99]  }
0x30: {  	s3 =	sld [smem:$0x3F9C]  }
0x31: {  	[smem:$0x3FA5] =	sst s10  }
0x32: {  	s10 =	sld [smem:$0x3FA3];
	_ =	sdelay $0x3  }
0x33: {  	p0 =	seq.s32 s10, $0x1;
	s10 =	sld [smem:$0x3FA5];
	_ =	sdelay $0x3  }
0x34: {  	[smem:$0x3FA5] =	sst s10  }
0x35: {  	s10 =	sld [smem:$0x3FA4];
	_ =	sdelay $0x3  }
0x36: {  	p1 =	seq.s32 s10, $0x1;
	s10 =	sld [smem:$0x3FA5];
	_ =	sdelay $0x3  }
0x37: {  	[smem:$0x3FA5] =	sst s10  }
0x38: {  	s10 =	sld [smem:$0x3FA6]  }
0x39: {  	_ = 	snop;
	(pc) =	sbr.ind lr, $3  }
0x3a: {  	_ = 	snop  }
0x3b: {  	_ = 	snop  }
0x3c: {  	p2 =	seq.s32 s10, $0x1;
	s10 =	sld [smem:$0x3FA5]  }
0x3d: {  	_ =	shalt  }
0x3e: {  	_ =	shalt  }
0x3f: {  	_ =	shalt  }
0x40: {  	_ =	shalt  }
0x41: {  	_ =	shalt  }
0x42: {  	_ =	shalt  }
0x43: {  	_ =	shalt  }
0x44: {  	_ =	shalt  }
0x45: {  	_ =	shalt  }
0x46: {  	_ =	shalt  }
0x47: {  	_ =	shalt  }
0x48: {  	_ =	shalt  }
0x49: {  	_ =	shalt  }
0x4a: {  	_ =	shalt  }
0x4b: {  	_ =	shalt  }
0x4c: {  	_ =	shalt  }
0x4d: {  	_ =	shalt  }
0x4e: {  	_ =	shalt  }
0x4f: {  	_ =	shalt  }
0x50: {  	_ =	shalt  }
0x51: {  	_ =	shalt  }
0x52: {  	_ =	shalt  }
0x53: {  	_ =	shalt  }
0x54: {  	_ =	shalt  }
0x55: {  	_ =	shalt  }
0x56: {  	_ =	shalt  }
0x57: {  	_ =	shalt  }
0x58: {  	_ =	shalt  }
0x59: {  	_ =	shalt  }
0x5a: {  	_ =	shalt  }
0x5b: {  	_ =	shalt  }
0x5c: {  	_ =	shalt  }
0x5d: {  	_ =	shalt  }
0x5e: {  	_ =	shalt  }
0x5f: {  	_ =	shalt  }
0x60: {  	_ =	shalt  }
0x61: {  	_ =	shalt  }
0x62: {  	_ =	shalt  }
0x63: {  	_ =	shalt  }
0x64: {  	_ =	shalt  }
0x65: {  	_ =	shalt  }
0x66: {  	_ =	shalt  }
0x67: {  	_ =	shalt  }
0x68: {  	_ =	shalt  }
0x69: {  	_ =	shalt  }
0x6a: {  	_ =	shalt  }
0x6b: {  	_ =	shalt  }
0x6c: {  	_ =	shalt  }
0x6d: {  	_ =	shalt  }
0x6e: {  	_ =	shalt  }
0x6f: {  	_ =	shalt  }
0x70: {  	_ =	shalt  }
0x71: {  	_ =	shalt  }
0x72: {  	_ =	shalt  }
0x73: {  	_ =	shalt  }
0x74: {  	_ =	shalt  }
0x75: {  	_ =	shalt  }
0x76: {  	_ =	shalt  }
0x77: {  	_ =	shalt  }
0x78: {  	_ =	shalt  }
0x79: {  	_ =	shalt  }
0x7a: {  	_ =	shalt  }
0x7b: {  	_ =	shalt  }
0x7c: {  	_ =	shalt  }
0x7d: {  	_ =	shalt  }
0x7e: {  	_ =	shalt  }
0x7f: {  	_ =	shalt  }
0x80: {  	_ =	shalt  }
0x81: {  	_ =	shalt  }
0x82: {  	_ =	shalt  }
0x83: {  	_ =	shalt  }
0x84: {  	_ =	shalt  }
0x85: {  	_ =	shalt  }
0x86: {  	_ =	shalt  }
0x87: {  	_ =	shalt  }
.Lfunc_end0:
.L_simem_size_0:
called_computation_lowered:
.L_overlay_start_0:
0x88: {  	s2 =	sld [smem:$0x3FD9]  }
0x89: {  	s3 =	sld [smem:$0x3FFE];
	_ =	sdelay $0x1  }
0x8a: {  	s1 =	srdreg.scid  }
0x8b: {  	s0 =	sand.u32 $0x1, s1  }
0x8c: {  	s14 =	sshll.u32 s0, $0xA;
	s2 =	sadd.s32 s3, s2  }
0x8d: {  	s2 =	sadd.s32 s2, s14  }
0x8e: {  	[smem:$0x3FB1] =	sst s2  }
0x8f: {  	_ = 	snop  }
0x90: {  	s2 =	sld [smem:$0x3FD0];
	_ =	sdelay $0x2  }
0x91: {  	s15 =	simm.s32 $0xA;
	s4 =	simm.s32 $0x10  }
0x92: {  	[smem:s4], [sflag:s15] =	dma.local [hbm:s2], $0x1  }
0x93: {  	_ =	swait.eq [sflag:s15], $0x1  }
0x94: {  	[sflag:s15] =	ssyncset.done $0x0  }
0x95: {  	[sflag:s15] =	ssyncadd.s32 $0xFFFFFFFF  }
0x96: {  	s16 =	sld [smem:$0x11];
	(tm) =	ssettm $0x1  }
0x97: {  	s17 =	sld [smem:$0x3FFB];
	_ =	sdelay $0x3  }
0x98: {  	_ =	strace s17  }
0x99: {  	s3 =	sld [smem:$0x3FFC];
	_ =	sdelay $0x3  }
0x9a: {  	_ =	strace s3  }
0x9b: {  	s3 =	sld [smem:$0x3FFD];
	_ =	sdelay $0x3  }
0x9c: {  	_ =	strace s3  }
0x9d: {  	_ =	strace $0x8FFFFFFF  }
0x9e: {  	s18 =	sld [smem:$0x3FDB];
	_ =	sdelay $0x1  }
0x9f: {  	s19 =	simm.s32 $_scs_section_size  }
0xa0: {  	s5 =	simm.s32 $_size__tile_overlayer_lowered;
	s6 =	simm.s32 $_tile_overlayer_lowered  }
0xa1: {  	s22 =	simm.s32 $0x1BFF;
	s21 =	sshll.u32 s6, $0x1;
	s3 =	sadd.s32 s19, s18  }
0xa2: {  	s7 =	simm.s32 $0x0;
	s20 =	sshll.u32 s5, $0x1;
	s5 =	sadd.s32 s21, s3  }
0xa3: {  	[timem:s7], [sflag:s22] =	dma.local [hbm:s5], s20  }
0xa4: {  	_ =	swait.ge [sflag:s22], s20  }
0xa5: {  	s4 =	ssub.s32 $0x0, s20;
	[sflag:s22] =	ssyncset.done $0x0  }
0xa6: {  	[sflag:s22] =	ssyncadd.s32 s4;
	_ =	sdelay $0x1  }
0xa7: {  	s23 =	simm.s32 $0x1B8B  }
0xa8: {  	_ =	swait.ge [sflag:s23], $0x1  }
0xa9: {  	[sflag:s23] =	ssyncset.done $0x0  }
0xaa: {  	s25 =	simm.s32 $0x1B8E;
	s24 =	sld [smem:$0x3FFE];
	[sflag:s23] =	ssyncadd.s32 $0xFFFFFFFF  }
0xab: {  	s26 =	simm.s32 $execute0_lowered;
	[smem:$0x3FD2] =	sst s25  }
0xac: {  	s5 =	sshll.u32 s26, $0x1;
	_ =	strace $0x80000046;
	[dreg:$0x1] =	wrdreg $0xFFFFFFFF  }
0xad: {  	s28 =	simm.s32 $_size_execute0_lowered;
	s3 =	sadd.s32 s3, s5;
	[dreg:$0x0] =	wrdreg $0x0  }
0xae: {  	s5 =	sshll.u32 s28, $0x1;
	[dreg:$0x2] =	wrdreg s3  }
0xaf: {  	[dreg:$0x3] =	wrdreg s5  }
0xb0: {  	[dreg:$0x4] =	wrdreg $0xC0  }
0xb1: {  	_ =	task [dreg:s7], $0x5FFFF  }
0xb2: {  	[dreg:$0x1] =	wrdreg $0xFFFFFFFF  }
0xb3: {  	[dreg:$0x0] =	wrdreg $0x60  }
0xb4: {  	[dreg:$0x2] =	wrdreg s16  }
0xb5: {  	[dreg:$0x3] =	wrdreg s24  }
0xb6: {  	[dreg:$0x4] =	wrdreg $0x5F000  }
0xb7: {  	[dreg:$0x5] =	wrdreg $0x9  }
0xb8: {  	_ =	task.clear_ibuf [dreg:s7], $0x6FFFF;
	_ =	strace $0x90000046  }
0xb9: {  	s29 =	simm.s32 $0x9;
	_ =	strace $0x80000048  }
0xba: {  	_ =	swait.ge [sflag:s29], $0x1  }
0xbb: {  	[sflag:s29] =	ssyncadd.s32 $0xFFFFFFFF  }
0xbc: {  	_ =	strace $0x90000048  }
0xbd: {  	_ =	sfence  }
0xbe: {  	s30 =	sld [smem:$0x0];
	_ =	sdelay $0x2  }
0xbf: {  	s31 =	sshll.u32 s1, $0xD;
	s1 =	sshrl.u32 s1, $0x2  }
0xc0: {  	s3 =	sand.u32 $0x4000, s31;
	s1 =	sadd.s32 s1, s30  }
0xc1: {  	s0 =	sor.u32 s3, s0;
	s1 =	sshll.u32 s1, $0x11  }
0xc2: {  	s0 =	sor.u32 s1, s0  }
0xc3: {  	s0 =	sadd.s32 $0x8F2B, s0  }
0xc4: {  	[sflag:s0] =	ssyncadd.remote.s32 $0x1  }
0xc5: {  	_ =	sfence.sel $0xFFFF  }
0xc6: {  	[dreg:$0x0] =	wrdreg $0xFFFFFFFF;
	(pc) =	sbr.abs _section_cstart, $3  }
0xc7: {  	[dreg:$0x1] =	wrdreg $0xFFFFFFFF  }
0xc8: {  	_ =	task.clear_ibuf [dreg:s7], $0x2FFFF;
	_ =	strace $0x9FFFFFFF  }
0xc9: {  	(tm) =	ssettm $0x7FFFFFFF  }
tec
execute0_lowered:
.L_overlay_start_1:
0x0: {  	(tag) =	ssettag $0x1  }
0x1: {  	s1 =	rddreg [dreg:$0x0]  }
0x2: {  	s0 =	rddreg [dreg:$0x1]  }
0x3: {  	s2 =	rddreg [dreg:$0x2]  }
0x4: {  	s3 =	simm.s32 $0x0;
	s5 =	srdreg.scid;
	s16 =	simm.s32 $0x2  }
0x5: {  	s18 =	simm.s32 $0x80;
	s30 =	simm.s32 $0x3;
	s31 =	simm.s32 $0x1  }
0x6: {  	[smem:$0x7FF] =	sst s3;
	s3 =	stileid.u32;
	s7 =	sand.u32 $0x1, s5  }
0x7: {  	s5 =	sadd.s32 $0x4800, s0;
	s9 =	sadd.s32 $0xC8600, s0;
	s8 =	smul.u32 $0x3100, s3  }
0x8: {  	s11 =	sadd.s32 $0x66400, s0;
	s6 =	sadd.s32 $0x35600, s0;
	s10 =	smul.u32 $0x31000, s7  }
0x9: {  	_ =	strace $0x80000047;
	s12 =	ssub.s32 $0x2, s7;
	s13 =	smul.u32 $0x31100, s3  }
0xa: {  	s25 =	smul.u32 $0x6220, s3;
	p0 =	seq.s32 s7, $0x1;
	s24 =	sshrl.u32 s12, $0x1  }
0xb: {  	s28 =	smul.u32 $0x62000, s3;
	s8 =	sadd.s32 s8, s10;
	s14 =	ssub.s32 s12, s24  }
.Ltmp0:
0xc: {  	s26 =	sshrl.u32 s13, $0x3;
	s7 =	sadd.s32 s9, s25;
	(pc) =	sbr.rel .LBB2_1-.Ltmp0, $4  }
0xd: {  	s29 =	sshrl.u32 s28, $0x2;
	s0 =	sadd.s32 s8, s0;
	s8 =	sadd.s32 s11, s25  }
0xe: {  	s10 =	sadd.s32 $0x50, s26;
	s13 =	smax.u32 s14, $0x1;
	s17 =	sadd.s32 $0xA0, s7  }
0xf: {  	s9 =	sadd.s32 s9, s10;
	s10 =	sadd.s32 s11, s10;
	s11 =	sadd.s32 s29, s2  }
0x10: {  	s12 =	sadd.s32 $0x12A800, s0;
	s19 =	sadd.s32 $0xA0, s8;
	s0 =	simm.s32 $0x0  }
.LBB2_6:
0x11: {  	s0 =	sadd.s32 $0x1, s0  }
0x12: {  	s4 =	sshll.u32 s3, $0x6;
	[bflag:$0x0] =	sbarrier.arrive $0xFFFF;
	p1 =	sne.s32 s0, s13  }
.Ltmp1:
0x13: {  	s14 =	sshrl.u32 s11, $0x3;
	s4 =	sor.u32 $0x1C03, s4;
	(pc) =	sbr.rel @!p1 .LBB2_7-.Ltmp1, $4  }
0x14: {  	[hbm:s12], [sflag:s4] =	dma.local [spmem:s14], $0x3100  }
0x15: {  	_ =	swait.ge [sflag:s30], $0x3100  }
0x16: {  	[sflag:s30] =	ssyncset.done $0x0  }
0x17: {  	[sflag:s30] =	ssyncadd.s32 $0xFFFFCF00  }
.LBB2_1:
0x18: {  	s4 =	simm.s32 $0x0  }
0x19: {  	[tilespmem:s4], [sflag:$0x2] =	stream.linear.gather [hbm4b:s7+s4], $0x280, $0x38;
	[tilespmem:$0x1E700] =	vst v63  }
0x1a: {  	_ =	swait.ge [sflag:s16], $0x280  }
0x1b: {  	[sflag:s16] =	ssyncset.done $0x0  }
.Ltmp2:
0x1c: {  	s14 =	simm.s32 $0x780;
	[sflag:s16] =	ssyncadd.s32 $0xFFFFFD80;
	(pc) =	sbr.rel @!p0 .LBB2_2-.Ltmp2, $4  }
0x1d: {  	[tilespmem:s14], [sflag:$0x2] =	stream.linear.gather [hbm4b:s8+s4], $0x280, $0x38;
	[tilespmem:$0x1E700] =	vst v63  }
0x1e: {  	_ =	swait.ge [sflag:s16], $0x280  }
0x1f: {  	[sflag:s16] =	ssyncset.done $0x0  }
0x20: {  	[sflag:s16] =	ssyncadd.s32 $0xFFFFFD80  }
0x21: {  	s21 =	simm.s32 $0x0;
	s4 =	simm.s32 $0xF00  }
0x22: {  	[tilespmem:s4], [sflag:$0x1] =	stream.indirect.gather [hbm4b:s5+s18], $0x10, s21, s18, $0xb8;
	[tilespmem:$0x1E700] =	vst v63  }
0x23: {  	s14 =	simm.s32 $0x1700  }
0x24: {  	[tilespmem:s14], [sflag:$0x1] =	stream.indirect.gather [hbm4b:s5+s18], $0x10, s18, s18, $0xb8;
	[tilespmem:$0x1E700] =	vst v63  }
0x25: {  	s15 =	simm.s32 $0x100;
	s14 =	simm.s32 $0x1F00  }
0x26: {  	[tilespmem:s14], [sflag:$0x1] =	stream.indirect.gather [hbm4b:s5+s18], $0x10, s15, s18, $0xb8;
	[tilespmem:$0x1E700] =	vst v63  }
0x27: {  	s20 =	simm.s32 $0x180;
	s22 =	simm.s32 $0x2700  }
0x28: {  	[tilespmem:s22], [sflag:$0x1] =	stream.indirect.gather [hbm4b:s5+s18], $0x10, s20, s18, $0xb8;
	[tilespmem:$0x1E700] =	vst v63  }
0x29: {  	s23 =	simm.s32 $0x200;
	s24 =	simm.s32 $0x2F00  }
0x2a: {  	[tilespmem:s24], [sflag:$0x1] =	stream.indirect.gather [hbm4b:s5+s18], $0x10, s23, s18, $0xb8;
	[tilespmem:$0x1E700] =	vst v63  }
0x2b: {  	s25 =	simm.s32 $0x280;
	s28 =	sshll.u32 s3, $0x6  }
0x2c: {  	[tilespmem:s25], [sflag:$0x2] =	stream.linear.gather [hbm4b:s9+s21], $0x280, $0x38;
	[tilespmem:$0x1E700] =	vst v63  }
0x2d: {  	s26 =	simm.s32 $0xA00;
	s29 =	sshrl.u32 s11, $0x3;
	s4 =	sor.u32 $0x1C03, s28  }
0x2e: {  	[tilespmem:s26], [sflag:$0x2] =	stream.linear.gather [hbm4b:s10+s21], $0x280, $0x38;
	[tilespmem:$0x1E700] =	vst v63  }
0x2f: {  	[spmem:s29], [sflag:s4] =	dma.local [hbm:s6], $0x3100  }
0x30: {  	_ =	swait.ge [sflag:s30], $0x3100  }
0x31: {  	[sflag:s30] =	ssyncset.done $0x0  }
0x32: {  	[sflag:s30] =	ssyncadd.s32 $0xFFFFCF00  }
0x33: {  	[bflag:$0x0] =	sbarrier.arrive $0xFFFF  }
0x34: {  	_ =	swait.ge [sflag:s31], $0x800  }
0x35: {  	[sflag:s31] =	ssyncset.done $0x0  }
0x36: {  	[sflag:s31] =	ssyncadd.s32 $0xFFFFF800  }
0x37: {  	_ =	swait.ge [sflag:s31], $0x800  }
0x38: {  	[sflag:s31] =	ssyncset.done $0x0  }
0x39: {  	[sflag:s31] =	ssyncadd.s32 $0xFFFFF800  }
0x3a: {  	_ =	swait.ge [sflag:s31], $0x800  }
0x3b: {  	[sflag:s31] =	ssyncset.done $0x0  }
0x3c: {  	[sflag:s31] =	ssyncadd.s32 $0xFFFFF800  }
0x3d: {  	_ =	swait.ge [sflag:s31], $0x800  }
0x3e: {  	[sflag:s31] =	ssyncset.done $0x0  }
0x3f: {  	[sflag:s31] =	ssyncadd.s32 $0xFFFFF800  }
0x40: {  	_ =	swait.ge [sflag:s31], $0x800  }
0x41: {  	[sflag:s31] =	ssyncset.done $0x0  }
0x42: {  	s15 =	smov.u32 s17;
	s14 =	smov.u32 s19;
	[sflag:s31] =	ssyncadd.s32 $0xFFFFF800  }
.LBB2_5:
0x43: {  	s20 =	sadd.s32 $0x1, s21;
	p1 =	seq.s32 s21, $0x139  }
0x44: {  	s4 =	smul.u32 @!p1 $0xAAAB, s20  }
0x45: {  	s22 =	simm.s32 @!p1 $0x2  }
0x46: {  	_ =	swait.ge @!p1 [sflag:s22], $0x280;
	s4 =	sshrl.u32 @!p1 s4, $0x11  }
0x47: {  	s23 =	sand.u32 $0x1, s21;
	[sflag:s22] =	ssyncset.done @!p1 $0x0;
	s4 =	smul.u32 @!p1 $0x3, s4  }
0x48: {  	s24 =	sxor.u32 @!p1 $0x1, s23;
	[sflag:s22] =	ssyncadd.s32 @!p1 $0xFFFFFD80  }
0x49: {  	s24 =	smul.u32 @!p1 $0xA000, s24;
	_ =	swait.ge @!p1 [sflag:s22], $0x280;
	s4 =	ssub.s32 @!p1 s20, s4  }
0x4a: {  	[sflag:s22] =	ssyncset.done @!p1 $0x0;
	s4 =	smul.u32 @!p1 $0x280, s4  }
0x4b: {  	s25 =	smul.u32 $0xAAAB, s21;
	[sflag:s22] =	ssyncadd.s32 @!p1 $0xFFFFFD80;
	s22 =	sshrl.u32 @!p1 s24, $0x2  }
0x4c: {  	s26 =	simm.s32 @!p1 $0x80;
	s24 =	sadd.s32 @!p1 $0xF00, s22;
	s4 =	sand.u32 @!p1 $0xFF80, s4  }
0x4d: {  	[tilespmem:s24], [sflag:$0x1] =	stream.indirect.gather @!p1 [hbm4b:s5+s26], $0x10, s4, s26, $0xb8;
	[tilespmem:$0x1E700] =	vst v63  }
0x4e: {  	p2 =	sgt.u32 @!p1 s21, $0x137;
	s28 =	sadd.s32 @!p1 $0x1700, s22;
	s24 =	sadd.s32 $0x15556, s25  }
0x4f: {  	s29 =	sadd.s32 @!p1 $0x80, s4;
	s25 =	sshrl.u32 s25, $0x11;
	s24 =	sshrl.u32 s24, $0x11  }
0x50: {  	[tilespmem:s28], [sflag:$0x1] =	stream.indirect.gather @!p1 [hbm4b:s5+s26], $0x10, s29, s26, $0xb8;
	[tilespmem:$0x1E700] =	vst v63  }
0x51: {  	s28 =	sadd.s32 @!p1 $0x1F00, s22;
	s29 =	sadd.s32 @!p1 $0x100, s4;
	s24 =	smul.u32 $0x3, s24  }
0x52: {  	[tilespmem:s28], [sflag:$0x1] =	stream.indirect.gather @!p1 [hbm4b:s5+s26], $0x10, s29, s26, $0xb8;
	[tilespmem:$0x1E700] =	vst v63  }
0x53: {  	p2 =	por p2, p1;
	s25 =	smul.u32 $0x3, s25;
	s24 =	ssub.s32 s21, s24  }
0x54: {  	s28 =	sadd.s32 @!p1 $0x2700, s22;
	s29 =	sadd.s32 @!p1 $0x180, s4;
	s24 =	sadd.s32 $0x2, s24  }
0x55: {  	[tilespmem:s28], [sflag:$0x1] =	stream.indirect.gather @!p1 [hbm4b:s5+s26], $0x10, s29, s26, $0xb8;
	[tilespmem:$0x1E700] =	vst v63  }
0x56: {  	s22 =	sadd.s32 @!p1 $0x2F00, s22;
	s4 =	sadd.s32 @!p1 $0x200, s4;
	s24 =	smul.u32 @!p2 $0x280, s24  }
0x57: {  	[tilespmem:s22], [sflag:$0x1] =	stream.indirect.gather @!p1 [hbm4b:s5+s26], $0x10, s4, s26, $0xb8;
	[tilespmem:$0x1E700] =	vst v63  }
0x58: {  	s4 =	ssub.s32 s21, s25;
	s26 =	smul.u32 $0xA000, s23  }
0x59: {  	s22 =	sand.u32 @!p2 $0xFF80, s24;
	s24 =	simm.s32 @!p2 $0x0;
	s4 =	smul.u32 $0x280, s4  }
0x5a: {  	[tilespmem:s22], [sflag:$0x2] =	stream.linear.gather @!p2 [hbm4b:s15+s24], $0x280, $0x38;
	[tilespmem:$0x1E700] =	vst v63  }
0x5b: {  	s22 =	sadd.s32 @!p2 $0x780, s22;
	s21 =	sshrl.u32 s26, $0x2;
	s4 =	sand.u32 $0xFF80, s4  }
0x5c: {  	[tilespmem:s22], [sflag:$0x2] =	stream.linear.gather @!p2 [hbm4b:s14+s24], $0x280, $0x38;
	[tilespmem:$0x1E700] =	vst v63  }
0x5d: {  	s28 =	sadd.s32 $0xF00, s21;
	s29 =	sadd.s32 $0x780, s4  }
0x5e: {  	[spmem:s2] =	stream.indirect.scatter.add.f32 [tilespmem:s28], [sflag:$0x3], $0x10, s29, s18, $0xb8;
	[tilespmem:$0x1E700] =	vst v63  }
0x5f: {  	_ =	swait.ge [sflag:s30], $0x800  }
0x60: {  	[sflag:s30] =	ssyncset.done $0x0  }
0x61: {  	s23 =	sadd.s32 $0x1700, s21;
	s24 =	sadd.s32 $0x800, s4;
	[sflag:s30] =	ssyncadd.s32 $0xFFFFF800  }
0x62: {  	[spmem:s2] =	stream.indirect.scatter.add.f32 [tilespmem:s23], [sflag:$0x3], $0x10, s24, s18, $0xb8;
	[tilespmem:$0x1E700] =	vst v63  }
0x63: {  	_ =	swait.ge [sflag:s30], $0x800  }
0x64: {  	[sflag:s30] =	ssyncset.done $0x0  }
0x65: {  	s25 =	sadd.s32 $0x1F00, s21;
	s26 =	sadd.s32 $0x880, s4;
	[sflag:s30] =	ssyncadd.s32 $0xFFFFF800  }
0x66: {  	[spmem:s2] =	stream.indirect.scatter.add.f32 [tilespmem:s25], [sflag:$0x3], $0x10, s26, s18, $0xb8;
	[tilespmem:$0x1E700] =	vst v63  }
0x67: {  	_ =	swait.ge [sflag:s30], $0x800  }
0x68: {  	[sflag:s30] =	ssyncset.done $0x0  }
0x69: {  	s28 =	sadd.s32 $0x2700, s21;
	s29 =	sadd.s32 $0x900, s4;
	[sflag:s30] =	ssyncadd.s32 $0xFFFFF800  }
0x6a: {  	[spmem:s2] =	stream.indirect.scatter.add.f32 [tilespmem:s28], [sflag:$0x3], $0x10, s29, s18, $0xb8;
	[tilespmem:$0x1E700] =	vst v63  }
0x6b: {  	_ =	swait.ge [sflag:s30], $0x800  }
0x6c: {  	[sflag:s30] =	ssyncset.done $0x0  }
0x6d: {  	s21 =	sadd.s32 $0x2F00, s21;
	s4 =	sadd.s32 $0x980, s4;
	[sflag:s30] =	ssyncadd.s32 $0xFFFFF800  }
0x6e: {  	[spmem:s2] =	stream.indirect.scatter.add.f32 [tilespmem:s21], [sflag:$0x3], $0x10, s4, s18, $0xb8;
	[tilespmem:$0x1E700] =	vst v63  }
0x6f: {  	_ =	swait.ge [sflag:s30], $0x800  }
0x70: {  	[sflag:s30] =	ssyncset.done $0x0  }
0x71: {  	s4 =	simm.s32 @!p1 $0x1;
	[sflag:s30] =	ssyncadd.s32 $0xFFFFF800  }
0x72: {  	_ =	swait.ge @!p1 [sflag:s4], $0x800  }
0x73: {  	[sflag:s4] =	ssyncset.done @!p1 $0x0  }
0x74: {  	[sflag:s4] =	ssyncadd.s32 @!p1 $0xFFFFF800  }
0x75: {  	_ =	swait.ge @!p1 [sflag:s4], $0x800  }
0x76: {  	[sflag:s4] =	ssyncset.done @!p1 $0x0  }
0x77: {  	[sflag:s4] =	ssyncadd.s32 @!p1 $0xFFFFF800  }
0x78: {  	_ =	swait.ge @!p1 [sflag:s4], $0x800  }
0x79: {  	[sflag:s4] =	ssyncset.done @!p1 $0x0  }
0x7a: {  	p2 =	sne.s32 @!p1 s20, $0x13A;
	[sflag:s4] =	ssyncadd.s32 @!p1 $0xFFFFF800  }
0x7b: {  	p2 =	por p1, !p2;
	_ =	swait.ge @!p1 [sflag:s4], $0x800  }
.Ltmp3:
0x7c: {  	[sflag:s4] =	ssyncset.done @!p1 $0x0;
	(pc) =	sbr.rel @!p2 .LBB2_5-.Ltmp3, $4  }
0x7d: {  	[sflag:s4] =	ssyncadd.s32 @!p1 $0xFFFFF800  }
0x7e: {  	_ =	swait.ge @!p1 [sflag:s4], $0x800  }
0x7f: {  	s15 =	sadd.s32 @!p1 $0x50, s15;
	[sflag:s4] =	ssyncset.done @!p1 $0x0  }
0x80: {  	s14 =	sadd.s32 @!p1 $0x50, s14;
	s21 =	smov.u32 s20;
	[sflag:s4] =	ssyncadd.s32 @!p1 $0xFFFFF800  }
.Ltmp4:
0x81: {  	_ = 	snop;
	(pc) =	sbr.rel .LBB2_6-.Ltmp4, $1  }
0x82: {  	_ =	sdelay $0x3  }
.LBB2_2:
0x83: {  	s20 =	simm.s32 $0x0;
	s4 =	simm.s32 $0xF00  }
0x84: {  	[tilespmem:s4], [sflag:$0x1] =	stream.indirect.gather [hbm4b:s1+s18], $0x10, s20, s18, $0xb8;
	[tilespmem:$0x1E700] =	vst v63  }
0x85: {  	s15 =	simm.s32 $0x1700  }
0x86: {  	[tilespmem:s15], [sflag:$0x1] =	stream.indirect.gather [hbm4b:s1+s18], $0x10, s18, s18, $0xb8;
	[tilespmem:$0x1E700] =	vst v63  }
0x87: {  	s21 =	simm.s32 $0x100;
	s14 =	simm.s32 $0x1F00  }
0x88: {  	[tilespmem:s14], [sflag:$0x1] =	stream.indirect.gather [hbm4b:s1+s18], $0x10, s21, s18, $0xb8;
	[tilespmem:$0x1E700] =	vst v63  }
0x89: {  	s22 =	simm.s32 $0x180;
	s23 =	simm.s32 $0x2700  }
0x8a: {  	[tilespmem:s23], [sflag:$0x1] =	stream.indirect.gather [hbm4b:s1+s18], $0x10, s22, s18, $0xb8;
	[tilespmem:$0x1E700] =	vst v63  }
0x8b: {  	s24 =	simm.s32 $0x200;
	s25 =	simm.s32 $0x2F00  }
0x8c: {  	[tilespmem:s25], [sflag:$0x1] =	stream.indirect.gather [hbm4b:s1+s18], $0x10, s24, s18, $0xb8;
	[tilespmem:$0x1E700] =	vst v63  }
0x8d: {  	s26 =	simm.s32 $0x280;
	s29 =	sshll.u32 s3, $0x6  }
0x8e: {  	[tilespmem:s26], [sflag:$0x2] =	stream.linear.gather [hbm4b:s9+s20], $0x280, $0x38;
	[tilespmem:$0x1E700] =	vst v63  }
0x8f: {  	s28 =	simm.s32 $0xA00;
	s15 =	sshrl.u32 s11, $0x3;
	s14 =	sor.u32 $0x1C03, s29  }
0x90: {  	[tilespmem:s28], [sflag:$0x2] =	stream.linear.gather [hbm4b:s10+s20], $0x280, $0x38;
	[tilespmem:$0x1E700] =	vst v63  }
0x91: {  	[spmem:s15], [sflag:s14] =	dma.local [hbm:s6], $0x3100  }
0x92: {  	_ =	swait.ge [sflag:s30], $0x3100  }
0x93: {  	[sflag:s30] =	ssyncset.done $0x0  }
0x94: {  	[sflag:s30] =	ssyncadd.s32 $0xFFFFCF00  }
0x95: {  	[bflag:$0x0] =	sbarrier.arrive $0xFFFF  }
0x96: {  	_ =	swait.ge [sflag:s31], $0x800  }
0x97: {  	[sflag:s31] =	ssyncset.done $0x0  }
0x98: {  	[sflag:s31] =	ssyncadd.s32 $0xFFFFF800  }
0x99: {  	_ =	swait.ge [sflag:s31], $0x800  }
0x9a: {  	[sflag:s31] =	ssyncset.done $0x0  }
0x9b: {  	[sflag:s31] =	ssyncadd.s32 $0xFFFFF800  }
0x9c: {  	_ =	swait.ge [sflag:s31], $0x800  }
0x9d: {  	[sflag:s31] =	ssyncset.done $0x0  }
0x9e: {  	[sflag:s31] =	ssyncadd.s32 $0xFFFFF800  }
0x9f: {  	_ =	swait.ge [sflag:s31], $0x800  }
0xa0: {  	[sflag:s31] =	ssyncset.done $0x0  }
0xa1: {  	[sflag:s31] =	ssyncadd.s32 $0xFFFFF800  }
0xa2: {  	_ =	swait.ge [sflag:s31], $0x800  }
0xa3: {  	[sflag:s31] =	ssyncset.done $0x0  }
0xa4: {  	s15 =	smov.u32 s17;
	s14 =	smov.u32 s19;
	[sflag:s31] =	ssyncadd.s32 $0xFFFFF800  }
.LBB2_3:
0xa5: {  	s21 =	sadd.s32 $0x1, s20;
	p1 =	seq.s32 s20, $0x139  }
0xa6: {  	s22 =	smul.u32 @!p1 $0xAAAB, s21  }
0xa7: {  	s23 =	simm.s32 @!p1 $0x2  }
0xa8: {  	_ =	swait.ge @!p1 [sflag:s23], $0x280;
	s22 =	sshrl.u32 @!p1 s22, $0x11  }
0xa9: {  	s24 =	sand.u32 $0x1, s20;
	[sflag:s23] =	ssyncset.done @!p1 $0x0;
	s22 =	smul.u32 @!p1 $0x3, s22  }
0xaa: {  	s25 =	sxor.u32 @!p1 $0x1, s24;
	[sflag:s23] =	ssyncadd.s32 @!p1 $0xFFFFFD80  }
0xab: {  	s25 =	smul.u32 @!p1 $0xA000, s25;
	_ =	swait.ge @!p1 [sflag:s23], $0x280;
	s22 =	ssub.s32 @!p1 s21, s22  }
0xac: {  	[sflag:s23] =	ssyncset.done @!p1 $0x0;
	s22 =	smul.u32 @!p1 $0x280, s22  }
0xad: {  	s26 =	smul.u32 $0xAAAB, s20;
	[sflag:s23] =	ssyncadd.s32 @!p1 $0xFFFFFD80;
	s23 =	sshrl.u32 @!p1 s25, $0x2  }
0xae: {  	s28 =	simm.s32 @!p1 $0x80;
	s25 =	sadd.s32 @!p1 $0xF00, s23;
	s22 =	sand.u32 @!p1 $0xFF80, s22  }
0xaf: {  	[tilespmem:s25], [sflag:$0x1] =	stream.indirect.gather @!p1 [hbm4b:s1+s28], $0x10, s22, s28, $0xb8;
	[tilespmem:$0x1E700] =	vst v63  }
0xb0: {  	s29 =	sadd.s32 @!p1 $0x1700, s23;
	s25 =	sadd.s32 $0x15556, s26;
	s4 =	sadd.s32 @!p1 $0x80, s22  }
0xb1: {  	[tilespmem:s29], [sflag:$0x1] =	stream.indirect.gather @!p1 [hbm4b:s1+s28], $0x10, s4, s28, $0xb8;
	[tilespmem:$0x1E700] =	vst v63  }
0xb2: {  	p2 =	sgt.u32 @!p1 s20, $0x137;
	s4 =	sshrl.u32 s25, $0x11  }
0xb3: {  	s25 =	sadd.s32 @!p1 $0x1F00, s23;
	s29 =	sadd.s32 @!p1 $0x100, s22;
	s4 =	smul.u32 $0x3, s4  }
0xb4: {  	[tilespmem:s25], [sflag:$0x1] =	stream.indirect.gather @!p1 [hbm4b:s1+s28], $0x10, s29, s28, $0xb8;
	[tilespmem:$0x1E700] =	vst v63  }
0xb5: {  	s25 =	sadd.s32 @!p1 $0x2700, s23;
	s29 =	sadd.s32 @!p1 $0x180, s22;
	s4 =	ssub.s32 s20, s4  }
0xb6: {  	[tilespmem:s25], [sflag:$0x1] =	stream.indirect.gather @!p1 [hbm4b:s1+s28], $0x10, s29, s28, $0xb8;
	[tilespmem:$0x1E700] =	vst v63  }
0xb7: {  	p2 =	por p2, p1;
	s4 =	sadd.s32 $0x2, s4  }
0xb8: {  	s29 =	sshrl.u32 s26, $0x11;
	s4 =	smul.u32 @!p2 $0x280, s4  }
0xb9: {  	s23 =	sadd.s32 @!p1 $0x2F00, s23;
	s22 =	sadd.s32 @!p1 $0x200, s22;
	s25 =	smul.u32 $0x3, s29  }
0xba: {  	[tilespmem:s23], [sflag:$0x1] =	stream.indirect.gather @!p1 [hbm4b:s1+s28], $0x10, s22, s28, $0xb8;
	[tilespmem:$0x1E700] =	vst v63  }
0xbb: {  	s23 =	simm.s32 @!p2 $0x0  }
0xbc: {  	s28 =	smul.u32 $0xA000, s24;
	s4 =	sand.u32 @!p2 $0xFF80, s4;
	s26 =	ssub.s32 s20, s25  }
0xbd: {  	[tilespmem:s4], [sflag:$0x2] =	stream.linear.gather @!p2 [hbm4b:s15+s23], $0x280, $0x38;
	[tilespmem:$0x1E700] =	vst v63  }
0xbe: {  	s4 =	sadd.s32 @!p2 $0x780, s4;
	s20 =	smul.u32 $0x280, s26  }
0xbf: {  	[tilespmem:s4], [sflag:$0x2] =	stream.linear.gather @!p2 [hbm4b:s14+s23], $0x280, $0x38;
	[tilespmem:$0x1E700] =	vst v63  }
0xc0: {  	s4 =	sshrl.u32 s28, $0x2;
	s20 =	sand.u32 $0xFF80, s20  }
0xc1: {  	s22 =	sadd.s32 $0xF00, s4;
	s29 =	sadd.s32 $0x780, s20  }
0xc2: {  	[spmem:s2] =	stream.indirect.scatter.add.f32 [tilespmem:s22], [sflag:$0x3], $0x10, s29, s18, $0xb8;
	[tilespmem:$0x1E700] =	vst v63  }
0xc3: {  	_ =	swait.ge [sflag:s30], $0x800  }
0xc4: {  	[sflag:s30] =	ssyncset.done $0x0  }
0xc5: {  	s23 =	sadd.s32 $0x1700, s4;
	s24 =	sadd.s32 $0x800, s20;
	[sflag:s30] =	ssyncadd.s32 $0xFFFFF800  }
0xc6: {  	[spmem:s2] =	stream.indirect.scatter.add.f32 [tilespmem:s23], [sflag:$0x3], $0x10, s24, s18, $0xb8;
	[tilespmem:$0x1E700] =	vst v63  }
0xc7: {  	_ =	swait.ge [sflag:s30], $0x800  }
0xc8: {  	[sflag:s30] =	ssyncset.done $0x0  }
0xc9: {  	s25 =	sadd.s32 $0x1F00, s4;
	s26 =	sadd.s32 $0x880, s20;
	[sflag:s30] =	ssyncadd.s32 $0xFFFFF800  }
0xca: {  	[spmem:s2] =	stream.indirect.scatter.add.f32 [tilespmem:s25], [sflag:$0x3], $0x10, s26, s18, $0xb8;
	[tilespmem:$0x1E700] =	vst v63  }
0xcb: {  	_ =	swait.ge [sflag:s30], $0x800  }
0xcc: {  	[sflag:s30] =	ssyncset.done $0x0  }
0xcd: {  	s28 =	sadd.s32 $0x2700, s4;
	s29 =	sadd.s32 $0x900, s20;
	[sflag:s30] =	ssyncadd.s32 $0xFFFFF800  }
0xce: {  	[spmem:s2] =	stream.indirect.scatter.add.f32 [tilespmem:s28], [sflag:$0x3], $0x10, s29, s18, $0xb8;
	[tilespmem:$0x1E700] =	vst v63  }
0xcf: {  	_ =	swait.ge [sflag:s30], $0x800  }
0xd0: {  	[sflag:s30] =	ssyncset.done $0x0  }
0xd1: {  	s4 =	sadd.s32 $0x2F00, s4;
	s20 =	sadd.s32 $0x980, s20;
	[sflag:s30] =	ssyncadd.s32 $0xFFFFF800  }
0xd2: {  	[spmem:s2] =	stream.indirect.scatter.add.f32 [tilespmem:s4], [sflag:$0x3], $0x10, s20, s18, $0xb8;
	[tilespmem:$0x1E700] =	vst v63  }
0xd3: {  	_ =	swait.ge [sflag:s30], $0x800  }
0xd4: {  	[sflag:s30] =	ssyncset.done $0x0  }
0xd5: {  	s4 =	simm.s32 @!p1 $0x1;
	[sflag:s30] =	ssyncadd.s32 $0xFFFFF800  }
0xd6: {  	_ =	swait.ge @!p1 [sflag:s4], $0x800  }
0xd7: {  	[sflag:s4] =	ssyncset.done @!p1 $0x0  }
0xd8: {  	[sflag:s4] =	ssyncadd.s32 @!p1 $0xFFFFF800  }
0xd9: {  	_ =	swait.ge @!p1 [sflag:s4], $0x800  }
0xda: {  	[sflag:s4] =	ssyncset.done @!p1 $0x0  }
0xdb: {  	[sflag:s4] =	ssyncadd.s32 @!p1 $0xFFFFF800  }
0xdc: {  	_ =	swait.ge @!p1 [sflag:s4], $0x800  }
0xdd: {  	[sflag:s4] =	ssyncset.done @!p1 $0x0  }
0xde: {  	p2 =	seq.s32 @!p1 s21, $0x13A;
	[sflag:s4] =	ssyncadd.s32 @!p1 $0xFFFFF800  }
0xdf: {  	p2 =	por p1, p2;
	_ =	swait.ge @!p1 [sflag:s4], $0x800  }
.Ltmp5:
0xe0: {  	[sflag:s4] =	ssyncset.done @!p1 $0x0;
	(pc) =	sbr.rel @!p2 .LBB2_3-.Ltmp5, $4  }
0xe1: {  	[sflag:s4] =	ssyncadd.s32 @!p1 $0xFFFFF800  }
0xe2: {  	_ =	swait.ge @!p1 [sflag:s4], $0x800  }
0xe3: {  	s15 =	sadd.s32 @!p1 $0x50, s15;
	[sflag:s4] =	ssyncset.done @!p1 $0x0  }
0xe4: {  	s14 =	sadd.s32 @!p1 $0x50, s14;
	s20 =	smov.u32 s21;
	[sflag:s4] =	ssyncadd.s32 @!p1 $0xFFFFF800  }
.Ltmp6:
0xe5: {  	_ = 	snop;
	(pc) =	sbr.rel .LBB2_6-.Ltmp6, $1  }
0xe6: {  	_ =	sdelay $0x3  }
.LBB2_7:
0xe7: {  	_ =	sfence.sel $0x180000  }
0xe8: {  	[bflag:$0x0] =	sbarrier.arrive $0xFFFF  }
0xe9: {  	_ =	strace $0x90000047  }
0xea: {  	[bflag:$0x2] =	sbarrier.arrive $0xFFFF  }
0xeb: {  	p0 =	sne.s32 s3, $0x0;
	s0 =	rddreg [dreg:$0x3]  }
0xec: {  	s0 =	sadd.s32 @!p0 $0x100000, s0  }
0xed: {  	[sflag:s0] =	ssyncadd.tile.s32 @!p0 $0x1;
	_ =	shalt  }
.Lfunc_end2:
_tile_overlayer_lowered:
.L_overlay_start_2:
0xee: {  	(tag) =	ssettag $0x2  }
0xef: {  	s0 =	rddreg [dreg:$0x0];
	s2 =	stileid.u32  }
0xf0: {  	s1 =	rddreg [dreg:$0x1];
	p0 =	sne.s32 s2, $0x0  }
0xf1: {  	s3 =	rddreg [dreg:$0x2];
	[bflag:$0x3] =	sbarrier.arrive $0xFFFF;
	s2 =	simm.s32 @!p0 $0x1C03  }
0xf2: {  	[timem:s3], [sflag:s2] =	dma.local @!p0 [hbm:s0], s1  }
0xf3: {  	s0 =	simm.s32 @!p0 $0x3  }
0xf4: {  	_ =	swait.ge @!p0 [sflag:s0], s1  }
0xf5: {  	s1 =	ssub.s32 @!p0 $0x0, s1;
	[sflag:s0] =	ssyncset.done @!p0 $0x0  }
0xf6: {  	[sflag:s0] =	ssyncadd.s32 @!p0 s1  }
0xf7: {  	[bflag:$0x3] =	sbarrier.arrive $0xFFFF  }
0xf8: {  	_ =	shalt  }

</sc_bundles>
